<compile_context>
chip_gen: v7x
topology: tpu7x:2x2x1
jax: 0.10.2.dev20260603
libtpu: 0.0.44.dev20260713+nightly
codegen_flags: <defaults>
</compile_context>

<pallas_src>
import functools

import jax
import jax.numpy as jnp
from jax import lax
from jax.experimental import pallas as pl
from jax.experimental.pallas import tpu as pltpu
from jax.experimental.pallas import tpu_sc as plsc

NUM_ROWS = 100000
DIM = 64
XROWS = 4096
XCOLS = 50
NC = 2
NS = 16
NW = NC * NS
RPW = XROWS // NW
G = 8
NG = RPW // G

_mesh = plsc.VectorSubcoreMesh(core_axis_name="c", subcore_axis_name="s")


@functools.partial(
    pl.kernel,
    mesh=_mesh,
    compiler_params=pltpu.CompilerParams(use_tc_tiling_on_sc=False),
    out_type=jax.ShapeDtypeStruct((XROWS, 56, 128), jnp.float32),
    scratch_types=(
        [pltpu.VMEM((RPW, XCOLS), jnp.int32)]
        + [pltpu.VMEM((2, G, XCOLS, DIM), jnp.float32)]
        + [pltpu.SemaphoreType.DMA] * 4
    ),
)
def _embed_gather(x_hbm, table_hbm, out_hbm, idx_v, rows_v, g0, g1, o0, o1):
    gsem = (g0, g1)
    osem = (o0, o1)
    wid = lax.axis_index("s") * NC + lax.axis_index("c")
    base = wid * RPW
    pltpu.sync_copy(x_hbm.at[pl.ds(base, RPW)], idx_v)

    def fire_group(g, p):
        for k in range(G):
            pltpu.make_async_copy(
                table_hbm.at[idx_v.at[g * G + k]], rows_v.at[p].at[k],
                gsem[p]).start()

    def wait_group(p):
        for k in range(G):
            pltpu.make_async_copy(
                table_hbm.at[idx_v.at[0]], rows_v.at[p].at[k],
                gsem[p]).wait()

    def write(g, p):
        return pltpu.make_async_copy(
            rows_v.at[p],
            out_hbm.at[pl.ds(base + g * G, G), pl.ds(0, XCOLS), pl.ds(0, DIM)],
            osem[p])

    fire_group(0, 0)
    fire_group(1, 1)
    wait_group(0)
    write(0, 0).start()

    def substep(g, p):
        q = 1 - p
        write(g - 1, q).wait()
        fire_group(g + 1, q)
        wait_group(p)
        write(g, p).start()

    def body(i, carry):
        substep(2 * i + 1, 1)
        substep(2 * i + 2, 0)
        return carry

    lax.fori_loop(0, (NG - 2) // 2, body, 0)

    write(NG - 2, 0).wait()
    wait_group(1)
    write(NG - 1, 1).start()
    write(NG - 1, 1).wait()


def kernel(x, table):
    if x.dtype != jnp.int32:
        x = x.astype(jnp.int32)
    return _embed_gather(x, table)[:, :XCOLS, :DIM]

# --- scband reference (transcript-rebuilt; emitter-appended) ---
"""Pipeline reference for scband-learnable-embedding-19086834663658 (READ-ONLY COPY).

The authoritative reference and input builder live on the scoring server;
editing this copy changes nothing except your own understanding.
"""

import jax, jax.numpy as jnp
import numpy as np

NUM_EMBEDDINGS = 100000
EMBEDDING_DIM = 64

def setup_inputs(seed: int = 0) -> dict:
    key = jax.random.key(seed)
    k_idx, k_tab = jax.random.split(key)
    x = jax.random.randint(k_idx, (4096, 50), 0, NUM_EMBEDDINGS, dtype=jnp.int64 if jax.config.jax_enable_x64 else jnp.int32)
    table = jax.random.normal(k_tab, (NUM_EMBEDDINGS, EMBEDDING_DIM), dtype=jnp.float32)
    return {"x": x, "table": table}

def reference(x, table):
    # nn.Embedding forward: gather rows of the embedding table by index
    return jnp.take(table, x, axis=0)

if __name__ == "__main__":
    import jax
    _d = setup_inputs()
    print(jax.jit(kernel)(*tuple(_d.values())))

</pallas_src>

<mosaic_0001>
#map = affine_map<(d0, d1) -> (0, 0)>
#map1 = affine_map<(d0, d1) -> (0, 0, 0)>
module attributes {stable_mosaic.version = 14 : i64} {
  func.func @_embed_gather(%arg0: i32, %arg1: i32, %arg2: memref<4096x50xi32, #tpu.memory_space<hbm>>, %arg3: memref<100000x64xf32, #tpu.memory_space<hbm>>, %arg4: memref<4096x56x128xf32, #tpu.memory_space<hbm>>, %arg5: memref<128x50xi32, #tpu.memory_space<vmem>>, %arg6: memref<2x8x50x64xf32, #tpu.memory_space<vmem>>, %arg7: memref<!tpu.dma_semaphore, #tpu.memory_space<semaphore_mem>>, %arg8: memref<!tpu.dma_semaphore, #tpu.memory_space<semaphore_mem>>, %arg9: memref<!tpu.dma_semaphore, #tpu.memory_space<semaphore_mem>>, %arg10: memref<!tpu.dma_semaphore, #tpu.memory_space<semaphore_mem>>) attributes {dimension_semantics = [#tpu.dimension_semantics<core_parallel>, #tpu.dimension_semantics<subcore_parallel>], iteration_bounds = array<i64: 2, 16>, scalar_prefetch = 0 : i64, scratch_operands = 6 : i64, tpu.core_type = #tpu.core_type<sc_vector_subcore>, window_params = [{transform_indices = #map}, {transform_indices = #map}, {transform_indices = #map1}]} {
    %mul3A = arith.constant 2 : i32
    %mul3A_0 = arith.muli %arg1, %mul3A : i32
    %add3A = arith.addi %mul3A_0, %arg0 : i32
    %mul3A_1 = arith.constant 128 : i32
    %mul3A_2 = arith.muli %add3A, %mul3A_1 : i32
    "tpu.region"() ({
      %run_scoped3A = tpu.sem_alloc : memref<!tpu.dma_semaphore, #tpu.memory_space<semaphore_mem>>
      %dma_start3A_658 = arith.constant 0 : i32
      %dma_start3A_659 = tpu.memref_slice %arg2[%mul3A_2, %dma_start3A_658] : memref<4096x50xi32, #tpu.memory_space<hbm>> -> memref<128x50xi32, #tpu.memory_space<hbm>>
      %dma_start3A_660 = arith.constant 0 : i32
      %dma_start3A_661 = tpu.memref_slice %arg2[%mul3A_2, %dma_start3A_660] : memref<4096x50xi32, #tpu.memory_space<hbm>> -> memref<128x50xi32, #tpu.memory_space<hbm>>
      tpu.enqueue_dma source(%dma_start3A_661 : memref<128x50xi32, #tpu.memory_space<hbm>>) target(%arg5 : memref<128x50xi32, #tpu.memory_space<vmem>>) target_semaphore(%run_scoped3A : memref<!tpu.dma_semaphore, #tpu.memory_space<semaphore_mem>>)
      %dma_wait3A_662 = arith.constant 0 : i32
      %dma_wait3A_663 = tpu.memref_slice %arg2[%mul3A_2, %dma_wait3A_662] : memref<4096x50xi32, #tpu.memory_space<hbm>> -> memref<128x50xi32, #tpu.memory_space<hbm>>
      %dma_wait3A_664 = arith.constant 0 : i32
      %dma_wait3A_665 = tpu.memref_slice %arg2[%mul3A_2, %dma_wait3A_664] : memref<4096x50xi32, #tpu.memory_space<hbm>> -> memref<128x50xi32, #tpu.memory_space<hbm>>
      tpu.wait_dma2 semaphore(%run_scoped3A : memref<!tpu.dma_semaphore, #tpu.memory_space<semaphore_mem>>) src(%dma_wait3A_665 : memref<128x50xi32, #tpu.memory_space<hbm>>) dst(%arg5 : memref<128x50xi32, #tpu.memory_space<vmem>>)
      tpu.yield
    }) : () -> ()
    %dma_start3A = arith.constant 0 : i32
    %dma_start3A_3 = arith.constant 0 : i32
    %dma_start3A_4 = arith.constant 0 : i32
    %dma_start3A_5 = arith.constant 0 : i32
    %dma_start3A_6 = arith.constant 0 : i32
    %dma_start3A_7 = arith.constant 0 : i32
    %dma_start3A_8 = tpu.memref_slice %arg6[%dma_start3A_3, %dma_start3A_5, %dma_start3A_6, %dma_start3A_7] : memref<2x8x50x64xf32, #tpu.memory_space<vmem>> -> memref<1x8x50x64xf32, #tpu.memory_space<vmem>>
    %dma_start3A_9 = tpu.memref_squeeze %dma_start3A_8 : memref<1x8x50x64xf32, #tpu.memory_space<vmem>> -> memref<8x50x64xf32, #tpu.memory_space<vmem>>
    %dma_start3A_10 = arith.constant 0 : i32
    %dma_start3A_11 = arith.constant 0 : i32
    %dma_start3A_12 = tpu.memref_slice %dma_start3A_9[%dma_start3A_4, %dma_start3A_10, %dma_start3A_11] : memref<8x50x64xf32, #tpu.memory_space<vmem>> -> memref<1x50x64xf32, #tpu.memory_space<vmem>>
    %dma_start3A_13 = tpu.memref_squeeze %dma_start3A_12 : memref<1x50x64xf32, #tpu.memory_space<vmem>> -> memref<50x64xf32, #tpu.memory_space<vmem>>
    %dma_start3A_14 = arith.constant 0 : i32
    %dma_start3A_15 = tpu.memref_slice %arg5[%dma_start3A, %dma_start3A_14] : memref<128x50xi32, #tpu.memory_space<vmem>> -> memref<1x50xi32, #tpu.memory_space<vmem>>
    %dma_start3A_16 = tpu.memref_squeeze %dma_start3A_15 : memref<1x50xi32, #tpu.memory_space<vmem>> -> memref<50xi32, #tpu.memory_space<vmem>>
    %dma_start3A_17 = arith.constant 0 : i32
    %dma_start3A_18 = arith.constant 0 : i32
    %dma_start3A_19 = tpu.memref_slice %arg3[%dma_start3A_17, %dma_start3A_18] : memref<100000x64xf32, #tpu.memory_space<hbm>> -> memref<100000x64xf32, #tpu.memory_space<hbm>>
    tpu.enqueue_indirect_dma source(%dma_start3A_19 : memref<100000x64xf32, #tpu.memory_space<hbm>>) target(%dma_start3A_13 : memref<50x64xf32, #tpu.memory_space<vmem>>) offsets(%dma_start3A_16 : memref<50xi32, #tpu.memory_space<vmem>>) semaphore(%arg7 : memref<!tpu.dma_semaphore, #tpu.memory_space<semaphore_mem>>)
    %dma_start3A_20 = arith.constant 1 : i32
    %dma_start3A_21 = arith.constant 0 : i32
    %dma_start3A_22 = arith.constant 1 : i32
    %dma_start3A_23 = arith.constant 0 : i32
    %dma_start3A_24 = arith.constant 0 : i32
    %dma_start3A_25 = arith.constant 0 : i32
    %dma_start3A_26 = tpu.memref_slice %arg6[%dma_start3A_21, %dma_start3A_23, %dma_start3A_24, %dma_start3A_25] : memref<2x8x50x64xf32, #tpu.memory_space<vmem>> -> memref<1x8x50x64xf32, #tpu.memory_space<vmem>>
    %dma_start3A_27 = tpu.memref_squeeze %dma_start3A_26 : memref<1x8x50x64xf32, #tpu.memory_space<vmem>> -> memref<8x50x64xf32, #tpu.memory_space<vmem>>
    %dma_start3A_28 = arith.constant 0 : i32
    %dma_start3A_29 = arith.constant 0 : i32
    %dma_start3A_30 = tpu.memref_slice %dma_start3A_27[%dma_start3A_22, %dma_start3A_28, %dma_start3A_29] : memref<8x50x64xf32, #tpu.memory_space<vmem>> -> memref<1x50x64xf32, #tpu.memory_space<vmem>>
    %dma_start3A_31 = tpu.memref_squeeze %dma_start3A_30 : memref<1x50x64xf32, #tpu.memory_space<vmem>> -> memref<50x64xf32, #tpu.memory_space<vmem>>
    %dma_start3A_32 = arith.constant 0 : i32
    %dma_start3A_33 = tpu.memref_slice %arg5[%dma_start3A_20, %dma_start3A_32] : memref<128x50xi32, #tpu.memory_space<vmem>> -> memref<1x50xi32, #tpu.memory_space<vmem>>
    %dma_start3A_34 = tpu.memref_squeeze %dma_start3A_33 : memref<1x50xi32, #tpu.memory_space<vmem>> -> memref<50xi32, #tpu.memory_space<vmem>>
    %dma_start3A_35 = arith.constant 0 : i32
    %dma_start3A_36 = arith.constant 0 : i32
    %dma_start3A_37 = tpu.memref_slice %arg3[%dma_start3A_35, %dma_start3A_36] : memref<100000x64xf32, #tpu.memory_space<hbm>> -> memref<100000x64xf32, #tpu.memory_space<hbm>>
    tpu.enqueue_indirect_dma source(%dma_start3A_37 : memref<100000x64xf32, #tpu.memory_space<hbm>>) target(%dma_start3A_31 : memref<50x64xf32, #tpu.memory_space<vmem>>) offsets(%dma_start3A_34 : memref<50xi32, #tpu.memory_space<vmem>>) semaphore(%arg7 : memref<!tpu.dma_semaphore, #tpu.memory_space<semaphore_mem>>)
    %dma_start3A_38 = arith.constant 2 : i32
    %dma_start3A_39 = arith.constant 0 : i32
    %dma_start3A_40 = arith.constant 2 : i32
    %dma_start3A_41 = arith.constant 0 : i32
    %dma_start3A_42 = arith.constant 0 : i32
    %dma_start3A_43 = arith.constant 0 : i32
    %dma_start3A_44 = tpu.memref_slice %arg6[%dma_start3A_39, %dma_start3A_41, %dma_start3A_42, %dma_start3A_43] : memref<2x8x50x64xf32, #tpu.memory_space<vmem>> -> memref<1x8x50x64xf32, #tpu.memory_space<vmem>>
    %dma_start3A_45 = tpu.memref_squeeze %dma_start3A_44 : memref<1x8x50x64xf32, #tpu.memory_space<vmem>> -> memref<8x50x64xf32, #tpu.memory_space<vmem>>
    %dma_start3A_46 = arith.constant 0 : i32
    %dma_start3A_47 = arith.constant 0 : i32
    %dma_start3A_48 = tpu.memref_slice %dma_start3A_45[%dma_start3A_40, %dma_start3A_46, %dma_start3A_47] : memref<8x50x64xf32, #tpu.memory_space<vmem>> -> memref<1x50x64xf32, #tpu.memory_space<vmem>>
    %dma_start3A_49 = tpu.memref_squeeze %dma_start3A_48 : memref<1x50x64xf32, #tpu.memory_space<vmem>> -> memref<50x64xf32, #tpu.memory_space<vmem>>
    %dma_start3A_50 = arith.constant 0 : i32
    %dma_start3A_51 = tpu.memref_slice %arg5[%dma_start3A_38, %dma_start3A_50] : memref<128x50xi32, #tpu.memory_space<vmem>> -> memref<1x50xi32, #tpu.memory_space<vmem>>
    %dma_start3A_52 = tpu.memref_squeeze %dma_start3A_51 : memref<1x50xi32, #tpu.memory_space<vmem>> -> memref<50xi32, #tpu.memory_space<vmem>>
    %dma_start3A_53 = arith.constant 0 : i32
    %dma_start3A_54 = arith.constant 0 : i32
    %dma_start3A_55 = tpu.memref_slice %arg3[%dma_start3A_53, %dma_start3A_54] : memref<100000x64xf32, #tpu.memory_space<hbm>> -> memref<100000x64xf32, #tpu.memory_space<hbm>>
    tpu.enqueue_indirect_dma source(%dma_start3A_55 : memref<100000x64xf32, #tpu.memory_space<hbm>>) target(%dma_start3A_49 : memref<50x64xf32, #tpu.memory_space<vmem>>) offsets(%dma_start3A_52 : memref<50xi32, #tpu.memory_space<vmem>>) semaphore(%arg7 : memref<!tpu.dma_semaphore, #tpu.memory_space<semaphore_mem>>)
    %dma_start3A_56 = arith.constant 3 : i32
    %dma_start3A_57 = arith.constant 0 : i32
    %dma_start3A_58 = arith.constant 3 : i32
    %dma_start3A_59 = arith.constant 0 : i32
    %dma_start3A_60 = arith.constant 0 : i32
    %dma_start3A_61 = arith.constant 0 : i32
    %dma_start3A_62 = tpu.memref_slice %arg6[%dma_start3A_57, %dma_start3A_59, %dma_start3A_60, %dma_start3A_61] : memref<2x8x50x64xf32, #tpu.memory_space<vmem>> -> memref<1x8x50x64xf32, #tpu.memory_space<vmem>>
    %dma_start3A_63 = tpu.memref_squeeze %dma_start3A_62 : memref<1x8x50x64xf32, #tpu.memory_space<vmem>> -> memref<8x50x64xf32, #tpu.memory_space<vmem>>
    %dma_start3A_64 = arith.constant 0 : i32
    %dma_start3A_65 = arith.constant 0 : i32
    %dma_start3A_66 = tpu.memref_slice %dma_start3A_63[%dma_start3A_58, %dma_start3A_64, %dma_start3A_65] : memref<8x50x64xf32, #tpu.memory_space<vmem>> -> memref<1x50x64xf32, #tpu.memory_space<vmem>>
    %dma_start3A_67 = tpu.memref_squeeze %dma_start3A_66 : memref<1x50x64xf32, #tpu.memory_space<vmem>> -> memref<50x64xf32, #tpu.memory_space<vmem>>
    %dma_start3A_68 = arith.constant 0 : i32
    %dma_start3A_69 = tpu.memref_slice %arg5[%dma_start3A_56, %dma_start3A_68] : memref<128x50xi32, #tpu.memory_space<vmem>> -> memref<1x50xi32, #tpu.memory_space<vmem>>
    %dma_start3A_70 = tpu.memref_squeeze %dma_start3A_69 : memref<1x50xi32, #tpu.memory_space<vmem>> -> memref<50xi32, #tpu.memory_space<vmem>>
    %dma_start3A_71 = arith.constant 0 : i32
    %dma_start3A_72 = arith.constant 0 : i32
    %dma_start3A_73 = tpu.memref_slice %arg3[%dma_start3A_71, %dma_start3A_72] : memref<100000x64xf32, #tpu.memory_space<hbm>> -> memref<100000x64xf32, #tpu.memory_space<hbm>>
    tpu.enqueue_indirect_dma source(%dma_start3A_73 : memref<100000x64xf32, #tpu.memory_space<hbm>>) target(%dma_start3A_67 : memref<50x64xf32, #tpu.memory_space<vmem>>) offsets(%dma_start3A_70 : memref<50xi32, #tpu.memory_space<vmem>>) semaphore(%arg7 : memref<!tpu.dma_semaphore, #tpu.memory_space<semaphore_mem>>)
    %dma_start3A_74 = arith.constant 4 : i32
    %dma_start3A_75 = arith.constant 0 : i32
    %dma_start3A_76 = arith.constant 4 : i32
    %dma_start3A_77 = arith.constant 0 : i32
    %dma_start3A_78 = arith.constant 0 : i32
    %dma_start3A_79 = arith.constant 0 : i32
    %dma_start3A_80 = tpu.memref_slice %arg6[%dma_start3A_75, %dma_start3A_77, %dma_start3A_78, %dma_start3A_79] : memref<2x8x50x64xf32, #tpu.memory_space<vmem>> -> memref<1x8x50x64xf32, #tpu.memory_space<vmem>>
    %dma_start3A_81 = tpu.memref_squeeze %dma_start3A_80 : memref<1x8x50x64xf32, #tpu.memory_space<vmem>> -> memref<8x50x64xf32, #tpu.memory_space<vmem>>
    %dma_start3A_82 = arith.constant 0 : i32
    %dma_start3A_83 = arith.constant 0 : i32
    %dma_start3A_84 = tpu.memref_slice %dma_start3A_81[%dma_start3A_76, %dma_start3A_82, %dma_start3A_83] : memref<8x50x64xf32, #tpu.memory_space<vmem>> -> memref<1x50x64xf32, #tpu.memory_space<vmem>>
    %dma_start3A_85 = tpu.memref_squeeze %dma_start3A_84 : memref<1x50x64xf32, #tpu.memory_space<vmem>> -> memref<50x64xf32, #tpu.memory_space<vmem>>
    %dma_start3A_86 = arith.constant 0 : i32
    %dma_start3A_87 = tpu.memref_slice %arg5[%dma_start3A_74, %dma_start3A_86] : memref<128x50xi32, #tpu.memory_space<vmem>> -> memref<1x50xi32, #tpu.memory_space<vmem>>
    %dma_start3A_88 = tpu.memref_squeeze %dma_start3A_87 : memref<1x50xi32, #tpu.memory_space<vmem>> -> memref<50xi32, #tpu.memory_space<vmem>>
    %dma_start3A_89 = arith.constant 0 : i32
    %dma_start3A_90 = arith.constant 0 : i32
    %dma_start3A_91 = tpu.memref_slice %arg3[%dma_start3A_89, %dma_start3A_90] : memref<100000x64xf32, #tpu.memory_space<hbm>> -> memref<100000x64xf32, #tpu.memory_space<hbm>>
    tpu.enqueue_indirect_dma source(%dma_start3A_91 : memref<100000x64xf32, #tpu.memory_space<hbm>>) target(%dma_start3A_85 : memref<50x64xf32, #tpu.memory_space<vmem>>) offsets(%dma_start3A_88 : memref<50xi32, #tpu.memory_space<vmem>>) semaphore(%arg7 : memref<!tpu.dma_semaphore, #tpu.memory_space<semaphore_mem>>)
    %dma_start3A_92 = arith.constant 5 : i32
    %dma_start3A_93 = arith.constant 0 : i32
    %dma_start3A_94 = arith.constant 5 : i32
    %dma_start3A_95 = arith.constant 0 : i32
    %dma_start3A_96 = arith.constant 0 : i32
    %dma_start3A_97 = arith.constant 0 : i32
    %dma_start3A_98 = tpu.memref_slice %arg6[%dma_start3A_93, %dma_start3A_95, %dma_start3A_96, %dma_start3A_97] : memref<2x8x50x64xf32, #tpu.memory_space<vmem>> -> memref<1x8x50x64xf32, #tpu.memory_space<vmem>>
    %dma_start3A_99 = tpu.memref_squeeze %dma_start3A_98 : memref<1x8x50x64xf32, #tpu.memory_space<vmem>> -> memref<8x50x64xf32, #tpu.memory_space<vmem>>
    %dma_start3A_100 = arith.constant 0 : i32
    %dma_start3A_101 = arith.constant 0 : i32
    %dma_start3A_102 = tpu.memref_slice %dma_start3A_99[%dma_start3A_94, %dma_start3A_100, %dma_start3A_101] : memref<8x50x64xf32, #tpu.memory_space<vmem>> -> memref<1x50x64xf32, #tpu.memory_space<vmem>>
    %dma_start3A_103 = tpu.memref_squeeze %dma_start3A_102 : memref<1x50x64xf32, #tpu.memory_space<vmem>> -> memref<50x64xf32, #tpu.memory_space<vmem>>
    %dma_start3A_104 = arith.constant 0 : i32
    %dma_start3A_105 = tpu.memref_slice %arg5[%dma_start3A_92, %dma_start3A_104] : memref<128x50xi32, #tpu.memory_space<vmem>> -> memref<1x50xi32, #tpu.memory_space<vmem>>
    %dma_start3A_106 = tpu.memref_squeeze %dma_start3A_105 : memref<1x50xi32, #tpu.memory_space<vmem>> -> memref<50xi32, #tpu.memory_space<vmem>>
    %dma_start3A_107 = arith.constant 0 : i32
    %dma_start3A_108 = arith.constant 0 : i32
    %dma_start3A_109 = tpu.memref_slice %arg3[%dma_start3A_107, %dma_start3A_108] : memref<100000x64xf32, #tpu.memory_space<hbm>> -> memref<100000x64xf32, #tpu.memory_space<hbm>>
    tpu.enqueue_indirect_dma source(%dma_start3A_109 : memref<100000x64xf32, #tpu.memory_space<hbm>>) target(%dma_start3A_103 : memref<50x64xf32, #tpu.memory_space<vmem>>) offsets(%dma_start3A_106 : memref<50xi32, #tpu.memory_space<vmem>>) semaphore(%arg7 : memref<!tpu.dma_semaphore, #tpu.memory_space<semaphore_mem>>)
    %dma_start3A_110 = arith.constant 6 : i32
    %dma_start3A_111 = arith.constant 0 : i32
    %dma_start3A_112 = arith.constant 6 : i32
    %dma_start3A_113 = arith.constant 0 : i32
    %dma_start3A_114 = arith.constant 0 : i32
    %dma_start3A_115 = arith.constant 0 : i32
    %dma_start3A_116 = tpu.memref_slice %arg6[%dma_start3A_111, %dma_start3A_113, %dma_start3A_114, %dma_start3A_115] : memref<2x8x50x64xf32, #tpu.memory_space<vmem>> -> memref<1x8x50x64xf32, #tpu.memory_space<vmem>>
    %dma_start3A_117 = tpu.memref_squeeze %dma_start3A_116 : memref<1x8x50x64xf32, #tpu.memory_space<vmem>> -> memref<8x50x64xf32, #tpu.memory_space<vmem>>
    %dma_start3A_118 = arith.constant 0 : i32
    %dma_start3A_119 = arith.constant 0 : i32
    %dma_start3A_120 = tpu.memref_slice %dma_start3A_117[%dma_start3A_112, %dma_start3A_118, %dma_start3A_119] : memref<8x50x64xf32, #tpu.memory_space<vmem>> -> memref<1x50x64xf32, #tpu.memory_space<vmem>>
    %dma_start3A_121 = tpu.memref_squeeze %dma_start3A_120 : memref<1x50x64xf32, #tpu.memory_space<vmem>> -> memref<50x64xf32, #tpu.memory_space<vmem>>
    %dma_start3A_122 = arith.constant 0 : i32
    %dma_start3A_123 = tpu.memref_slice %arg5[%dma_start3A_110, %dma_start3A_122] : memref<128x50xi32, #tpu.memory_space<vmem>> -> memref<1x50xi32, #tpu.memory_space<vmem>>
    %dma_start3A_124 = tpu.memref_squeeze %dma_start3A_123 : memref<1x50xi32, #tpu.memory_space<vmem>> -> memref<50xi32, #tpu.memory_space<vmem>>
    %dma_start3A_125 = arith.constant 0 : i32
    %dma_start3A_126 = arith.constant 0 : i32
    %dma_start3A_127 = tpu.memref_slice %arg3[%dma_start3A_125, %dma_start3A_126] : memref<100000x64xf32, #tpu.memory_space<hbm>> -> memref<100000x64xf32, #tpu.memory_space<hbm>>
    tpu.enqueue_indirect_dma source(%dma_start3A_127 : memref<100000x64xf32, #tpu.memory_space<hbm>>) target(%dma_start3A_121 : memref<50x64xf32, #tpu.memory_space<vmem>>) offsets(%dma_start3A_124 : memref<50xi32, #tpu.memory_space<vmem>>) semaphore(%arg7 : memref<!tpu.dma_semaphore, #tpu.memory_space<semaphore_mem>>)
    %dma_start3A_128 = arith.constant 7 : i32
    %dma_start3A_129 = arith.constant 0 : i32
    %dma_start3A_130 = arith.constant 7 : i32
    %dma_start3A_131 = arith.constant 0 : i32
    %dma_start3A_132 = arith.constant 0 : i32
    %dma_start3A_133 = arith.constant 0 : i32
    %dma_start3A_134 = tpu.memref_slice %arg6[%dma_start3A_129, %dma_start3A_131, %dma_start3A_132, %dma_start3A_133] : memref<2x8x50x64xf32, #tpu.memory_space<vmem>> -> memref<1x8x50x64xf32, #tpu.memory_space<vmem>>
    %dma_start3A_135 = tpu.memref_squeeze %dma_start3A_134 : memref<1x8x50x64xf32, #tpu.memory_space<vmem>> -> memref<8x50x64xf32, #tpu.memory_space<vmem>>
    %dma_start3A_136 = arith.constant 0 : i32
    %dma_start3A_137 = arith.constant 0 : i32
    %dma_start3A_138 = tpu.memref_slice %dma_start3A_135[%dma_start3A_130, %dma_start3A_136, %dma_start3A_137] : memref<8x50x64xf32, #tpu.memory_space<vmem>> -> memref<1x50x64xf32, #tpu.memory_space<vmem>>
    %dma_start3A_139 = tpu.memref_squeeze %dma_start3A_138 : memref<1x50x64xf32, #tpu.memory_space<vmem>> -> memref<50x64xf32, #tpu.memory_space<vmem>>
    %dma_start3A_140 = arith.constant 0 : i32
    %dma_start3A_141 = tpu.memref_slice %arg5[%dma_start3A_128, %dma_start3A_140] : memref<128x50xi32, #tpu.memory_space<vmem>> -> memref<1x50xi32, #tpu.memory_space<vmem>>
    %dma_start3A_142 = tpu.memref_squeeze %dma_start3A_141 : memref<1x50xi32, #tpu.memory_space<vmem>> -> memref<50xi32, #tpu.memory_space<vmem>>
    %dma_start3A_143 = arith.constant 0 : i32
    %dma_start3A_144 = arith.constant 0 : i32
    %dma_start3A_145 = tpu.memref_slice %arg3[%dma_start3A_143, %dma_start3A_144] : memref<100000x64xf32, #tpu.memory_space<hbm>> -> memref<100000x64xf32, #tpu.memory_space<hbm>>
    tpu.enqueue_indirect_dma source(%dma_start3A_145 : memref<100000x64xf32, #tpu.memory_space<hbm>>) target(%dma_start3A_139 : memref<50x64xf32, #tpu.memory_space<vmem>>) offsets(%dma_start3A_142 : memref<50xi32, #tpu.memory_space<vmem>>) semaphore(%arg7 : memref<!tpu.dma_semaphore, #tpu.memory_space<semaphore_mem>>)
    %dma_start3A_146 = arith.constant 8 : i32
    %dma_start3A_147 = arith.constant 1 : i32
    %dma_start3A_148 = arith.constant 0 : i32
    %dma_start3A_149 = arith.constant 0 : i32
    %dma_start3A_150 = arith.constant 0 : i32
    %dma_start3A_151 = arith.constant 0 : i32
    %dma_start3A_152 = tpu.memref_slice %arg6[%dma_start3A_147, %dma_start3A_149, %dma_start3A_150, %dma_start3A_151] : memref<2x8x50x64xf32, #tpu.memory_space<vmem>> -> memref<1x8x50x64xf32, #tpu.memory_space<vmem>>
    %dma_start3A_153 = tpu.memref_squeeze %dma_start3A_152 : memref<1x8x50x64xf32, #tpu.memory_space<vmem>> -> memref<8x50x64xf32, #tpu.memory_space<vmem>>
    %dma_start3A_154 = arith.constant 0 : i32
    %dma_start3A_155 = arith.constant 0 : i32
    %dma_start3A_156 = tpu.memref_slice %dma_start3A_153[%dma_start3A_148, %dma_start3A_154, %dma_start3A_155] : memref<8x50x64xf32, #tpu.memory_space<vmem>> -> memref<1x50x64xf32, #tpu.memory_space<vmem>>
    %dma_start3A_157 = tpu.memref_squeeze %dma_start3A_156 : memref<1x50x64xf32, #tpu.memory_space<vmem>> -> memref<50x64xf32, #tpu.memory_space<vmem>>
    %dma_start3A_158 = arith.constant 0 : i32
    %dma_start3A_159 = tpu.memref_slice %arg5[%dma_start3A_146, %dma_start3A_158] : memref<128x50xi32, #tpu.memory_space<vmem>> -> memref<1x50xi32, #tpu.memory_space<vmem>>
    %dma_start3A_160 = tpu.memref_squeeze %dma_start3A_159 : memref<1x50xi32, #tpu.memory_space<vmem>> -> memref<50xi32, #tpu.memory_space<vmem>>
    %dma_start3A_161 = arith.constant 0 : i32
    %dma_start3A_162 = arith.constant 0 : i32
    %dma_start3A_163 = tpu.memref_slice %arg3[%dma_start3A_161, %dma_start3A_162] : memref<100000x64xf32, #tpu.memory_space<hbm>> -> memref<100000x64xf32, #tpu.memory_space<hbm>>
    tpu.enqueue_indirect_dma source(%dma_start3A_163 : memref<100000x64xf32, #tpu.memory_space<hbm>>) target(%dma_start3A_157 : memref<50x64xf32, #tpu.memory_space<vmem>>) offsets(%dma_start3A_160 : memref<50xi32, #tpu.memory_space<vmem>>) semaphore(%arg8 : memref<!tpu.dma_semaphore, #tpu.memory_space<semaphore_mem>>)
    %dma_start3A_164 = arith.constant 9 : i32
    %dma_start3A_165 = arith.constant 1 : i32
    %dma_start3A_166 = arith.constant 1 : i32
    %dma_start3A_167 = arith.constant 0 : i32
    %dma_start3A_168 = arith.constant 0 : i32
    %dma_start3A_169 = arith.constant 0 : i32
    %dma_start3A_170 = tpu.memref_slice %arg6[%dma_start3A_165, %dma_start3A_167, %dma_start3A_168, %dma_start3A_169] : memref<2x8x50x64xf32, #tpu.memory_space<vmem>> -> memref<1x8x50x64xf32, #tpu.memory_space<vmem>>
    %dma_start3A_171 = tpu.memref_squeeze %dma_start3A_170 : memref<1x8x50x64xf32, #tpu.memory_space<vmem>> -> memref<8x50x64xf32, #tpu.memory_space<vmem>>
    %dma_start3A_172 = arith.constant 0 : i32
    %dma_start3A_173 = arith.constant 0 : i32
    %dma_start3A_174 = tpu.memref_slice %dma_start3A_171[%dma_start3A_166, %dma_start3A_172, %dma_start3A_173] : memref<8x50x64xf32, #tpu.memory_space<vmem>> -> memref<1x50x64xf32, #tpu.memory_space<vmem>>
    %dma_start3A_175 = tpu.memref_squeeze %dma_start3A_174 : memref<1x50x64xf32, #tpu.memory_space<vmem>> -> memref<50x64xf32, #tpu.memory_space<vmem>>
    %dma_start3A_176 = arith.constant 0 : i32
    %dma_start3A_177 = tpu.memref_slice %arg5[%dma_start3A_164, %dma_start3A_176] : memref<128x50xi32, #tpu.memory_space<vmem>> -> memref<1x50xi32, #tpu.memory_space<vmem>>
    %dma_start3A_178 = tpu.memref_squeeze %dma_start3A_177 : memref<1x50xi32, #tpu.memory_space<vmem>> -> memref<50xi32, #tpu.memory_space<vmem>>
    %dma_start3A_179 = arith.constant 0 : i32
    %dma_start3A_180 = arith.constant 0 : i32
    %dma_start3A_181 = tpu.memref_slice %arg3[%dma_start3A_179, %dma_start3A_180] : memref<100000x64xf32, #tpu.memory_space<hbm>> -> memref<100000x64xf32, #tpu.memory_space<hbm>>
    tpu.enqueue_indirect_dma source(%dma_start3A_181 : memref<100000x64xf32, #tpu.memory_space<hbm>>) target(%dma_start3A_175 : memref<50x64xf32, #tpu.memory_space<vmem>>) offsets(%dma_start3A_178 : memref<50xi32, #tpu.memory_space<vmem>>) semaphore(%arg8 : memref<!tpu.dma_semaphore, #tpu.memory_space<semaphore_mem>>)
    %dma_start3A_182 = arith.constant 10 : i32
    %dma_start3A_183 = arith.constant 1 : i32
    %dma_start3A_184 = arith.constant 2 : i32
    %dma_start3A_185 = arith.constant 0 : i32
    %dma_start3A_186 = arith.constant 0 : i32
    %dma_start3A_187 = arith.constant 0 : i32
    %dma_start3A_188 = tpu.memref_slice %arg6[%dma_start3A_183, %dma_start3A_185, %dma_start3A_186, %dma_start3A_187] : memref<2x8x50x64xf32, #tpu.memory_space<vmem>> -> memref<1x8x50x64xf32, #tpu.memory_space<vmem>>
    %dma_start3A_189 = tpu.memref_squeeze %dma_start3A_188 : memref<1x8x50x64xf32, #tpu.memory_space<vmem>> -> memref<8x50x64xf32, #tpu.memory_space<vmem>>
    %dma_start3A_190 = arith.constant 0 : i32
    %dma_start3A_191 = arith.constant 0 : i32
    %dma_start3A_192 = tpu.memref_slice %dma_start3A_189[%dma_start3A_184, %dma_start3A_190, %dma_start3A_191] : memref<8x50x64xf32, #tpu.memory_space<vmem>> -> memref<1x50x64xf32, #tpu.memory_space<vmem>>
    %dma_start3A_193 = tpu.memref_squeeze %dma_start3A_192 : memref<1x50x64xf32, #tpu.memory_space<vmem>> -> memref<50x64xf32, #tpu.memory_space<vmem>>
    %dma_start3A_194 = arith.constant 0 : i32
    %dma_start3A_195 = tpu.memref_slice %arg5[%dma_start3A_182, %dma_start3A_194] : memref<128x50xi32, #tpu.memory_space<vmem>> -> memref<1x50xi32, #tpu.memory_space<vmem>>
    %dma_start3A_196 = tpu.memref_squeeze %dma_start3A_195 : memref<1x50xi32, #tpu.memory_space<vmem>> -> memref<50xi32, #tpu.memory_space<vmem>>
    %dma_start3A_197 = arith.constant 0 : i32
    %dma_start3A_198 = arith.constant 0 : i32
    %dma_start3A_199 = tpu.memref_slice %arg3[%dma_start3A_197, %dma_start3A_198] : memref<100000x64xf32, #tpu.memory_space<hbm>> -> memref<100000x64xf32, #tpu.memory_space<hbm>>
    tpu.enqueue_indirect_dma source(%dma_start3A_199 : memref<100000x64xf32, #tpu.memory_space<hbm>>) target(%dma_start3A_193 : memref<50x64xf32, #tpu.memory_space<vmem>>) offsets(%dma_start3A_196 : memref<50xi32, #tpu.memory_space<vmem>>) semaphore(%arg8 : memref<!tpu.dma_semaphore, #tpu.memory_space<semaphore_mem>>)
    %dma_start3A_200 = arith.constant 11 : i32
    %dma_start3A_201 = arith.constant 1 : i32
    %dma_start3A_202 = arith.constant 3 : i32
    %dma_start3A_203 = arith.constant 0 : i32
    %dma_start3A_204 = arith.constant 0 : i32
    %dma_start3A_205 = arith.constant 0 : i32
    %dma_start3A_206 = tpu.memref_slice %arg6[%dma_start3A_201, %dma_start3A_203, %dma_start3A_204, %dma_start3A_205] : memref<2x8x50x64xf32, #tpu.memory_space<vmem>> -> memref<1x8x50x64xf32, #tpu.memory_space<vmem>>
    %dma_start3A_207 = tpu.memref_squeeze %dma_start3A_206 : memref<1x8x50x64xf32, #tpu.memory_space<vmem>> -> memref<8x50x64xf32, #tpu.memory_space<vmem>>
    %dma_start3A_208 = arith.constant 0 : i32
    %dma_start3A_209 = arith.constant 0 : i32
    %dma_start3A_210 = tpu.memref_slice %dma_start3A_207[%dma_start3A_202, %dma_start3A_208, %dma_start3A_209] : memref<8x50x64xf32, #tpu.memory_space<vmem>> -> memref<1x50x64xf32, #tpu.memory_space<vmem>>
    %dma_start3A_211 = tpu.memref_squeeze %dma_start3A_210 : memref<1x50x64xf32, #tpu.memory_space<vmem>> -> memref<50x64xf32, #tpu.memory_space<vmem>>
    %dma_start3A_212 = arith.constant 0 : i32
    %dma_start3A_213 = tpu.memref_slice %arg5[%dma_start3A_200, %dma_start3A_212] : memref<128x50xi32, #tpu.memory_space<vmem>> -> memref<1x50xi32, #tpu.memory_space<vmem>>
    %dma_start3A_214 = tpu.memref_squeeze %dma_start3A_213 : memref<1x50xi32, #tpu.memory_space<vmem>> -> memref<50xi32, #tpu.memory_space<vmem>>
    %dma_start3A_215 = arith.constant 0 : i32
    %dma_start3A_216 = arith.constant 0 : i32
    %dma_start3A_217 = tpu.memref_slice %arg3[%dma_start3A_215, %dma_start3A_216] : memref<100000x64xf32, #tpu.memory_space<hbm>> -> memref<100000x64xf32, #tpu.memory_space<hbm>>
    tpu.enqueue_indirect_dma source(%dma_start3A_217 : memref<100000x64xf32, #tpu.memory_space<hbm>>) target(%dma_start3A_211 : memref<50x64xf32, #tpu.memory_space<vmem>>) offsets(%dma_start3A_214 : memref<50xi32, #tpu.memory_space<vmem>>) semaphore(%arg8 : memref<!tpu.dma_semaphore, #tpu.memory_space<semaphore_mem>>)
    %dma_start3A_218 = arith.constant 12 : i32
    %dma_start3A_219 = arith.constant 1 : i32
    %dma_start3A_220 = arith.constant 4 : i32
    %dma_start3A_221 = arith.constant 0 : i32
    %dma_start3A_222 = arith.constant 0 : i32
    %dma_start3A_223 = arith.constant 0 : i32
    %dma_start3A_224 = tpu.memref_slice %arg6[%dma_start3A_219, %dma_start3A_221, %dma_start3A_222, %dma_start3A_223] : memref<2x8x50x64xf32, #tpu.memory_space<vmem>> -> memref<1x8x50x64xf32, #tpu.memory_space<vmem>>
    %dma_start3A_225 = tpu.memref_squeeze %dma_start3A_224 : memref<1x8x50x64xf32, #tpu.memory_space<vmem>> -> memref<8x50x64xf32, #tpu.memory_space<vmem>>
    %dma_start3A_226 = arith.constant 0 : i32
    %dma_start3A_227 = arith.constant 0 : i32
    %dma_start3A_228 = tpu.memref_slice %dma_start3A_225[%dma_start3A_220, %dma_start3A_226, %dma_start3A_227] : memref<8x50x64xf32, #tpu.memory_space<vmem>> -> memref<1x50x64xf32, #tpu.memory_space<vmem>>
    %dma_start3A_229 = tpu.memref_squeeze %dma_start3A_228 : memref<1x50x64xf32, #tpu.memory_space<vmem>> -> memref<50x64xf32, #tpu.memory_space<vmem>>
    %dma_start3A_230 = arith.constant 0 : i32
    %dma_start3A_231 = tpu.memref_slice %arg5[%dma_start3A_218, %dma_start3A_230] : memref<128x50xi32, #tpu.memory_space<vmem>> -> memref<1x50xi32, #tpu.memory_space<vmem>>
    %dma_start3A_232 = tpu.memref_squeeze %dma_start3A_231 : memref<1x50xi32, #tpu.memory_space<vmem>> -> memref<50xi32, #tpu.memory_space<vmem>>
    %dma_start3A_233 = arith.constant 0 : i32
    %dma_start3A_234 = arith.constant 0 : i32
    %dma_start3A_235 = tpu.memref_slice %arg3[%dma_start3A_233, %dma_start3A_234] : memref<100000x64xf32, #tpu.memory_space<hbm>> -> memref<100000x64xf32, #tpu.memory_space<hbm>>
    tpu.enqueue_indirect_dma source(%dma_start3A_235 : memref<100000x64xf32, #tpu.memory_space<hbm>>) target(%dma_start3A_229 : memref<50x64xf32, #tpu.memory_space<vmem>>) offsets(%dma_start3A_232 : memref<50xi32, #tpu.memory_space<vmem>>) semaphore(%arg8 : memref<!tpu.dma_semaphore, #tpu.memory_space<semaphore_mem>>)
    %dma_start3A_236 = arith.constant 13 : i32
    %dma_start3A_237 = arith.constant 1 : i32
    %dma_start3A_238 = arith.constant 5 : i32
    %dma_start3A_239 = arith.constant 0 : i32
    %dma_start3A_240 = arith.constant 0 : i32
    %dma_start3A_241 = arith.constant 0 : i32
    %dma_start3A_242 = tpu.memref_slice %arg6[%dma_start3A_237, %dma_start3A_239, %dma_start3A_240, %dma_start3A_241] : memref<2x8x50x64xf32, #tpu.memory_space<vmem>> -> memref<1x8x50x64xf32, #tpu.memory_space<vmem>>
    %dma_start3A_243 = tpu.memref_squeeze %dma_start3A_242 : memref<1x8x50x64xf32, #tpu.memory_space<vmem>> -> memref<8x50x64xf32, #tpu.memory_space<vmem>>
    %dma_start3A_244 = arith.constant 0 : i32
    %dma_start3A_245 = arith.constant 0 : i32
    %dma_start3A_246 = tpu.memref_slice %dma_start3A_243[%dma_start3A_238, %dma_start3A_244, %dma_start3A_245] : memref<8x50x64xf32, #tpu.memory_space<vmem>> -> memref<1x50x64xf32, #tpu.memory_space<vmem>>
    %dma_start3A_247 = tpu.memref_squeeze %dma_start3A_246 : memref<1x50x64xf32, #tpu.memory_space<vmem>> -> memref<50x64xf32, #tpu.memory_space<vmem>>
    %dma_start3A_248 = arith.constant 0 : i32
    %dma_start3A_249 = tpu.memref_slice %arg5[%dma_start3A_236, %dma_start3A_248] : memref<128x50xi32, #tpu.memory_space<vmem>> -> memref<1x50xi32, #tpu.memory_space<vmem>>
    %dma_start3A_250 = tpu.memref_squeeze %dma_start3A_249 : memref<1x50xi32, #tpu.memory_space<vmem>> -> memref<50xi32, #tpu.memory_space<vmem>>
    %dma_start3A_251 = arith.constant 0 : i32
    %dma_start3A_252 = arith.constant 0 : i32
    %dma_start3A_253 = tpu.memref_slice %arg3[%dma_start3A_251, %dma_start3A_252] : memref<100000x64xf32, #tpu.memory_space<hbm>> -> memref<100000x64xf32, #tpu.memory_space<hbm>>
    tpu.enqueue_indirect_dma source(%dma_start3A_253 : memref<100000x64xf32, #tpu.memory_space<hbm>>) target(%dma_start3A_247 : memref<50x64xf32, #tpu.memory_space<vmem>>) offsets(%dma_start3A_250 : memref<50xi32, #tpu.memory_space<vmem>>) semaphore(%arg8 : memref<!tpu.dma_semaphore, #tpu.memory_space<semaphore_mem>>)
    %dma_start3A_254 = arith.constant 14 : i32
    %dma_start3A_255 = arith.constant 1 : i32
    %dma_start3A_256 = arith.constant 6 : i32
    %dma_start3A_257 = arith.constant 0 : i32
    %dma_start3A_258 = arith.constant 0 : i32
    %dma_start3A_259 = arith.constant 0 : i32
    %dma_start3A_260 = tpu.memref_slice %arg6[%dma_start3A_255, %dma_start3A_257, %dma_start3A_258, %dma_start3A_259] : memref<2x8x50x64xf32, #tpu.memory_space<vmem>> -> memref<1x8x50x64xf32, #tpu.memory_space<vmem>>
    %dma_start3A_261 = tpu.memref_squeeze %dma_start3A_260 : memref<1x8x50x64xf32, #tpu.memory_space<vmem>> -> memref<8x50x64xf32, #tpu.memory_space<vmem>>
    %dma_start3A_262 = arith.constant 0 : i32
    %dma_start3A_263 = arith.constant 0 : i32
    %dma_start3A_264 = tpu.memref_slice %dma_start3A_261[%dma_start3A_256, %dma_start3A_262, %dma_start3A_263] : memref<8x50x64xf32, #tpu.memory_space<vmem>> -> memref<1x50x64xf32, #tpu.memory_space<vmem>>
    %dma_start3A_265 = tpu.memref_squeeze %dma_start3A_264 : memref<1x50x64xf32, #tpu.memory_space<vmem>> -> memref<50x64xf32, #tpu.memory_space<vmem>>
    %dma_start3A_266 = arith.constant 0 : i32
    %dma_start3A_267 = tpu.memref_slice %arg5[%dma_start3A_254, %dma_start3A_266] : memref<128x50xi32, #tpu.memory_space<vmem>> -> memref<1x50xi32, #tpu.memory_space<vmem>>
    %dma_start3A_268 = tpu.memref_squeeze %dma_start3A_267 : memref<1x50xi32, #tpu.memory_space<vmem>> -> memref<50xi32, #tpu.memory_space<vmem>>
    %dma_start3A_269 = arith.constant 0 : i32
    %dma_start3A_270 = arith.constant 0 : i32
    %dma_start3A_271 = tpu.memref_slice %arg3[%dma_start3A_269, %dma_start3A_270] : memref<100000x64xf32, #tpu.memory_space<hbm>> -> memref<100000x64xf32, #tpu.memory_space<hbm>>
    tpu.enqueue_indirect_dma source(%dma_start3A_271 : memref<100000x64xf32, #tpu.memory_space<hbm>>) target(%dma_start3A_265 : memref<50x64xf32, #tpu.memory_space<vmem>>) offsets(%dma_start3A_268 : memref<50xi32, #tpu.memory_space<vmem>>) semaphore(%arg8 : memref<!tpu.dma_semaphore, #tpu.memory_space<semaphore_mem>>)
    %dma_start3A_272 = arith.constant 15 : i32
    %dma_start3A_273 = arith.constant 1 : i32
    %dma_start3A_274 = arith.constant 7 : i32
    %dma_start3A_275 = arith.constant 0 : i32
    %dma_start3A_276 = arith.constant 0 : i32
    %dma_start3A_277 = arith.constant 0 : i32
    %dma_start3A_278 = tpu.memref_slice %arg6[%dma_start3A_273, %dma_start3A_275, %dma_start3A_276, %dma_start3A_277] : memref<2x8x50x64xf32, #tpu.memory_space<vmem>> -> memref<1x8x50x64xf32, #tpu.memory_space<vmem>>
    %dma_start3A_279 = tpu.memref_squeeze %dma_start3A_278 : memref<1x8x50x64xf32, #tpu.memory_space<vmem>> -> memref<8x50x64xf32, #tpu.memory_space<vmem>>
    %dma_start3A_280 = arith.constant 0 : i32
    %dma_start3A_281 = arith.constant 0 : i32
    %dma_start3A_282 = tpu.memref_slice %dma_start3A_279[%dma_start3A_274, %dma_start3A_280, %dma_start3A_281] : memref<8x50x64xf32, #tpu.memory_space<vmem>> -> memref<1x50x64xf32, #tpu.memory_space<vmem>>
    %dma_start3A_283 = tpu.memref_squeeze %dma_start3A_282 : memref<1x50x64xf32, #tpu.memory_space<vmem>> -> memref<50x64xf32, #tpu.memory_space<vmem>>
    %dma_start3A_284 = arith.constant 0 : i32
    %dma_start3A_285 = tpu.memref_slice %arg5[%dma_start3A_272, %dma_start3A_284] : memref<128x50xi32, #tpu.memory_space<vmem>> -> memref<1x50xi32, #tpu.memory_space<vmem>>
    %dma_start3A_286 = tpu.memref_squeeze %dma_start3A_285 : memref<1x50xi32, #tpu.memory_space<vmem>> -> memref<50xi32, #tpu.memory_space<vmem>>
    %dma_start3A_287 = arith.constant 0 : i32
    %dma_start3A_288 = arith.constant 0 : i32
    %dma_start3A_289 = tpu.memref_slice %arg3[%dma_start3A_287, %dma_start3A_288] : memref<100000x64xf32, #tpu.memory_space<hbm>> -> memref<100000x64xf32, #tpu.memory_space<hbm>>
    tpu.enqueue_indirect_dma source(%dma_start3A_289 : memref<100000x64xf32, #tpu.memory_space<hbm>>) target(%dma_start3A_283 : memref<50x64xf32, #tpu.memory_space<vmem>>) offsets(%dma_start3A_286 : memref<50xi32, #tpu.memory_space<vmem>>) semaphore(%arg8 : memref<!tpu.dma_semaphore, #tpu.memory_space<semaphore_mem>>)
    %dma_wait3A = arith.constant 0 : i32
    %dma_wait3A_290 = arith.constant 0 : i32
    %dma_wait3A_291 = arith.constant 0 : i32
    %dma_wait3A_292 = arith.constant 0 : i32
    %dma_wait3A_293 = arith.constant 0 : i32
    %dma_wait3A_294 = arith.constant 0 : i32
    %dma_wait3A_295 = tpu.memref_slice %arg6[%dma_wait3A_290, %dma_wait3A_292, %dma_wait3A_293, %dma_wait3A_294] : memref<2x8x50x64xf32, #tpu.memory_space<vmem>> -> memref<1x8x50x64xf32, #tpu.memory_space<vmem>>
    %dma_wait3A_296 = tpu.memref_squeeze %dma_wait3A_295 : memref<1x8x50x64xf32, #tpu.memory_space<vmem>> -> memref<8x50x64xf32, #tpu.memory_space<vmem>>
    %dma_wait3A_297 = arith.constant 0 : i32
    %dma_wait3A_298 = arith.constant 0 : i32
    %dma_wait3A_299 = tpu.memref_slice %dma_wait3A_296[%dma_wait3A_291, %dma_wait3A_297, %dma_wait3A_298] : memref<8x50x64xf32, #tpu.memory_space<vmem>> -> memref<1x50x64xf32, #tpu.memory_space<vmem>>
    %dma_wait3A_300 = tpu.memref_squeeze %dma_wait3A_299 : memref<1x50x64xf32, #tpu.memory_space<vmem>> -> memref<50x64xf32, #tpu.memory_space<vmem>>
    %dma_wait3A_301 = arith.constant 0 : i32
    %dma_wait3A_302 = tpu.memref_slice %arg5[%dma_wait3A, %dma_wait3A_301] : memref<128x50xi32, #tpu.memory_space<vmem>> -> memref<1x50xi32, #tpu.memory_space<vmem>>
    %dma_wait3A_303 = tpu.memref_squeeze %dma_wait3A_302 : memref<1x50xi32, #tpu.memory_space<vmem>> -> memref<50xi32, #tpu.memory_space<vmem>>
    %dma_wait3A_304 = arith.constant 0 : i32
    %dma_wait3A_305 = arith.constant 0 : i32
    %dma_wait3A_306 = tpu.memref_slice %arg3[%dma_wait3A_304, %dma_wait3A_305] : memref<100000x64xf32, #tpu.memory_space<hbm>> -> memref<100000x64xf32, #tpu.memory_space<hbm>>
    tpu.wait_indirect_dma semaphore(%arg7 : memref<!tpu.dma_semaphore, #tpu.memory_space<semaphore_mem>>) src(%dma_wait3A_306 : memref<100000x64xf32, #tpu.memory_space<hbm>>) dst(%dma_wait3A_300 : memref<50x64xf32, #tpu.memory_space<vmem>>)
    %dma_wait3A_307 = arith.constant 0 : i32
    %dma_wait3A_308 = arith.constant 0 : i32
    %dma_wait3A_309 = arith.constant 1 : i32
    %dma_wait3A_310 = arith.constant 0 : i32
    %dma_wait3A_311 = arith.constant 0 : i32
    %dma_wait3A_312 = arith.constant 0 : i32
    %dma_wait3A_313 = tpu.memref_slice %arg6[%dma_wait3A_308, %dma_wait3A_310, %dma_wait3A_311, %dma_wait3A_312] : memref<2x8x50x64xf32, #tpu.memory_space<vmem>> -> memref<1x8x50x64xf32, #tpu.memory_space<vmem>>
    %dma_wait3A_314 = tpu.memref_squeeze %dma_wait3A_313 : memref<1x8x50x64xf32, #tpu.memory_space<vmem>> -> memref<8x50x64xf32, #tpu.memory_space<vmem>>
    %dma_wait3A_315 = arith.constant 0 : i32
    %dma_wait3A_316 = arith.constant 0 : i32
    %dma_wait3A_317 = tpu.memref_slice %dma_wait3A_314[%dma_wait3A_309, %dma_wait3A_315, %dma_wait3A_316] : memref<8x50x64xf32, #tpu.memory_space<vmem>> -> memref<1x50x64xf32, #tpu.memory_space<vmem>>
    %dma_wait3A_318 = tpu.memref_squeeze %dma_wait3A_317 : memref<1x50x64xf32, #tpu.memory_space<vmem>> -> memref<50x64xf32, #tpu.memory_space<vmem>>
    %dma_wait3A_319 = arith.constant 0 : i32
    %dma_wait3A_320 = tpu.memref_slice %arg5[%dma_wait3A_307, %dma_wait3A_319] : memref<128x50xi32, #tpu.memory_space<vmem>> -> memref<1x50xi32, #tpu.memory_space<vmem>>
    %dma_wait3A_321 = tpu.memref_squeeze %dma_wait3A_320 : memref<1x50xi32, #tpu.memory_space<vmem>> -> memref<50xi32, #tpu.memory_space<vmem>>
    %dma_wait3A_322 = arith.constant 0 : i32
    %dma_wait3A_323 = arith.constant 0 : i32
    %dma_wait3A_324 = tpu.memref_slice %arg3[%dma_wait3A_322, %dma_wait3A_323] : memref<100000x64xf32, #tpu.memory_space<hbm>> -> memref<100000x64xf32, #tpu.memory_space<hbm>>
    tpu.wait_indirect_dma semaphore(%arg7 : memref<!tpu.dma_semaphore, #tpu.memory_space<semaphore_mem>>) src(%dma_wait3A_324 : memref<100000x64xf32, #tpu.memory_space<hbm>>) dst(%dma_wait3A_318 : memref<50x64xf32, #tpu.memory_space<vmem>>)
    %dma_wait3A_325 = arith.constant 0 : i32
    %dma_wait3A_326 = arith.constant 0 : i32
    %dma_wait3A_327 = arith.constant 2 : i32
    %dma_wait3A_328 = arith.constant 0 : i32
    %dma_wait3A_329 = arith.constant 0 : i32
    %dma_wait3A_330 = arith.constant 0 : i32
    %dma_wait3A_331 = tpu.memref_slice %arg6[%dma_wait3A_326, %dma_wait3A_328, %dma_wait3A_329, %dma_wait3A_330] : memref<2x8x50x64xf32, #tpu.memory_space<vmem>> -> memref<1x8x50x64xf32, #tpu.memory_space<vmem>>
    %dma_wait3A_332 = tpu.memref_squeeze %dma_wait3A_331 : memref<1x8x50x64xf32, #tpu.memory_space<vmem>> -> memref<8x50x64xf32, #tpu.memory_space<vmem>>
    %dma_wait3A_333 = arith.constant 0 : i32
    %dma_wait3A_334 = arith.constant 0 : i32
    %dma_wait3A_335 = tpu.memref_slice %dma_wait3A_332[%dma_wait3A_327, %dma_wait3A_333, %dma_wait3A_334] : memref<8x50x64xf32, #tpu.memory_space<vmem>> -> memref<1x50x64xf32, #tpu.memory_space<vmem>>
    %dma_wait3A_336 = tpu.memref_squeeze %dma_wait3A_335 : memref<1x50x64xf32, #tpu.memory_space<vmem>> -> memref<50x64xf32, #tpu.memory_space<vmem>>
    %dma_wait3A_337 = arith.constant 0 : i32
    %dma_wait3A_338 = tpu.memref_slice %arg5[%dma_wait3A_325, %dma_wait3A_337] : memref<128x50xi32, #tpu.memory_space<vmem>> -> memref<1x50xi32, #tpu.memory_space<vmem>>
    %dma_wait3A_339 = tpu.memref_squeeze %dma_wait3A_338 : memref<1x50xi32, #tpu.memory_space<vmem>> -> memref<50xi32, #tpu.memory_space<vmem>>
    %dma_wait3A_340 = arith.constant 0 : i32
    %dma_wait3A_341 = arith.constant 0 : i32
    %dma_wait3A_342 = tpu.memref_slice %arg3[%dma_wait3A_340, %dma_wait3A_341] : memref<100000x64xf32, #tpu.memory_space<hbm>> -> memref<100000x64xf32, #tpu.memory_space<hbm>>
    tpu.wait_indirect_dma semaphore(%arg7 : memref<!tpu.dma_semaphore, #tpu.memory_space<semaphore_mem>>) src(%dma_wait3A_342 : memref<100000x64xf32, #tpu.memory_space<hbm>>) dst(%dma_wait3A_336 : memref<50x64xf32, #tpu.memory_space<vmem>>)
    %dma_wait3A_343 = arith.constant 0 : i32
    %dma_wait3A_344 = arith.constant 0 : i32
    %dma_wait3A_345 = arith.constant 3 : i32
    %dma_wait3A_346 = arith.constant 0 : i32
    %dma_wait3A_347 = arith.constant 0 : i32
    %dma_wait3A_348 = arith.constant 0 : i32
    %dma_wait3A_349 = tpu.memref_slice %arg6[%dma_wait3A_344, %dma_wait3A_346, %dma_wait3A_347, %dma_wait3A_348] : memref<2x8x50x64xf32, #tpu.memory_space<vmem>> -> memref<1x8x50x64xf32, #tpu.memory_space<vmem>>
    %dma_wait3A_350 = tpu.memref_squeeze %dma_wait3A_349 : memref<1x8x50x64xf32, #tpu.memory_space<vmem>> -> memref<8x50x64xf32, #tpu.memory_space<vmem>>
    %dma_wait3A_351 = arith.constant 0 : i32
    %dma_wait3A_352 = arith.constant 0 : i32
    %dma_wait3A_353 = tpu.memref_slice %dma_wait3A_350[%dma_wait3A_345, %dma_wait3A_351, %dma_wait3A_352] : memref<8x50x64xf32, #tpu.memory_space<vmem>> -> memref<1x50x64xf32, #tpu.memory_space<vmem>>
    %dma_wait3A_354 = tpu.memref_squeeze %dma_wait3A_353 : memref<1x50x64xf32, #tpu.memory_space<vmem>> -> memref<50x64xf32, #tpu.memory_space<vmem>>
    %dma_wait3A_355 = arith.constant 0 : i32
    %dma_wait3A_356 = tpu.memref_slice %arg5[%dma_wait3A_343, %dma_wait3A_355] : memref<128x50xi32, #tpu.memory_space<vmem>> -> memref<1x50xi32, #tpu.memory_space<vmem>>
    %dma_wait3A_357 = tpu.memref_squeeze %dma_wait3A_356 : memref<1x50xi32, #tpu.memory_space<vmem>> -> memref<50xi32, #tpu.memory_space<vmem>>
    %dma_wait3A_358 = arith.constant 0 : i32
    %dma_wait3A_359 = arith.constant 0 : i32
    %dma_wait3A_360 = tpu.memref_slice %arg3[%dma_wait3A_358, %dma_wait3A_359] : memref<100000x64xf32, #tpu.memory_space<hbm>> -> memref<100000x64xf32, #tpu.memory_space<hbm>>
    tpu.wait_indirect_dma semaphore(%arg7 : memref<!tpu.dma_semaphore, #tpu.memory_space<semaphore_mem>>) src(%dma_wait3A_360 : memref<100000x64xf32, #tpu.memory_space<hbm>>) dst(%dma_wait3A_354 : memref<50x64xf32, #tpu.memory_space<vmem>>)
    %dma_wait3A_361 = arith.constant 0 : i32
    %dma_wait3A_362 = arith.constant 0 : i32
    %dma_wait3A_363 = arith.constant 4 : i32
    %dma_wait3A_364 = arith.constant 0 : i32
    %dma_wait3A_365 = arith.constant 0 : i32
    %dma_wait3A_366 = arith.constant 0 : i32
    %dma_wait3A_367 = tpu.memref_slice %arg6[%dma_wait3A_362, %dma_wait3A_364, %dma_wait3A_365, %dma_wait3A_366] : memref<2x8x50x64xf32, #tpu.memory_space<vmem>> -> memref<1x8x50x64xf32, #tpu.memory_space<vmem>>
    %dma_wait3A_368 = tpu.memref_squeeze %dma_wait3A_367 : memref<1x8x50x64xf32, #tpu.memory_space<vmem>> -> memref<8x50x64xf32, #tpu.memory_space<vmem>>
    %dma_wait3A_369 = arith.constant 0 : i32
    %dma_wait3A_370 = arith.constant 0 : i32
    %dma_wait3A_371 = tpu.memref_slice %dma_wait3A_368[%dma_wait3A_363, %dma_wait3A_369, %dma_wait3A_370] : memref<8x50x64xf32, #tpu.memory_space<vmem>> -> memref<1x50x64xf32, #tpu.memory_space<vmem>>
    %dma_wait3A_372 = tpu.memref_squeeze %dma_wait3A_371 : memref<1x50x64xf32, #tpu.memory_space<vmem>> -> memref<50x64xf32, #tpu.memory_space<vmem>>
    %dma_wait3A_373 = arith.constant 0 : i32
    %dma_wait3A_374 = tpu.memref_slice %arg5[%dma_wait3A_361, %dma_wait3A_373] : memref<128x50xi32, #tpu.memory_space<vmem>> -> memref<1x50xi32, #tpu.memory_space<vmem>>
    %dma_wait3A_375 = tpu.memref_squeeze %dma_wait3A_374 : memref<1x50xi32, #tpu.memory_space<vmem>> -> memref<50xi32, #tpu.memory_space<vmem>>
    %dma_wait3A_376 = arith.constant 0 : i32
    %dma_wait3A_377 = arith.constant 0 : i32
    %dma_wait3A_378 = tpu.memref_slice %arg3[%dma_wait3A_376, %dma_wait3A_377] : memref<100000x64xf32, #tpu.memory_space<hbm>> -> memref<100000x64xf32, #tpu.memory_space<hbm>>
    tpu.wait_indirect_dma semaphore(%arg7 : memref<!tpu.dma_semaphore, #tpu.memory_space<semaphore_mem>>) src(%dma_wait3A_378 : memref<100000x64xf32, #tpu.memory_space<hbm>>) dst(%dma_wait3A_372 : memref<50x64xf32, #tpu.memory_space<vmem>>)
    %dma_wait3A_379 = arith.constant 0 : i32
    %dma_wait3A_380 = arith.constant 0 : i32
    %dma_wait3A_381 = arith.constant 5 : i32
    %dma_wait3A_382 = arith.constant 0 : i32
    %dma_wait3A_383 = arith.constant 0 : i32
    %dma_wait3A_384 = arith.constant 0 : i32
    %dma_wait3A_385 = tpu.memref_slice %arg6[%dma_wait3A_380, %dma_wait3A_382, %dma_wait3A_383, %dma_wait3A_384] : memref<2x8x50x64xf32, #tpu.memory_space<vmem>> -> memref<1x8x50x64xf32, #tpu.memory_space<vmem>>
    %dma_wait3A_386 = tpu.memref_squeeze %dma_wait3A_385 : memref<1x8x50x64xf32, #tpu.memory_space<vmem>> -> memref<8x50x64xf32, #tpu.memory_space<vmem>>
    %dma_wait3A_387 = arith.constant 0 : i32
    %dma_wait3A_388 = arith.constant 0 : i32
    %dma_wait3A_389 = tpu.memref_slice %dma_wait3A_386[%dma_wait3A_381, %dma_wait3A_387, %dma_wait3A_388] : memref<8x50x64xf32, #tpu.memory_space<vmem>> -> memref<1x50x64xf32, #tpu.memory_space<vmem>>
    %dma_wait3A_390 = tpu.memref_squeeze %dma_wait3A_389 : memref<1x50x64xf32, #tpu.memory_space<vmem>> -> memref<50x64xf32, #tpu.memory_space<vmem>>
    %dma_wait3A_391 = arith.constant 0 : i32
    %dma_wait3A_392 = tpu.memref_slice %arg5[%dma_wait3A_379, %dma_wait3A_391] : memref<128x50xi32, #tpu.memory_space<vmem>> -> memref<1x50xi32, #tpu.memory_space<vmem>>
    %dma_wait3A_393 = tpu.memref_squeeze %dma_wait3A_392 : memref<1x50xi32, #tpu.memory_space<vmem>> -> memref<50xi32, #tpu.memory_space<vmem>>
    %dma_wait3A_394 = arith.constant 0 : i32
    %dma_wait3A_395 = arith.constant 0 : i32
    %dma_wait3A_396 = tpu.memref_slice %arg3[%dma_wait3A_394, %dma_wait3A_395] : memref<100000x64xf32, #tpu.memory_space<hbm>> -> memref<100000x64xf32, #tpu.memory_space<hbm>>
    tpu.wait_indirect_dma semaphore(%arg7 : memref<!tpu.dma_semaphore, #tpu.memory_space<semaphore_mem>>) src(%dma_wait3A_396 : memref<100000x64xf32, #tpu.memory_space<hbm>>) dst(%dma_wait3A_390 : memref<50x64xf32, #tpu.memory_space<vmem>>)
    %dma_wait3A_397 = arith.constant 0 : i32
    %dma_wait3A_398 = arith.constant 0 : i32
    %dma_wait3A_399 = arith.constant 6 : i32
    %dma_wait3A_400 = arith.constant 0 : i32
    %dma_wait3A_401 = arith.constant 0 : i32
    %dma_wait3A_402 = arith.constant 0 : i32
    %dma_wait3A_403 = tpu.memref_slice %arg6[%dma_wait3A_398, %dma_wait3A_400, %dma_wait3A_401, %dma_wait3A_402] : memref<2x8x50x64xf32, #tpu.memory_space<vmem>> -> memref<1x8x50x64xf32, #tpu.memory_space<vmem>>
    %dma_wait3A_404 = tpu.memref_squeeze %dma_wait3A_403 : memref<1x8x50x64xf32, #tpu.memory_space<vmem>> -> memref<8x50x64xf32, #tpu.memory_space<vmem>>
    %dma_wait3A_405 = arith.constant 0 : i32
    %dma_wait3A_406 = arith.constant 0 : i32
    %dma_wait3A_407 = tpu.memref_slice %dma_wait3A_404[%dma_wait3A_399, %dma_wait3A_405, %dma_wait3A_406] : memref<8x50x64xf32, #tpu.memory_space<vmem>> -> memref<1x50x64xf32, #tpu.memory_space<vmem>>
    %dma_wait3A_408 = tpu.memref_squeeze %dma_wait3A_407 : memref<1x50x64xf32, #tpu.memory_space<vmem>> -> memref<50x64xf32, #tpu.memory_space<vmem>>
    %dma_wait3A_409 = arith.constant 0 : i32
    %dma_wait3A_410 = tpu.memref_slice %arg5[%dma_wait3A_397, %dma_wait3A_409] : memref<128x50xi32, #tpu.memory_space<vmem>> -> memref<1x50xi32, #tpu.memory_space<vmem>>
    %dma_wait3A_411 = tpu.memref_squeeze %dma_wait3A_410 : memref<1x50xi32, #tpu.memory_space<vmem>> -> memref<50xi32, #tpu.memory_space<vmem>>
    %dma_wait3A_412 = arith.constant 0 : i32
    %dma_wait3A_413 = arith.constant 0 : i32
    %dma_wait3A_414 = tpu.memref_slice %arg3[%dma_wait3A_412, %dma_wait3A_413] : memref<100000x64xf32, #tpu.memory_space<hbm>> -> memref<100000x64xf32, #tpu.memory_space<hbm>>
    tpu.wait_indirect_dma semaphore(%arg7 : memref<!tpu.dma_semaphore, #tpu.memory_space<semaphore_mem>>) src(%dma_wait3A_414 : memref<100000x64xf32, #tpu.memory_space<hbm>>) dst(%dma_wait3A_408 : memref<50x64xf32, #tpu.memory_space<vmem>>)
    %dma_wait3A_415 = arith.constant 0 : i32
    %dma_wait3A_416 = arith.constant 0 : i32
    %dma_wait3A_417 = arith.constant 7 : i32
    %dma_wait3A_418 = arith.constant 0 : i32
    %dma_wait3A_419 = arith.constant 0 : i32
    %dma_wait3A_420 = arith.constant 0 : i32
    %dma_wait3A_421 = tpu.memref_slice %arg6[%dma_wait3A_416, %dma_wait3A_418, %dma_wait3A_419, %dma_wait3A_420] : memref<2x8x50x64xf32, #tpu.memory_space<vmem>> -> memref<1x8x50x64xf32, #tpu.memory_space<vmem>>
    %dma_wait3A_422 = tpu.memref_squeeze %dma_wait3A_421 : memref<1x8x50x64xf32, #tpu.memory_space<vmem>> -> memref<8x50x64xf32, #tpu.memory_space<vmem>>
    %dma_wait3A_423 = arith.constant 0 : i32
    %dma_wait3A_424 = arith.constant 0 : i32
    %dma_wait3A_425 = tpu.memref_slice %dma_wait3A_422[%dma_wait3A_417, %dma_wait3A_423, %dma_wait3A_424] : memref<8x50x64xf32, #tpu.memory_space<vmem>> -> memref<1x50x64xf32, #tpu.memory_space<vmem>>
    %dma_wait3A_426 = tpu.memref_squeeze %dma_wait3A_425 : memref<1x50x64xf32, #tpu.memory_space<vmem>> -> memref<50x64xf32, #tpu.memory_space<vmem>>
    %dma_wait3A_427 = arith.constant 0 : i32
    %dma_wait3A_428 = tpu.memref_slice %arg5[%dma_wait3A_415, %dma_wait3A_427] : memref<128x50xi32, #tpu.memory_space<vmem>> -> memref<1x50xi32, #tpu.memory_space<vmem>>
    %dma_wait3A_429 = tpu.memref_squeeze %dma_wait3A_428 : memref<1x50xi32, #tpu.memory_space<vmem>> -> memref<50xi32, #tpu.memory_space<vmem>>
    %dma_wait3A_430 = arith.constant 0 : i32
    %dma_wait3A_431 = arith.constant 0 : i32
    %dma_wait3A_432 = tpu.memref_slice %arg3[%dma_wait3A_430, %dma_wait3A_431] : memref<100000x64xf32, #tpu.memory_space<hbm>> -> memref<100000x64xf32, #tpu.memory_space<hbm>>
    tpu.wait_indirect_dma semaphore(%arg7 : memref<!tpu.dma_semaphore, #tpu.memory_space<semaphore_mem>>) src(%dma_wait3A_432 : memref<100000x64xf32, #tpu.memory_space<hbm>>) dst(%dma_wait3A_426 : memref<50x64xf32, #tpu.memory_space<vmem>>)
    %add3A_433 = arith.constant 0 : i32
    %add3A_434 = arith.addi %mul3A_2, %add3A_433 : i32
    %dma_start3A_435 = arith.constant 0 : i32
    %dma_start3A_436 = arith.constant 0 : i32
    %dma_start3A_437 = arith.constant 0 : i32
    %dma_start3A_438 = arith.constant 0 : i32
    %dma_start3A_439 = tpu.memref_slice %arg6[%dma_start3A_435, %dma_start3A_436, %dma_start3A_437, %dma_start3A_438] : memref<2x8x50x64xf32, #tpu.memory_space<vmem>> -> memref<1x8x50x64xf32, #tpu.memory_space<vmem>>
    %dma_start3A_440 = tpu.memref_squeeze %dma_start3A_439 : memref<1x8x50x64xf32, #tpu.memory_space<vmem>> -> memref<8x50x64xf32, #tpu.memory_space<vmem>>
    %dma_start3A_441 = arith.constant 0 : i32
    %dma_start3A_442 = arith.constant 0 : i32
    %dma_start3A_443 = tpu.memref_slice %arg4[%add3A_434, %dma_start3A_441, %dma_start3A_442] : memref<4096x56x128xf32, #tpu.memory_space<hbm>> -> memref<8x50x64xf32, #tpu.memory_space<hbm>>
    %dma_start3A_444 = arith.constant 0 : i32
    %dma_start3A_445 = arith.constant 0 : i32
    %dma_start3A_446 = tpu.memref_slice %arg4[%add3A_434, %dma_start3A_444, %dma_start3A_445] : memref<4096x56x128xf32, #tpu.memory_space<hbm>> -> memref<8x50x64xf32, #tpu.memory_space<hbm>>
    %dma_start3A_447 = arith.constant 0 : i32
    %dma_start3A_448 = arith.constant 0 : i32
    %dma_start3A_449 = arith.constant 0 : i32
    %dma_start3A_450 = tpu.memref_slice %arg6[%dma_start3A_435, %dma_start3A_447, %dma_start3A_448, %dma_start3A_449] : memref<2x8x50x64xf32, #tpu.memory_space<vmem>> -> memref<1x8x50x64xf32, #tpu.memory_space<vmem>>
    %dma_start3A_451 = tpu.memref_squeeze %dma_start3A_450 : memref<1x8x50x64xf32, #tpu.memory_space<vmem>> -> memref<8x50x64xf32, #tpu.memory_space<vmem>>
    tpu.enqueue_dma source(%dma_start3A_451 : memref<8x50x64xf32, #tpu.memory_space<vmem>>) target(%dma_start3A_446 : memref<8x50x64xf32, #tpu.memory_space<hbm>>) target_semaphore(%arg9 : memref<!tpu.dma_semaphore, #tpu.memory_space<semaphore_mem>>)
    %scan3A = arith.constant 0 : i32
    %scan3A_452 = arith.constant 0 : i32
    %scan3A_453 = arith.constant 7 : i32
    %scan3A_454 = arith.addi %scan3A_452, %scan3A_453 : i32
    %scan3A_455 = arith.constant 1 : i32
    scf.for %scan3A_658 = %scan3A_452 to %scan3A_454 step %scan3A_455  : i32 {
      %mul3A_659 = arith.constant 2 : i32
      %mul3A_660 = arith.muli %mul3A_659, %scan3A_658 : i32
      %add3A_661 = arith.constant 1 : i32
      %add3A_662 = arith.addi %mul3A_660, %add3A_661 : i32
      %sub3A = arith.constant 1 : i32
      %sub3A_663 = arith.subi %add3A_662, %sub3A : i32
      %mul3A_664 = arith.constant 8 : i32
      %mul3A_665 = arith.muli %sub3A_663, %mul3A_664 : i32
      %add3A_666 = arith.addi %mul3A_2, %mul3A_665 : i32
      %dma_wait3A_667 = arith.constant 0 : i32
      %dma_wait3A_668 = arith.constant 0 : i32
      %dma_wait3A_669 = arith.constant 0 : i32
      %dma_wait3A_670 = arith.constant 0 : i32
      %dma_wait3A_671 = tpu.memref_slice %arg6[%dma_wait3A_667, %dma_wait3A_668, %dma_wait3A_669, %dma_wait3A_670] : memref<2x8x50x64xf32, #tpu.memory_space<vmem>> -> memref<1x8x50x64xf32, #tpu.memory_space<vmem>>
      %dma_wait3A_672 = tpu.memref_squeeze %dma_wait3A_671 : memref<1x8x50x64xf32, #tpu.memory_space<vmem>> -> memref<8x50x64xf32, #tpu.memory_space<vmem>>
      %dma_wait3A_673 = arith.constant 0 : i32
      %dma_wait3A_674 = arith.constant 0 : i32
      %dma_wait3A_675 = tpu.memref_slice %arg4[%add3A_666, %dma_wait3A_673, %dma_wait3A_674] : memref<4096x56x128xf32, #tpu.memory_space<hbm>> -> memref<8x50x64xf32, #tpu.memory_space<hbm>>
      %dma_wait3A_676 = arith.constant 0 : i32
      %dma_wait3A_677 = arith.constant 0 : i32
      %dma_wait3A_678 = tpu.memref_slice %arg4[%add3A_666, %dma_wait3A_676, %dma_wait3A_677] : memref<4096x56x128xf32, #tpu.memory_space<hbm>> -> memref<8x50x64xf32, #tpu.memory_space<hbm>>
      %dma_wait3A_679 = arith.constant 0 : i32
      %dma_wait3A_680 = arith.constant 0 : i32
      %dma_wait3A_681 = arith.constant 0 : i32
      %dma_wait3A_682 = tpu.memref_slice %arg6[%dma_wait3A_667, %dma_wait3A_679, %dma_wait3A_680, %dma_wait3A_681] : memref<2x8x50x64xf32, #tpu.memory_space<vmem>> -> memref<1x8x50x64xf32, #tpu.memory_space<vmem>>
      %dma_wait3A_683 = tpu.memref_squeeze %dma_wait3A_682 : memref<1x8x50x64xf32, #tpu.memory_space<vmem>> -> memref<8x50x64xf32, #tpu.memory_space<vmem>>
      tpu.wait_dma2 semaphore(%arg9 : memref<!tpu.dma_semaphore, #tpu.memory_space<semaphore_mem>>) src(%dma_wait3A_683 : memref<8x50x64xf32, #tpu.memory_space<vmem>>) dst(%dma_wait3A_678 : memref<8x50x64xf32, #tpu.memory_space<hbm>>)
      %add3A_684 = arith.constant 1 : i32
      %add3A_685 = arith.addi %add3A_662, %add3A_684 : i32
      %mul3A_686 = arith.constant 8 : i32
      %mul3A_687 = arith.muli %add3A_685, %mul3A_686 : i32
      %add3A_688 = arith.constant 0 : i32
      %add3A_689 = arith.addi %mul3A_687, %add3A_688 : i32
      %dma_start3A_690 = arith.constant 0 : i32
      %dma_start3A_691 = arith.constant 0 : i32
      %dma_start3A_692 = arith.constant 0 : i32
      %dma_start3A_693 = arith.constant 0 : i32
      %dma_start3A_694 = arith.constant 0 : i32
      %dma_start3A_695 = tpu.memref_slice %arg6[%dma_start3A_690, %dma_start3A_692, %dma_start3A_693, %dma_start3A_694] : memref<2x8x50x64xf32, #tpu.memory_space<vmem>> -> memref<1x8x50x64xf32, #tpu.memory_space<vmem>>
      %dma_start3A_696 = tpu.memref_squeeze %dma_start3A_695 : memref<1x8x50x64xf32, #tpu.memory_space<vmem>> -> memref<8x50x64xf32, #tpu.memory_space<vmem>>
      %dma_start3A_697 = arith.constant 0 : i32
      %dma_start3A_698 = arith.constant 0 : i32
      %dma_start3A_699 = tpu.memref_slice %dma_start3A_696[%dma_start3A_691, %dma_start3A_697, %dma_start3A_698] : memref<8x50x64xf32, #tpu.memory_space<vmem>> -> memref<1x50x64xf32, #tpu.memory_space<vmem>>
      %dma_start3A_700 = tpu.memref_squeeze %dma_start3A_699 : memref<1x50x64xf32, #tpu.memory_space<vmem>> -> memref<50x64xf32, #tpu.memory_space<vmem>>
      %dma_start3A_701 = arith.constant 0 : i32
      %dma_start3A_702 = tpu.memref_slice %arg5[%add3A_689, %dma_start3A_701] : memref<128x50xi32, #tpu.memory_space<vmem>> -> memref<1x50xi32, #tpu.memory_space<vmem>>
      %dma_start3A_703 = tpu.memref_squeeze %dma_start3A_702 : memref<1x50xi32, #tpu.memory_space<vmem>> -> memref<50xi32, #tpu.memory_space<vmem>>
      %dma_start3A_704 = arith.constant 0 : i32
      %dma_start3A_705 = arith.constant 0 : i32
      %dma_start3A_706 = tpu.memref_slice %arg3[%dma_start3A_704, %dma_start3A_705] : memref<100000x64xf32, #tpu.memory_space<hbm>> -> memref<100000x64xf32, #tpu.memory_space<hbm>>
      tpu.enqueue_indirect_dma source(%dma_start3A_706 : memref<100000x64xf32, #tpu.memory_space<hbm>>) target(%dma_start3A_700 : memref<50x64xf32, #tpu.memory_space<vmem>>) offsets(%dma_start3A_703 : memref<50xi32, #tpu.memory_space<vmem>>) semaphore(%arg7 : memref<!tpu.dma_semaphore, #tpu.memory_space<semaphore_mem>>)
      %mul3A_707 = arith.constant 8 : i32
      %mul3A_708 = arith.muli %add3A_685, %mul3A_707 : i32
      %add3A_709 = arith.constant 1 : i32
      %add3A_710 = arith.addi %mul3A_708, %add3A_709 : i32
      %dma_start3A_711 = arith.constant 0 : i32
      %dma_start3A_712 = arith.constant 1 : i32
      %dma_start3A_713 = arith.constant 0 : i32
      %dma_start3A_714 = arith.constant 0 : i32
      %dma_start3A_715 = arith.constant 0 : i32
      %dma_start3A_716 = tpu.memref_slice %arg6[%dma_start3A_711, %dma_start3A_713, %dma_start3A_714, %dma_start3A_715] : memref<2x8x50x64xf32, #tpu.memory_space<vmem>> -> memref<1x8x50x64xf32, #tpu.memory_space<vmem>>
      %dma_start3A_717 = tpu.memref_squeeze %dma_start3A_716 : memref<1x8x50x64xf32, #tpu.memory_space<vmem>> -> memref<8x50x64xf32, #tpu.memory_space<vmem>>
      %dma_start3A_718 = arith.constant 0 : i32
      %dma_start3A_719 = arith.constant 0 : i32
      %dma_start3A_720 = tpu.memref_slice %dma_start3A_717[%dma_start3A_712, %dma_start3A_718, %dma_start3A_719] : memref<8x50x64xf32, #tpu.memory_space<vmem>> -> memref<1x50x64xf32, #tpu.memory_space<vmem>>
      %dma_start3A_721 = tpu.memref_squeeze %dma_start3A_720 : memref<1x50x64xf32, #tpu.memory_space<vmem>> -> memref<50x64xf32, #tpu.memory_space<vmem>>
      %dma_start3A_722 = arith.constant 0 : i32
      %dma_start3A_723 = tpu.memref_slice %arg5[%add3A_710, %dma_start3A_722] : memref<128x50xi32, #tpu.memory_space<vmem>> -> memref<1x50xi32, #tpu.memory_space<vmem>>
      %dma_start3A_724 = tpu.memref_squeeze %dma_start3A_723 : memref<1x50xi32, #tpu.memory_space<vmem>> -> memref<50xi32, #tpu.memory_space<vmem>>
      %dma_start3A_725 = arith.constant 0 : i32
      %dma_start3A_726 = arith.constant 0 : i32
      %dma_start3A_727 = tpu.memref_slice %arg3[%dma_start3A_725, %dma_start3A_726] : memref<100000x64xf32, #tpu.memory_space<hbm>> -> memref<100000x64xf32, #tpu.memory_space<hbm>>
      tpu.enqueue_indirect_dma source(%dma_start3A_727 : memref<100000x64xf32, #tpu.memory_space<hbm>>) target(%dma_start3A_721 : memref<50x64xf32, #tpu.memory_space<vmem>>) offsets(%dma_start3A_724 : memref<50xi32, #tpu.memory_space<vmem>>) semaphore(%arg7 : memref<!tpu.dma_semaphore, #tpu.memory_space<semaphore_mem>>)
      %mul3A_728 = arith.constant 8 : i32
      %mul3A_729 = arith.muli %add3A_685, %mul3A_728 : i32
      %add3A_730 = arith.constant 2 : i32
      %add3A_731 = arith.addi %mul3A_729, %add3A_730 : i32
      %dma_start3A_732 = arith.constant 0 : i32
      %dma_start3A_733 = arith.constant 2 : i32
      %dma_start3A_734 = arith.constant 0 : i32
      %dma_start3A_735 = arith.constant 0 : i32
      %dma_start3A_736 = arith.constant 0 : i32
      %dma_start3A_737 = tpu.memref_slice %arg6[%dma_start3A_732, %dma_start3A_734, %dma_start3A_735, %dma_start3A_736] : memref<2x8x50x64xf32, #tpu.memory_space<vmem>> -> memref<1x8x50x64xf32, #tpu.memory_space<vmem>>
      %dma_start3A_738 = tpu.memref_squeeze %dma_start3A_737 : memref<1x8x50x64xf32, #tpu.memory_space<vmem>> -> memref<8x50x64xf32, #tpu.memory_space<vmem>>
      %dma_start3A_739 = arith.constant 0 : i32
      %dma_start3A_740 = arith.constant 0 : i32
      %dma_start3A_741 = tpu.memref_slice %dma_start3A_738[%dma_start3A_733, %dma_start3A_739, %dma_start3A_740] : memref<8x50x64xf32, #tpu.memory_space<vmem>> -> memref<1x50x64xf32, #tpu.memory_space<vmem>>
      %dma_start3A_742 = tpu.memref_squeeze %dma_start3A_741 : memref<1x50x64xf32, #tpu.memory_space<vmem>> -> memref<50x64xf32, #tpu.memory_space<vmem>>
      %dma_start3A_743 = arith.constant 0 : i32
      %dma_start3A_744 = tpu.memref_slice %arg5[%add3A_731, %dma_start3A_743] : memref<128x50xi32, #tpu.memory_space<vmem>> -> memref<1x50xi32, #tpu.memory_space<vmem>>
      %dma_start3A_745 = tpu.memref_squeeze %dma_start3A_744 : memref<1x50xi32, #tpu.memory_space<vmem>> -> memref<50xi32, #tpu.memory_space<vmem>>
      %dma_start3A_746 = arith.constant 0 : i32
      %dma_start3A_747 = arith.constant 0 : i32
      %dma_start3A_748 = tpu.memref_slice %arg3[%dma_start3A_746, %dma_start3A_747] : memref<100000x64xf32, #tpu.memory_space<hbm>> -> memref<100000x64xf32, #tpu.memory_space<hbm>>
      tpu.enqueue_indirect_dma source(%dma_start3A_748 : memref<100000x64xf32, #tpu.memory_space<hbm>>) target(%dma_start3A_742 : memref<50x64xf32, #tpu.memory_space<vmem>>) offsets(%dma_start3A_745 : memref<50xi32, #tpu.memory_space<vmem>>) semaphore(%arg7 : memref<!tpu.dma_semaphore, #tpu.memory_space<semaphore_mem>>)
      %mul3A_749 = arith.constant 8 : i32
      %mul3A_750 = arith.muli %add3A_685, %mul3A_749 : i32
      %add3A_751 = arith.constant 3 : i32
      %add3A_752 = arith.addi %mul3A_750, %add3A_751 : i32
      %dma_start3A_753 = arith.constant 0 : i32
      %dma_start3A_754 = arith.constant 3 : i32
      %dma_start3A_755 = arith.constant 0 : i32
      %dma_start3A_756 = arith.constant 0 : i32
      %dma_start3A_757 = arith.constant 0 : i32
      %dma_start3A_758 = tpu.memref_slice %arg6[%dma_start3A_753, %dma_start3A_755, %dma_start3A_756, %dma_start3A_757] : memref<2x8x50x64xf32, #tpu.memory_space<vmem>> -> memref<1x8x50x64xf32, #tpu.memory_space<vmem>>
      %dma_start3A_759 = tpu.memref_squeeze %dma_start3A_758 : memref<1x8x50x64xf32, #tpu.memory_space<vmem>> -> memref<8x50x64xf32, #tpu.memory_space<vmem>>
      %dma_start3A_760 = arith.constant 0 : i32
      %dma_start3A_761 = arith.constant 0 : i32
      %dma_start3A_762 = tpu.memref_slice %dma_start3A_759[%dma_start3A_754, %dma_start3A_760, %dma_start3A_761] : memref<8x50x64xf32, #tpu.memory_space<vmem>> -> memref<1x50x64xf32, #tpu.memory_space<vmem>>
      %dma_start3A_763 = tpu.memref_squeeze %dma_start3A_762 : memref<1x50x64xf32, #tpu.memory_space<vmem>> -> memref<50x64xf32, #tpu.memory_space<vmem>>
      %dma_start3A_764 = arith.constant 0 : i32
      %dma_start3A_765 = tpu.memref_slice %arg5[%add3A_752, %dma_start3A_764] : memref<128x50xi32, #tpu.memory_space<vmem>> -> memref<1x50xi32, #tpu.memory_space<vmem>>
      %dma_start3A_766 = tpu.memref_squeeze %dma_start3A_765 : memref<1x50xi32, #tpu.memory_space<vmem>> -> memref<50xi32, #tpu.memory_space<vmem>>
      %dma_start3A_767 = arith.constant 0 : i32
      %dma_start3A_768 = arith.constant 0 : i32
      %dma_start3A_769 = tpu.memref_slice %arg3[%dma_start3A_767, %dma_start3A_768] : memref<100000x64xf32, #tpu.memory_space<hbm>> -> memref<100000x64xf32, #tpu.memory_space<hbm>>
      tpu.enqueue_indirect_dma source(%dma_start3A_769 : memref<100000x64xf32, #tpu.memory_space<hbm>>) target(%dma_start3A_763 : memref<50x64xf32, #tpu.memory_space<vmem>>) offsets(%dma_start3A_766 : memref<50xi32, #tpu.memory_space<vmem>>) semaphore(%arg7 : memref<!tpu.dma_semaphore, #tpu.memory_space<semaphore_mem>>)
      %mul3A_770 = arith.constant 8 : i32
      %mul3A_771 = arith.muli %add3A_685, %mul3A_770 : i32
      %add3A_772 = arith.constant 4 : i32
      %add3A_773 = arith.addi %mul3A_771, %add3A_772 : i32
      %dma_start3A_774 = arith.constant 0 : i32
      %dma_start3A_775 = arith.constant 4 : i32
      %dma_start3A_776 = arith.constant 0 : i32
      %dma_start3A_777 = arith.constant 0 : i32
      %dma_start3A_778 = arith.constant 0 : i32
      %dma_start3A_779 = tpu.memref_slice %arg6[%dma_start3A_774, %dma_start3A_776, %dma_start3A_777, %dma_start3A_778] : memref<2x8x50x64xf32, #tpu.memory_space<vmem>> -> memref<1x8x50x64xf32, #tpu.memory_space<vmem>>
      %dma_start3A_780 = tpu.memref_squeeze %dma_start3A_779 : memref<1x8x50x64xf32, #tpu.memory_space<vmem>> -> memref<8x50x64xf32, #tpu.memory_space<vmem>>
      %dma_start3A_781 = arith.constant 0 : i32
      %dma_start3A_782 = arith.constant 0 : i32
      %dma_start3A_783 = tpu.memref_slice %dma_start3A_780[%dma_start3A_775, %dma_start3A_781, %dma_start3A_782] : memref<8x50x64xf32, #tpu.memory_space<vmem>> -> memref<1x50x64xf32, #tpu.memory_space<vmem>>
      %dma_start3A_784 = tpu.memref_squeeze %dma_start3A_783 : memref<1x50x64xf32, #tpu.memory_space<vmem>> -> memref<50x64xf32, #tpu.memory_space<vmem>>
      %dma_start3A_785 = arith.constant 0 : i32
      %dma_start3A_786 = tpu.memref_slice %arg5[%add3A_773, %dma_start3A_785] : memref<128x50xi32, #tpu.memory_space<vmem>> -> memref<1x50xi32, #tpu.memory_space<vmem>>
      %dma_start3A_787 = tpu.memref_squeeze %dma_start3A_786 : memref<1x50xi32, #tpu.memory_space<vmem>> -> memref<50xi32, #tpu.memory_space<vmem>>
      %dma_start3A_788 = arith.constant 0 : i32
      %dma_start3A_789 = arith.constant 0 : i32
      %dma_start3A_790 = tpu.memref_slice %arg3[%dma_start3A_788, %dma_start3A_789] : memref<100000x64xf32, #tpu.memory_space<hbm>> -> memref<100000x64xf32, #tpu.memory_space<hbm>>
      tpu.enqueue_indirect_dma source(%dma_start3A_790 : memref<100000x64xf32, #tpu.memory_space<hbm>>) target(%dma_start3A_784 : memref<50x64xf32, #tpu.memory_space<vmem>>) offsets(%dma_start3A_787 : memref<50xi32, #tpu.memory_space<vmem>>) semaphore(%arg7 : memref<!tpu.dma_semaphore, #tpu.memory_space<semaphore_mem>>)
      %mul3A_791 = arith.constant 8 : i32
      %mul3A_792 = arith.muli %add3A_685, %mul3A_791 : i32
      %add3A_793 = arith.constant 5 : i32
      %add3A_794 = arith.addi %mul3A_792, %add3A_793 : i32
      %dma_start3A_795 = arith.constant 0 : i32
      %dma_start3A_796 = arith.constant 5 : i32
      %dma_start3A_797 = arith.constant 0 : i32
      %dma_start3A_798 = arith.constant 0 : i32
      %dma_start3A_799 = arith.constant 0 : i32
      %dma_start3A_800 = tpu.memref_slice %arg6[%dma_start3A_795, %dma_start3A_797, %dma_start3A_798, %dma_start3A_799] : memref<2x8x50x64xf32, #tpu.memory_space<vmem>> -> memref<1x8x50x64xf32, #tpu.memory_space<vmem>>
      %dma_start3A_801 = tpu.memref_squeeze %dma_start3A_800 : memref<1x8x50x64xf32, #tpu.memory_space<vmem>> -> memref<8x50x64xf32, #tpu.memory_space<vmem>>
      %dma_start3A_802 = arith.constant 0 : i32
      %dma_start3A_803 = arith.constant 0 : i32
      %dma_start3A_804 = tpu.memref_slice %dma_start3A_801[%dma_start3A_796, %dma_start3A_802, %dma_start3A_803] : memref<8x50x64xf32, #tpu.memory_space<vmem>> -> memref<1x50x64xf32, #tpu.memory_space<vmem>>
      %dma_start3A_805 = tpu.memref_squeeze %dma_start3A_804 : memref<1x50x64xf32, #tpu.memory_space<vmem>> -> memref<50x64xf32, #tpu.memory_space<vmem>>
      %dma_start3A_806 = arith.constant 0 : i32
      %dma_start3A_807 = tpu.memref_slice %arg5[%add3A_794, %dma_start3A_806] : memref<128x50xi32, #tpu.memory_space<vmem>> -> memref<1x50xi32, #tpu.memory_space<vmem>>
      %dma_start3A_808 = tpu.memref_squeeze %dma_start3A_807 : memref<1x50xi32, #tpu.memory_space<vmem>> -> memref<50xi32, #tpu.memory_space<vmem>>
      %dma_start3A_809 = arith.constant 0 : i32
      %dma_start3A_810 = arith.constant 0 : i32
      %dma_start3A_811 = tpu.memref_slice %arg3[%dma_start3A_809, %dma_start3A_810] : memref<100000x64xf32, #tpu.memory_space<hbm>> -> memref<100000x64xf32, #tpu.memory_space<hbm>>
      tpu.enqueue_indirect_dma source(%dma_start3A_811 : memref<100000x64xf32, #tpu.memory_space<hbm>>) target(%dma_start3A_805 : memref<50x64xf32, #tpu.memory_space<vmem>>) offsets(%dma_start3A_808 : memref<50xi32, #tpu.memory_space<vmem>>) semaphore(%arg7 : memref<!tpu.dma_semaphore, #tpu.memory_space<semaphore_mem>>)
      %mul3A_812 = arith.constant 8 : i32
      %mul3A_813 = arith.muli %add3A_685, %mul3A_812 : i32
      %add3A_814 = arith.constant 6 : i32
      %add3A_815 = arith.addi %mul3A_813, %add3A_814 : i32
      %dma_start3A_816 = arith.constant 0 : i32
      %dma_start3A_817 = arith.constant 6 : i32
      %dma_start3A_818 = arith.constant 0 : i32
      %dma_start3A_819 = arith.constant 0 : i32
      %dma_start3A_820 = arith.constant 0 : i32
      %dma_start3A_821 = tpu.memref_slice %arg6[%dma_start3A_816, %dma_start3A_818, %dma_start3A_819, %dma_start3A_820] : memref<2x8x50x64xf32, #tpu.memory_space<vmem>> -> memref<1x8x50x64xf32, #tpu.memory_space<vmem>>
      %dma_start3A_822 = tpu.memref_squeeze %dma_start3A_821 : memref<1x8x50x64xf32, #tpu.memory_space<vmem>> -> memref<8x50x64xf32, #tpu.memory_space<vmem>>
      %dma_start3A_823 = arith.constant 0 : i32
      %dma_start3A_824 = arith.constant 0 : i32
      %dma_start3A_825 = tpu.memref_slice %dma_start3A_822[%dma_start3A_817, %dma_start3A_823, %dma_start3A_824] : memref<8x50x64xf32, #tpu.memory_space<vmem>> -> memref<1x50x64xf32, #tpu.memory_space<vmem>>
      %dma_start3A_826 = tpu.memref_squeeze %dma_start3A_825 : memref<1x50x64xf32, #tpu.memory_space<vmem>> -> memref<50x64xf32, #tpu.memory_space<vmem>>
      %dma_start3A_827 = arith.constant 0 : i32
      %dma_start3A_828 = tpu.memref_slice %arg5[%add3A_815, %dma_start3A_827] : memref<128x50xi32, #tpu.memory_space<vmem>> -> memref<1x50xi32, #tpu.memory_space<vmem>>
      %dma_start3A_829 = tpu.memref_squeeze %dma_start3A_828 : memref<1x50xi32, #tpu.memory_space<vmem>> -> memref<50xi32, #tpu.memory_space<vmem>>
      %dma_start3A_830 = arith.constant 0 : i32
      %dma_start3A_831 = arith.constant 0 : i32
      %dma_start3A_832 = tpu.memref_slice %arg3[%dma_start3A_830, %dma_start3A_831] : memref<100000x64xf32, #tpu.memory_space<hbm>> -> memref<100000x64xf32, #tpu.memory_space<hbm>>
      tpu.enqueue_indirect_dma source(%dma_start3A_832 : memref<100000x64xf32, #tpu.memory_space<hbm>>) target(%dma_start3A_826 : memref<50x64xf32, #tpu.memory_space<vmem>>) offsets(%dma_start3A_829 : memref<50xi32, #tpu.memory_space<vmem>>) semaphore(%arg7 : memref<!tpu.dma_semaphore, #tpu.memory_space<semaphore_mem>>)
      %mul3A_833 = arith.constant 8 : i32
      %mul3A_834 = arith.muli %add3A_685, %mul3A_833 : i32
      %add3A_835 = arith.constant 7 : i32
      %add3A_836 = arith.addi %mul3A_834, %add3A_835 : i32
      %dma_start3A_837 = arith.constant 0 : i32
      %dma_start3A_838 = arith.constant 7 : i32
      %dma_start3A_839 = arith.constant 0 : i32
      %dma_start3A_840 = arith.constant 0 : i32
      %dma_start3A_841 = arith.constant 0 : i32
      %dma_start3A_842 = tpu.memref_slice %arg6[%dma_start3A_837, %dma_start3A_839, %dma_start3A_840, %dma_start3A_841] : memref<2x8x50x64xf32, #tpu.memory_space<vmem>> -> memref<1x8x50x64xf32, #tpu.memory_space<vmem>>
      %dma_start3A_843 = tpu.memref_squeeze %dma_start3A_842 : memref<1x8x50x64xf32, #tpu.memory_space<vmem>> -> memref<8x50x64xf32, #tpu.memory_space<vmem>>
      %dma_start3A_844 = arith.constant 0 : i32
      %dma_start3A_845 = arith.constant 0 : i32
      %dma_start3A_846 = tpu.memref_slice %dma_start3A_843[%dma_start3A_838, %dma_start3A_844, %dma_start3A_845] : memref<8x50x64xf32, #tpu.memory_space<vmem>> -> memref<1x50x64xf32, #tpu.memory_space<vmem>>
      %dma_start3A_847 = tpu.memref_squeeze %dma_start3A_846 : memref<1x50x64xf32, #tpu.memory_space<vmem>> -> memref<50x64xf32, #tpu.memory_space<vmem>>
      %dma_start3A_848 = arith.constant 0 : i32
      %dma_start3A_849 = tpu.memref_slice %arg5[%add3A_836, %dma_start3A_848] : memref<128x50xi32, #tpu.memory_space<vmem>> -> memref<1x50xi32, #tpu.memory_space<vmem>>
      %dma_start3A_850 = tpu.memref_squeeze %dma_start3A_849 : memref<1x50xi32, #tpu.memory_space<vmem>> -> memref<50xi32, #tpu.memory_space<vmem>>
      %dma_start3A_851 = arith.constant 0 : i32
      %dma_start3A_852 = arith.constant 0 : i32
      %dma_start3A_853 = tpu.memref_slice %arg3[%dma_start3A_851, %dma_start3A_852] : memref<100000x64xf32, #tpu.memory_space<hbm>> -> memref<100000x64xf32, #tpu.memory_space<hbm>>
      tpu.enqueue_indirect_dma source(%dma_start3A_853 : memref<100000x64xf32, #tpu.memory_space<hbm>>) target(%dma_start3A_847 : memref<50x64xf32, #tpu.memory_space<vmem>>) offsets(%dma_start3A_850 : memref<50xi32, #tpu.memory_space<vmem>>) semaphore(%arg7 : memref<!tpu.dma_semaphore, #tpu.memory_space<semaphore_mem>>)
      %dma_wait3A_854 = arith.constant 0 : i32
      %dma_wait3A_855 = arith.constant 1 : i32
      %dma_wait3A_856 = arith.constant 0 : i32
      %dma_wait3A_857 = arith.constant 0 : i32
      %dma_wait3A_858 = arith.constant 0 : i32
      %dma_wait3A_859 = arith.constant 0 : i32
      %dma_wait3A_860 = tpu.memref_slice %arg6[%dma_wait3A_855, %dma_wait3A_857, %dma_wait3A_858, %dma_wait3A_859] : memref<2x8x50x64xf32, #tpu.memory_space<vmem>> -> memref<1x8x50x64xf32, #tpu.memory_space<vmem>>
      %dma_wait3A_861 = tpu.memref_squeeze %dma_wait3A_860 : memref<1x8x50x64xf32, #tpu.memory_space<vmem>> -> memref<8x50x64xf32, #tpu.memory_space<vmem>>
      %dma_wait3A_862 = arith.constant 0 : i32
      %dma_wait3A_863 = arith.constant 0 : i32
      %dma_wait3A_864 = tpu.memref_slice %dma_wait3A_861[%dma_wait3A_856, %dma_wait3A_862, %dma_wait3A_863] : memref<8x50x64xf32, #tpu.memory_space<vmem>> -> memref<1x50x64xf32, #tpu.memory_space<vmem>>
      %dma_wait3A_865 = tpu.memref_squeeze %dma_wait3A_864 : memref<1x50x64xf32, #tpu.memory_space<vmem>> -> memref<50x64xf32, #tpu.memory_space<vmem>>
      %dma_wait3A_866 = arith.constant 0 : i32
      %dma_wait3A_867 = tpu.memref_slice %arg5[%dma_wait3A_854, %dma_wait3A_866] : memref<128x50xi32, #tpu.memory_space<vmem>> -> memref<1x50xi32, #tpu.memory_space<vmem>>
      %dma_wait3A_868 = tpu.memref_squeeze %dma_wait3A_867 : memref<1x50xi32, #tpu.memory_space<vmem>> -> memref<50xi32, #tpu.memory_space<vmem>>
      %dma_wait3A_869 = arith.constant 0 : i32
      %dma_wait3A_870 = arith.constant 0 : i32
      %dma_wait3A_871 = tpu.memref_slice %arg3[%dma_wait3A_869, %dma_wait3A_870] : memref<100000x64xf32, #tpu.memory_space<hbm>> -> memref<100000x64xf32, #tpu.memory_space<hbm>>
      tpu.wait_indirect_dma semaphore(%arg8 : memref<!tpu.dma_semaphore, #tpu.memory_space<semaphore_mem>>) src(%dma_wait3A_871 : memref<100000x64xf32, #tpu.memory_space<hbm>>) dst(%dma_wait3A_865 : memref<50x64xf32, #tpu.memory_space<vmem>>)
      %dma_wait3A_872 = arith.constant 0 : i32
      %dma_wait3A_873 = arith.constant 1 : i32
      %dma_wait3A_874 = arith.constant 1 : i32
      %dma_wait3A_875 = arith.constant 0 : i32
      %dma_wait3A_876 = arith.constant 0 : i32
      %dma_wait3A_877 = arith.constant 0 : i32
      %dma_wait3A_878 = tpu.memref_slice %arg6[%dma_wait3A_873, %dma_wait3A_875, %dma_wait3A_876, %dma_wait3A_877] : memref<2x8x50x64xf32, #tpu.memory_space<vmem>> -> memref<1x8x50x64xf32, #tpu.memory_space<vmem>>
      %dma_wait3A_879 = tpu.memref_squeeze %dma_wait3A_878 : memref<1x8x50x64xf32, #tpu.memory_space<vmem>> -> memref<8x50x64xf32, #tpu.memory_space<vmem>>
      %dma_wait3A_880 = arith.constant 0 : i32
      %dma_wait3A_881 = arith.constant 0 : i32
      %dma_wait3A_882 = tpu.memref_slice %dma_wait3A_879[%dma_wait3A_874, %dma_wait3A_880, %dma_wait3A_881] : memref<8x50x64xf32, #tpu.memory_space<vmem>> -> memref<1x50x64xf32, #tpu.memory_space<vmem>>
      %dma_wait3A_883 = tpu.memref_squeeze %dma_wait3A_882 : memref<1x50x64xf32, #tpu.memory_space<vmem>> -> memref<50x64xf32, #tpu.memory_space<vmem>>
      %dma_wait3A_884 = arith.constant 0 : i32
      %dma_wait3A_885 = tpu.memref_slice %arg5[%dma_wait3A_872, %dma_wait3A_884] : memref<128x50xi32, #tpu.memory_space<vmem>> -> memref<1x50xi32, #tpu.memory_space<vmem>>
      %dma_wait3A_886 = tpu.memref_squeeze %dma_wait3A_885 : memref<1x50xi32, #tpu.memory_space<vmem>> -> memref<50xi32, #tpu.memory_space<vmem>>
      %dma_wait3A_887 = arith.constant 0 : i32
      %dma_wait3A_888 = arith.constant 0 : i32
      %dma_wait3A_889 = tpu.memref_slice %arg3[%dma_wait3A_887, %dma_wait3A_888] : memref<100000x64xf32, #tpu.memory_space<hbm>> -> memref<100000x64xf32, #tpu.memory_space<hbm>>
      tpu.wait_indirect_dma semaphore(%arg8 : memref<!tpu.dma_semaphore, #tpu.memory_space<semaphore_mem>>) src(%dma_wait3A_889 : memref<100000x64xf32, #tpu.memory_space<hbm>>) dst(%dma_wait3A_883 : memref<50x64xf32, #tpu.memory_space<vmem>>)
      %dma_wait3A_890 = arith.constant 0 : i32
      %dma_wait3A_891 = arith.constant 1 : i32
      %dma_wait3A_892 = arith.constant 2 : i32
      %dma_wait3A_893 = arith.constant 0 : i32
      %dma_wait3A_894 = arith.constant 0 : i32
      %dma_wait3A_895 = arith.constant 0 : i32
      %dma_wait3A_896 = tpu.memref_slice %arg6[%dma_wait3A_891, %dma_wait3A_893, %dma_wait3A_894, %dma_wait3A_895] : memref<2x8x50x64xf32, #tpu.memory_space<vmem>> -> memref<1x8x50x64xf32, #tpu.memory_space<vmem>>
      %dma_wait3A_897 = tpu.memref_squeeze %dma_wait3A_896 : memref<1x8x50x64xf32, #tpu.memory_space<vmem>> -> memref<8x50x64xf32, #tpu.memory_space<vmem>>
      %dma_wait3A_898 = arith.constant 0 : i32
      %dma_wait3A_899 = arith.constant 0 : i32
      %dma_wait3A_900 = tpu.memref_slice %dma_wait3A_897[%dma_wait3A_892, %dma_wait3A_898, %dma_wait3A_899] : memref<8x50x64xf32, #tpu.memory_space<vmem>> -> memref<1x50x64xf32, #tpu.memory_space<vmem>>
      %dma_wait3A_901 = tpu.memref_squeeze %dma_wait3A_900 : memref<1x50x64xf32, #tpu.memory_space<vmem>> -> memref<50x64xf32, #tpu.memory_space<vmem>>
      %dma_wait3A_902 = arith.constant 0 : i32
      %dma_wait3A_903 = tpu.memref_slice %arg5[%dma_wait3A_890, %dma_wait3A_902] : memref<128x50xi32, #tpu.memory_space<vmem>> -> memref<1x50xi32, #tpu.memory_space<vmem>>
      %dma_wait3A_904 = tpu.memref_squeeze %dma_wait3A_903 : memref<1x50xi32, #tpu.memory_space<vmem>> -> memref<50xi32, #tpu.memory_space<vmem>>
      %dma_wait3A_905 = arith.constant 0 : i32
      %dma_wait3A_906 = arith.constant 0 : i32
      %dma_wait3A_907 = tpu.memref_slice %arg3[%dma_wait3A_905, %dma_wait3A_906] : memref<100000x64xf32, #tpu.memory_space<hbm>> -> memref<100000x64xf32, #tpu.memory_space<hbm>>
      tpu.wait_indirect_dma semaphore(%arg8 : memref<!tpu.dma_semaphore, #tpu.memory_space<semaphore_mem>>) src(%dma_wait3A_907 : memref<100000x64xf32, #tpu.memory_space<hbm>>) dst(%dma_wait3A_901 : memref<50x64xf32, #tpu.memory_space<vmem>>)
      %dma_wait3A_908 = arith.constant 0 : i32
      %dma_wait3A_909 = arith.constant 1 : i32
      %dma_wait3A_910 = arith.constant 3 : i32
      %dma_wait3A_911 = arith.constant 0 : i32
      %dma_wait3A_912 = arith.constant 0 : i32
      %dma_wait3A_913 = arith.constant 0 : i32
      %dma_wait3A_914 = tpu.memref_slice %arg6[%dma_wait3A_909, %dma_wait3A_911, %dma_wait3A_912, %dma_wait3A_913] : memref<2x8x50x64xf32, #tpu.memory_space<vmem>> -> memref<1x8x50x64xf32, #tpu.memory_space<vmem>>
      %dma_wait3A_915 = tpu.memref_squeeze %dma_wait3A_914 : memref<1x8x50x64xf32, #tpu.memory_space<vmem>> -> memref<8x50x64xf32, #tpu.memory_space<vmem>>
      %dma_wait3A_916 = arith.constant 0 : i32
      %dma_wait3A_917 = arith.constant 0 : i32
      %dma_wait3A_918 = tpu.memref_slice %dma_wait3A_915[%dma_wait3A_910, %dma_wait3A_916, %dma_wait3A_917] : memref<8x50x64xf32, #tpu.memory_space<vmem>> -> memref<1x50x64xf32, #tpu.memory_space<vmem>>
      %dma_wait3A_919 = tpu.memref_squeeze %dma_wait3A_918 : memref<1x50x64xf32, #tpu.memory_space<vmem>> -> memref<50x64xf32, #tpu.memory_space<vmem>>
      %dma_wait3A_920 = arith.constant 0 : i32
      %dma_wait3A_921 = tpu.memref_slice %arg5[%dma_wait3A_908, %dma_wait3A_920] : memref<128x50xi32, #tpu.memory_space<vmem>> -> memref<1x50xi32, #tpu.memory_space<vmem>>
      %dma_wait3A_922 = tpu.memref_squeeze %dma_wait3A_921 : memref<1x50xi32, #tpu.memory_space<vmem>> -> memref<50xi32, #tpu.memory_space<vmem>>
      %dma_wait3A_923 = arith.constant 0 : i32
      %dma_wait3A_924 = arith.constant 0 : i32
      %dma_wait3A_925 = tpu.memref_slice %arg3[%dma_wait3A_923, %dma_wait3A_924] : memref<100000x64xf32, #tpu.memory_space<hbm>> -> memref<100000x64xf32, #tpu.memory_space<hbm>>
      tpu.wait_indirect_dma semaphore(%arg8 : memref<!tpu.dma_semaphore, #tpu.memory_space<semaphore_mem>>) src(%dma_wait3A_925 : memref<100000x64xf32, #tpu.memory_space<hbm>>) dst(%dma_wait3A_919 : memref<50x64xf32, #tpu.memory_space<vmem>>)
      %dma_wait3A_926 = arith.constant 0 : i32
      %dma_wait3A_927 = arith.constant 1 : i32
      %dma_wait3A_928 = arith.constant 4 : i32
      %dma_wait3A_929 = arith.constant 0 : i32
      %dma_wait3A_930 = arith.constant 0 : i32
      %dma_wait3A_931 = arith.constant 0 : i32
      %dma_wait3A_932 = tpu.memref_slice %arg6[%dma_wait3A_927, %dma_wait3A_929, %dma_wait3A_930, %dma_wait3A_931] : memref<2x8x50x64xf32, #tpu.memory_space<vmem>> -> memref<1x8x50x64xf32, #tpu.memory_space<vmem>>
      %dma_wait3A_933 = tpu.memref_squeeze %dma_wait3A_932 : memref<1x8x50x64xf32, #tpu.memory_space<vmem>> -> memref<8x50x64xf32, #tpu.memory_space<vmem>>
      %dma_wait3A_934 = arith.constant 0 : i32
      %dma_wait3A_935 = arith.constant 0 : i32
      %dma_wait3A_936 = tpu.memref_slice %dma_wait3A_933[%dma_wait3A_928, %dma_wait3A_934, %dma_wait3A_935] : memref<8x50x64xf32, #tpu.memory_space<vmem>> -> memref<1x50x64xf32, #tpu.memory_space<vmem>>
      %dma_wait3A_937 = tpu.memref_squeeze %dma_wait3A_936 : memref<1x50x64xf32, #tpu.memory_space<vmem>> -> memref<50x64xf32, #tpu.memory_space<vmem>>
      %dma_wait3A_938 = arith.constant 0 : i32
      %dma_wait3A_939 = tpu.memref_slice %arg5[%dma_wait3A_926, %dma_wait3A_938] : memref<128x50xi32, #tpu.memory_space<vmem>> -> memref<1x50xi32, #tpu.memory_space<vmem>>
      %dma_wait3A_940 = tpu.memref_squeeze %dma_wait3A_939 : memref<1x50xi32, #tpu.memory_space<vmem>> -> memref<50xi32, #tpu.memory_space<vmem>>
      %dma_wait3A_941 = arith.constant 0 : i32
      %dma_wait3A_942 = arith.constant 0 : i32
      %dma_wait3A_943 = tpu.memref_slice %arg3[%dma_wait3A_941, %dma_wait3A_942] : memref<100000x64xf32, #tpu.memory_space<hbm>> -> memref<100000x64xf32, #tpu.memory_space<hbm>>
      tpu.wait_indirect_dma semaphore(%arg8 : memref<!tpu.dma_semaphore, #tpu.memory_space<semaphore_mem>>) src(%dma_wait3A_943 : memref<100000x64xf32, #tpu.memory_space<hbm>>) dst(%dma_wait3A_937 : memref<50x64xf32, #tpu.memory_space<vmem>>)
      %dma_wait3A_944 = arith.constant 0 : i32
      %dma_wait3A_945 = arith.constant 1 : i32
      %dma_wait3A_946 = arith.constant 5 : i32
      %dma_wait3A_947 = arith.constant 0 : i32
      %dma_wait3A_948 = arith.constant 0 : i32
      %dma_wait3A_949 = arith.constant 0 : i32
      %dma_wait3A_950 = tpu.memref_slice %arg6[%dma_wait3A_945, %dma_wait3A_947, %dma_wait3A_948, %dma_wait3A_949] : memref<2x8x50x64xf32, #tpu.memory_space<vmem>> -> memref<1x8x50x64xf32, #tpu.memory_space<vmem>>
      %dma_wait3A_951 = tpu.memref_squeeze %dma_wait3A_950 : memref<1x8x50x64xf32, #tpu.memory_space<vmem>> -> memref<8x50x64xf32, #tpu.memory_space<vmem>>
      %dma_wait3A_952 = arith.constant 0 : i32
      %dma_wait3A_953 = arith.constant 0 : i32
      %dma_wait3A_954 = tpu.memref_slice %dma_wait3A_951[%dma_wait3A_946, %dma_wait3A_952, %dma_wait3A_953] : memref<8x50x64xf32, #tpu.memory_space<vmem>> -> memref<1x50x64xf32, #tpu.memory_space<vmem>>
      %dma_wait3A_955 = tpu.memref_squeeze %dma_wait3A_954 : memref<1x50x64xf32, #tpu.memory_space<vmem>> -> memref<50x64xf32, #tpu.memory_space<vmem>>
      %dma_wait3A_956 = arith.constant 0 : i32
      %dma_wait3A_957 = tpu.memref_slice %arg5[%dma_wait3A_944, %dma_wait3A_956] : memref<128x50xi32, #tpu.memory_space<vmem>> -> memref<1x50xi32, #tpu.memory_space<vmem>>
      %dma_wait3A_958 = tpu.memref_squeeze %dma_wait3A_957 : memref<1x50xi32, #tpu.memory_space<vmem>> -> memref<50xi32, #tpu.memory_space<vmem>>
      %dma_wait3A_959 = arith.constant 0 : i32
      %dma_wait3A_960 = arith.constant 0 : i32
      %dma_wait3A_961 = tpu.memref_slice %arg3[%dma_wait3A_959, %dma_wait3A_960] : memref<100000x64xf32, #tpu.memory_space<hbm>> -> memref<100000x64xf32, #tpu.memory_space<hbm>>
      tpu.wait_indirect_dma semaphore(%arg8 : memref<!tpu.dma_semaphore, #tpu.memory_space<semaphore_mem>>) src(%dma_wait3A_961 : memref<100000x64xf32, #tpu.memory_space<hbm>>) dst(%dma_wait3A_955 : memref<50x64xf32, #tpu.memory_space<vmem>>)
      %dma_wait3A_962 = arith.constant 0 : i32
      %dma_wait3A_963 = arith.constant 1 : i32
      %dma_wait3A_964 = arith.constant 6 : i32
      %dma_wait3A_965 = arith.constant 0 : i32
      %dma_wait3A_966 = arith.constant 0 : i32
      %dma_wait3A_967 = arith.constant 0 : i32
      %dma_wait3A_968 = tpu.memref_slice %arg6[%dma_wait3A_963, %dma_wait3A_965, %dma_wait3A_966, %dma_wait3A_967] : memref<2x8x50x64xf32, #tpu.memory_space<vmem>> -> memref<1x8x50x64xf32, #tpu.memory_space<vmem>>
      %dma_wait3A_969 = tpu.memref_squeeze %dma_wait3A_968 : memref<1x8x50x64xf32, #tpu.memory_space<vmem>> -> memref<8x50x64xf32, #tpu.memory_space<vmem>>
      %dma_wait3A_970 = arith.constant 0 : i32
      %dma_wait3A_971 = arith.constant 0 : i32
      %dma_wait3A_972 = tpu.memref_slice %dma_wait3A_969[%dma_wait3A_964, %dma_wait3A_970, %dma_wait3A_971] : memref<8x50x64xf32, #tpu.memory_space<vmem>> -> memref<1x50x64xf32, #tpu.memory_space<vmem>>
      %dma_wait3A_973 = tpu.memref_squeeze %dma_wait3A_972 : memref<1x50x64xf32, #tpu.memory_space<vmem>> -> memref<50x64xf32, #tpu.memory_space<vmem>>
      %dma_wait3A_974 = arith.constant 0 : i32
      %dma_wait3A_975 = tpu.memref_slice %arg5[%dma_wait3A_962, %dma_wait3A_974] : memref<128x50xi32, #tpu.memory_space<vmem>> -> memref<1x50xi32, #tpu.memory_space<vmem>>
      %dma_wait3A_976 = tpu.memref_squeeze %dma_wait3A_975 : memref<1x50xi32, #tpu.memory_space<vmem>> -> memref<50xi32, #tpu.memory_space<vmem>>
      %dma_wait3A_977 = arith.constant 0 : i32
      %dma_wait3A_978 = arith.constant 0 : i32
      %dma_wait3A_979 = tpu.memref_slice %arg3[%dma_wait3A_977, %dma_wait3A_978] : memref<100000x64xf32, #tpu.memory_space<hbm>> -> memref<100000x64xf32, #tpu.memory_space<hbm>>
      tpu.wait_indirect_dma semaphore(%arg8 : memref<!tpu.dma_semaphore, #tpu.memory_space<semaphore_mem>>) src(%dma_wait3A_979 : memref<100000x64xf32, #tpu.memory_space<hbm>>) dst(%dma_wait3A_973 : memref<50x64xf32, #tpu.memory_space<vmem>>)
      %dma_wait3A_980 = arith.constant 0 : i32
      %dma_wait3A_981 = arith.constant 1 : i32
      %dma_wait3A_982 = arith.constant 7 : i32
      %dma_wait3A_983 = arith.constant 0 : i32
      %dma_wait3A_984 = arith.constant 0 : i32
      %dma_wait3A_985 = arith.constant 0 : i32
      %dma_wait3A_986 = tpu.memref_slice %arg6[%dma_wait3A_981, %dma_wait3A_983, %dma_wait3A_984, %dma_wait3A_985] : memref<2x8x50x64xf32, #tpu.memory_space<vmem>> -> memref<1x8x50x64xf32, #tpu.memory_space<vmem>>
      %dma_wait3A_987 = tpu.memref_squeeze %dma_wait3A_986 : memref<1x8x50x64xf32, #tpu.memory_space<vmem>> -> memref<8x50x64xf32, #tpu.memory_space<vmem>>
      %dma_wait3A_988 = arith.constant 0 : i32
      %dma_wait3A_989 = arith.constant 0 : i32
      %dma_wait3A_990 = tpu.memref_slice %dma_wait3A_987[%dma_wait3A_982, %dma_wait3A_988, %dma_wait3A_989] : memref<8x50x64xf32, #tpu.memory_space<vmem>> -> memref<1x50x64xf32, #tpu.memory_space<vmem>>
      %dma_wait3A_991 = tpu.memref_squeeze %dma_wait3A_990 : memref<1x50x64xf32, #tpu.memory_space<vmem>> -> memref<50x64xf32, #tpu.memory_space<vmem>>
      %dma_wait3A_992 = arith.constant 0 : i32
      %dma_wait3A_993 = tpu.memref_slice %arg5[%dma_wait3A_980, %dma_wait3A_992] : memref<128x50xi32, #tpu.memory_space<vmem>> -> memref<1x50xi32, #tpu.memory_space<vmem>>
      %dma_wait3A_994 = tpu.memref_squeeze %dma_wait3A_993 : memref<1x50xi32, #tpu.memory_space<vmem>> -> memref<50xi32, #tpu.memory_space<vmem>>
      %dma_wait3A_995 = arith.constant 0 : i32
      %dma_wait3A_996 = arith.constant 0 : i32
      %dma_wait3A_997 = tpu.memref_slice %arg3[%dma_wait3A_995, %dma_wait3A_996] : memref<100000x64xf32, #tpu.memory_space<hbm>> -> memref<100000x64xf32, #tpu.memory_space<hbm>>
      tpu.wait_indirect_dma semaphore(%arg8 : memref<!tpu.dma_semaphore, #tpu.memory_space<semaphore_mem>>) src(%dma_wait3A_997 : memref<100000x64xf32, #tpu.memory_space<hbm>>) dst(%dma_wait3A_991 : memref<50x64xf32, #tpu.memory_space<vmem>>)
      %mul3A_998 = arith.constant 8 : i32
      %mul3A_999 = arith.muli %add3A_662, %mul3A_998 : i32
      %add3A_1000 = arith.addi %mul3A_2, %mul3A_999 : i32
      %dma_start3A_1001 = arith.constant 1 : i32
      %dma_start3A_1002 = arith.constant 0 : i32
      %dma_start3A_1003 = arith.constant 0 : i32
      %dma_start3A_1004 = arith.constant 0 : i32
      %dma_start3A_1005 = tpu.memref_slice %arg6[%dma_start3A_1001, %dma_start3A_1002, %dma_start3A_1003, %dma_start3A_1004] : memref<2x8x50x64xf32, #tpu.memory_space<vmem>> -> memref<1x8x50x64xf32, #tpu.memory_space<vmem>>
      %dma_start3A_1006 = tpu.memref_squeeze %dma_start3A_1005 : memref<1x8x50x64xf32, #tpu.memory_space<vmem>> -> memref<8x50x64xf32, #tpu.memory_space<vmem>>
      %dma_start3A_1007 = arith.constant 0 : i32
      %dma_start3A_1008 = arith.constant 0 : i32
      %dma_start3A_1009 = tpu.memref_slice %arg4[%add3A_1000, %dma_start3A_1007, %dma_start3A_1008] : memref<4096x56x128xf32, #tpu.memory_space<hbm>> -> memref<8x50x64xf32, #tpu.memory_space<hbm>>
      %dma_start3A_1010 = arith.constant 0 : i32
      %dma_start3A_1011 = arith.constant 0 : i32
      %dma_start3A_1012 = tpu.memref_slice %arg4[%add3A_1000, %dma_start3A_1010, %dma_start3A_1011] : memref<4096x56x128xf32, #tpu.memory_space<hbm>> -> memref<8x50x64xf32, #tpu.memory_space<hbm>>
      %dma_start3A_1013 = arith.constant 0 : i32
      %dma_start3A_1014 = arith.constant 0 : i32
      %dma_start3A_1015 = arith.constant 0 : i32
      %dma_start3A_1016 = tpu.memref_slice %arg6[%dma_start3A_1001, %dma_start3A_1013, %dma_start3A_1014, %dma_start3A_1015] : memref<2x8x50x64xf32, #tpu.memory_space<vmem>> -> memref<1x8x50x64xf32, #tpu.memory_space<vmem>>
      %dma_start3A_1017 = tpu.memref_squeeze %dma_start3A_1016 : memref<1x8x50x64xf32, #tpu.memory_space<vmem>> -> memref<8x50x64xf32, #tpu.memory_space<vmem>>
      tpu.enqueue_dma source(%dma_start3A_1017 : memref<8x50x64xf32, #tpu.memory_space<vmem>>) target(%dma_start3A_1012 : memref<8x50x64xf32, #tpu.memory_space<hbm>>) target_semaphore(%arg10 : memref<!tpu.dma_semaphore, #tpu.memory_space<semaphore_mem>>)
      %mul3A_1018 = arith.constant 2 : i32
      %mul3A_1019 = arith.muli %mul3A_1018, %scan3A_658 : i32
      %add3A_1020 = arith.constant 2 : i32
      %add3A_1021 = arith.addi %mul3A_1019, %add3A_1020 : i32
      %sub3A_1022 = arith.constant 1 : i32
      %sub3A_1023 = arith.subi %add3A_1021, %sub3A_1022 : i32
      %mul3A_1024 = arith.constant 8 : i32
      %mul3A_1025 = arith.muli %sub3A_1023, %mul3A_1024 : i32
      %add3A_1026 = arith.addi %mul3A_2, %mul3A_1025 : i32
      %dma_wait3A_1027 = arith.constant 1 : i32
      %dma_wait3A_1028 = arith.constant 0 : i32
      %dma_wait3A_1029 = arith.constant 0 : i32
      %dma_wait3A_1030 = arith.constant 0 : i32
      %dma_wait3A_1031 = tpu.memref_slice %arg6[%dma_wait3A_1027, %dma_wait3A_1028, %dma_wait3A_1029, %dma_wait3A_1030] : memref<2x8x50x64xf32, #tpu.memory_space<vmem>> -> memref<1x8x50x64xf32, #tpu.memory_space<vmem>>
      %dma_wait3A_1032 = tpu.memref_squeeze %dma_wait3A_1031 : memref<1x8x50x64xf32, #tpu.memory_space<vmem>> -> memref<8x50x64xf32, #tpu.memory_space<vmem>>
      %dma_wait3A_1033 = arith.constant 0 : i32
      %dma_wait3A_1034 = arith.constant 0 : i32
      %dma_wait3A_1035 = tpu.memref_slice %arg4[%add3A_1026, %dma_wait3A_1033, %dma_wait3A_1034] : memref<4096x56x128xf32, #tpu.memory_space<hbm>> -> memref<8x50x64xf32, #tpu.memory_space<hbm>>
      %dma_wait3A_1036 = arith.constant 0 : i32
      %dma_wait3A_1037 = arith.constant 0 : i32
      %dma_wait3A_1038 = tpu.memref_slice %arg4[%add3A_1026, %dma_wait3A_1036, %dma_wait3A_1037] : memref<4096x56x128xf32, #tpu.memory_space<hbm>> -> memref<8x50x64xf32, #tpu.memory_space<hbm>>
      %dma_wait3A_1039 = arith.constant 0 : i32
      %dma_wait3A_1040 = arith.constant 0 : i32
      %dma_wait3A_1041 = arith.constant 0 : i32
      %dma_wait3A_1042 = tpu.memref_slice %arg6[%dma_wait3A_1027, %dma_wait3A_1039, %dma_wait3A_1040, %dma_wait3A_1041] : memref<2x8x50x64xf32, #tpu.memory_space<vmem>> -> memref<1x8x50x64xf32, #tpu.memory_space<vmem>>
      %dma_wait3A_1043 = tpu.memref_squeeze %dma_wait3A_1042 : memref<1x8x50x64xf32, #tpu.memory_space<vmem>> -> memref<8x50x64xf32, #tpu.memory_space<vmem>>
      tpu.wait_dma2 semaphore(%arg10 : memref<!tpu.dma_semaphore, #tpu.memory_space<semaphore_mem>>) src(%dma_wait3A_1043 : memref<8x50x64xf32, #tpu.memory_space<vmem>>) dst(%dma_wait3A_1038 : memref<8x50x64xf32, #tpu.memory_space<hbm>>)
      %add3A_1044 = arith.constant 1 : i32
      %add3A_1045 = arith.addi %add3A_1021, %add3A_1044 : i32
      %mul3A_1046 = arith.constant 8 : i32
      %mul3A_1047 = arith.muli %add3A_1045, %mul3A_1046 : i32
      %add3A_1048 = arith.constant 0 : i32
      %add3A_1049 = arith.addi %mul3A_1047, %add3A_1048 : i32
      %dma_start3A_1050 = arith.constant 1 : i32
      %dma_start3A_1051 = arith.constant 0 : i32
      %dma_start3A_1052 = arith.constant 0 : i32
      %dma_start3A_1053 = arith.constant 0 : i32
      %dma_start3A_1054 = arith.constant 0 : i32
      %dma_start3A_1055 = tpu.memref_slice %arg6[%dma_start3A_1050, %dma_start3A_1052, %dma_start3A_1053, %dma_start3A_1054] : memref<2x8x50x64xf32, #tpu.memory_space<vmem>> -> memref<1x8x50x64xf32, #tpu.memory_space<vmem>>
      %dma_start3A_1056 = tpu.memref_squeeze %dma_start3A_1055 : memref<1x8x50x64xf32, #tpu.memory_space<vmem>> -> memref<8x50x64xf32, #tpu.memory_space<vmem>>
      %dma_start3A_1057 = arith.constant 0 : i32
      %dma_start3A_1058 = arith.constant 0 : i32
      %dma_start3A_1059 = tpu.memref_slice %dma_start3A_1056[%dma_start3A_1051, %dma_start3A_1057, %dma_start3A_1058] : memref<8x50x64xf32, #tpu.memory_space<vmem>> -> memref<1x50x64xf32, #tpu.memory_space<vmem>>
      %dma_start3A_1060 = tpu.memref_squeeze %dma_start3A_1059 : memref<1x50x64xf32, #tpu.memory_space<vmem>> -> memref<50x64xf32, #tpu.memory_space<vmem>>
      %dma_start3A_1061 = arith.constant 0 : i32
      %dma_start3A_1062 = tpu.memref_slice %arg5[%add3A_1049, %dma_start3A_1061] : memref<128x50xi32, #tpu.memory_space<vmem>> -> memref<1x50xi32, #tpu.memory_space<vmem>>
      %dma_start3A_1063 = tpu.memref_squeeze %dma_start3A_1062 : memref<1x50xi32, #tpu.memory_space<vmem>> -> memref<50xi32, #tpu.memory_space<vmem>>
      %dma_start3A_1064 = arith.constant 0 : i32
      %dma_start3A_1065 = arith.constant 0 : i32
      %dma_start3A_1066 = tpu.memref_slice %arg3[%dma_start3A_1064, %dma_start3A_1065] : memref<100000x64xf32, #tpu.memory_space<hbm>> -> memref<100000x64xf32, #tpu.memory_space<hbm>>
      tpu.enqueue_indirect_dma source(%dma_start3A_1066 : memref<100000x64xf32, #tpu.memory_space<hbm>>) target(%dma_start3A_1060 : memref<50x64xf32, #tpu.memory_space<vmem>>) offsets(%dma_start3A_1063 : memref<50xi32, #tpu.memory_space<vmem>>) semaphore(%arg8 : memref<!tpu.dma_semaphore, #tpu.memory_space<semaphore_mem>>)
      %mul3A_1067 = arith.constant 8 : i32
      %mul3A_1068 = arith.muli %add3A_1045, %mul3A_1067 : i32
      %add3A_1069 = arith.constant 1 : i32
      %add3A_1070 = arith.addi %mul3A_1068, %add3A_1069 : i32
      %dma_start3A_1071 = arith.constant 1 : i32
      %dma_start3A_1072 = arith.constant 1 : i32
      %dma_start3A_1073 = arith.constant 0 : i32
      %dma_start3A_1074 = arith.constant 0 : i32
      %dma_start3A_1075 = arith.constant 0 : i32
      %dma_start3A_1076 = tpu.memref_slice %arg6[%dma_start3A_1071, %dma_start3A_1073, %dma_start3A_1074, %dma_start3A_1075] : memref<2x8x50x64xf32, #tpu.memory_space<vmem>> -> memref<1x8x50x64xf32, #tpu.memory_space<vmem>>
      %dma_start3A_1077 = tpu.memref_squeeze %dma_start3A_1076 : memref<1x8x50x64xf32, #tpu.memory_space<vmem>> -> memref<8x50x64xf32, #tpu.memory_space<vmem>>
      %dma_start3A_1078 = arith.constant 0 : i32
      %dma_start3A_1079 = arith.constant 0 : i32
      %dma_start3A_1080 = tpu.memref_slice %dma_start3A_1077[%dma_start3A_1072, %dma_start3A_1078, %dma_start3A_1079] : memref<8x50x64xf32, #tpu.memory_space<vmem>> -> memref<1x50x64xf32, #tpu.memory_space<vmem>>
      %dma_start3A_1081 = tpu.memref_squeeze %dma_start3A_1080 : memref<1x50x64xf32, #tpu.memory_space<vmem>> -> memref<50x64xf32, #tpu.memory_space<vmem>>
      %dma_start3A_1082 = arith.constant 0 : i32
      %dma_start3A_1083 = tpu.memref_slice %arg5[%add3A_1070, %dma_start3A_1082] : memref<128x50xi32, #tpu.memory_space<vmem>> -> memref<1x50xi32, #tpu.memory_space<vmem>>
      %dma_start3A_1084 = tpu.memref_squeeze %dma_start3A_1083 : memref<1x50xi32, #tpu.memory_space<vmem>> -> memref<50xi32, #tpu.memory_space<vmem>>
      %dma_start3A_1085 = arith.constant 0 : i32
      %dma_start3A_1086 = arith.constant 0 : i32
      %dma_start3A_1087 = tpu.memref_slice %arg3[%dma_start3A_1085, %dma_start3A_1086] : memref<100000x64xf32, #tpu.memory_space<hbm>> -> memref<100000x64xf32, #tpu.memory_space<hbm>>
      tpu.enqueue_indirect_dma source(%dma_start3A_1087 : memref<100000x64xf32, #tpu.memory_space<hbm>>) target(%dma_start3A_1081 : memref<50x64xf32, #tpu.memory_space<vmem>>) offsets(%dma_start3A_1084 : memref<50xi32, #tpu.memory_space<vmem>>) semaphore(%arg8 : memref<!tpu.dma_semaphore, #tpu.memory_space<semaphore_mem>>)
      %mul3A_1088 = arith.constant 8 : i32
      %mul3A_1089 = arith.muli %add3A_1045, %mul3A_1088 : i32
      %add3A_1090 = arith.constant 2 : i32
      %add3A_1091 = arith.addi %mul3A_1089, %add3A_1090 : i32
      %dma_start3A_1092 = arith.constant 1 : i32
      %dma_start3A_1093 = arith.constant 2 : i32
      %dma_start3A_1094 = arith.constant 0 : i32
      %dma_start3A_1095 = arith.constant 0 : i32
      %dma_start3A_1096 = arith.constant 0 : i32
      %dma_start3A_1097 = tpu.memref_slice %arg6[%dma_start3A_1092, %dma_start3A_1094, %dma_start3A_1095, %dma_start3A_1096] : memref<2x8x50x64xf32, #tpu.memory_space<vmem>> -> memref<1x8x50x64xf32, #tpu.memory_space<vmem>>
      %dma_start3A_1098 = tpu.memref_squeeze %dma_start3A_1097 : memref<1x8x50x64xf32, #tpu.memory_space<vmem>> -> memref<8x50x64xf32, #tpu.memory_space<vmem>>
      %dma_start3A_1099 = arith.constant 0 : i32
      %dma_start3A_1100 = arith.constant 0 : i32
      %dma_start3A_1101 = tpu.memref_slice %dma_start3A_1098[%dma_start3A_1093, %dma_start3A_1099, %dma_start3A_1100] : memref<8x50x64xf32, #tpu.memory_space<vmem>> -> memref<1x50x64xf32, #tpu.memory_space<vmem>>
      %dma_start3A_1102 = tpu.memref_squeeze %dma_start3A_1101 : memref<1x50x64xf32, #tpu.memory_space<vmem>> -> memref<50x64xf32, #tpu.memory_space<vmem>>
      %dma_start3A_1103 = arith.constant 0 : i32
      %dma_start3A_1104 = tpu.memref_slice %arg5[%add3A_1091, %dma_start3A_1103] : memref<128x50xi32, #tpu.memory_space<vmem>> -> memref<1x50xi32, #tpu.memory_space<vmem>>
      %dma_start3A_1105 = tpu.memref_squeeze %dma_start3A_1104 : memref<1x50xi32, #tpu.memory_space<vmem>> -> memref<50xi32, #tpu.memory_space<vmem>>
      %dma_start3A_1106 = arith.constant 0 : i32
      %dma_start3A_1107 = arith.constant 0 : i32
      %dma_start3A_1108 = tpu.memref_slice %arg3[%dma_start3A_1106, %dma_start3A_1107] : memref<100000x64xf32, #tpu.memory_space<hbm>> -> memref<100000x64xf32, #tpu.memory_space<hbm>>
      tpu.enqueue_indirect_dma source(%dma_start3A_1108 : memref<100000x64xf32, #tpu.memory_space<hbm>>) target(%dma_start3A_1102 : memref<50x64xf32, #tpu.memory_space<vmem>>) offsets(%dma_start3A_1105 : memref<50xi32, #tpu.memory_space<vmem>>) semaphore(%arg8 : memref<!tpu.dma_semaphore, #tpu.memory_space<semaphore_mem>>)
      %mul3A_1109 = arith.constant 8 : i32
      %mul3A_1110 = arith.muli %add3A_1045, %mul3A_1109 : i32
      %add3A_1111 = arith.constant 3 : i32
      %add3A_1112 = arith.addi %mul3A_1110, %add3A_1111 : i32
      %dma_start3A_1113 = arith.constant 1 : i32
      %dma_start3A_1114 = arith.constant 3 : i32
      %dma_start3A_1115 = arith.constant 0 : i32
      %dma_start3A_1116 = arith.constant 0 : i32
      %dma_start3A_1117 = arith.constant 0 : i32
      %dma_start3A_1118 = tpu.memref_slice %arg6[%dma_start3A_1113, %dma_start3A_1115, %dma_start3A_1116, %dma_start3A_1117] : memref<2x8x50x64xf32, #tpu.memory_space<vmem>> -> memref<1x8x50x64xf32, #tpu.memory_space<vmem>>
      %dma_start3A_1119 = tpu.memref_squeeze %dma_start3A_1118 : memref<1x8x50x64xf32, #tpu.memory_space<vmem>> -> memref<8x50x64xf32, #tpu.memory_space<vmem>>
      %dma_start3A_1120 = arith.constant 0 : i32
      %dma_start3A_1121 = arith.constant 0 : i32
      %dma_start3A_1122 = tpu.memref_slice %dma_start3A_1119[%dma_start3A_1114, %dma_start3A_1120, %dma_start3A_1121] : memref<8x50x64xf32, #tpu.memory_space<vmem>> -> memref<1x50x64xf32, #tpu.memory_space<vmem>>
      %dma_start3A_1123 = tpu.memref_squeeze %dma_start3A_1122 : memref<1x50x64xf32, #tpu.memory_space<vmem>> -> memref<50x64xf32, #tpu.memory_space<vmem>>
      %dma_start3A_1124 = arith.constant 0 : i32
      %dma_start3A_1125 = tpu.memref_slice %arg5[%add3A_1112, %dma_start3A_1124] : memref<128x50xi32, #tpu.memory_space<vmem>> -> memref<1x50xi32, #tpu.memory_space<vmem>>
      %dma_start3A_1126 = tpu.memref_squeeze %dma_start3A_1125 : memref<1x50xi32, #tpu.memory_space<vmem>> -> memref<50xi32, #tpu.memory_space<vmem>>
      %dma_start3A_1127 = arith.constant 0 : i32
      %dma_start3A_1128 = arith.constant 0 : i32
      %dma_start3A_1129 = tpu.memref_slice %arg3[%dma_start3A_1127, %dma_start3A_1128] : memref<100000x64xf32, #tpu.memory_space<hbm>> -> memref<100000x64xf32, #tpu.memory_space<hbm>>
      tpu.enqueue_indirect_dma source(%dma_start3A_1129 : memref<100000x64xf32, #tpu.memory_space<hbm>>) target(%dma_start3A_1123 : memref<50x64xf32, #tpu.memory_space<vmem>>) offsets(%dma_start3A_1126 : memref<50xi32, #tpu.memory_space<vmem>>) semaphore(%arg8 : memref<!tpu.dma_semaphore, #tpu.memory_space<semaphore_mem>>)
      %mul3A_1130 = arith.constant 8 : i32
      %mul3A_1131 = arith.muli %add3A_1045, %mul3A_1130 : i32
      %add3A_1132 = arith.constant 4 : i32
      %add3A_1133 = arith.addi %mul3A_1131, %add3A_1132 : i32
      %dma_start3A_1134 = arith.constant 1 : i32
      %dma_start3A_1135 = arith.constant 4 : i32
      %dma_start3A_1136 = arith.constant 0 : i32
      %dma_start3A_1137 = arith.constant 0 : i32
      %dma_start3A_1138 = arith.constant 0 : i32
      %dma_start3A_1139 = tpu.memref_slice %arg6[%dma_start3A_1134, %dma_start3A_1136, %dma_start3A_1137, %dma_start3A_1138] : memref<2x8x50x64xf32, #tpu.memory_space<vmem>> -> memref<1x8x50x64xf32, #tpu.memory_space<vmem>>
      %dma_start3A_1140 = tpu.memref_squeeze %dma_start3A_1139 : memref<1x8x50x64xf32, #tpu.memory_space<vmem>> -> memref<8x50x64xf32, #tpu.memory_space<vmem>>
      %dma_start3A_1141 = arith.constant 0 : i32
      %dma_start3A_1142 = arith.constant 0 : i32
      %dma_start3A_1143 = tpu.memref_slice %dma_start3A_1140[%dma_start3A_1135, %dma_start3A_1141, %dma_start3A_1142] : memref<8x50x64xf32, #tpu.memory_space<vmem>> -> memref<1x50x64xf32, #tpu.memory_space<vmem>>
      %dma_start3A_1144 = tpu.memref_squeeze %dma_start3A_1143 : memref<1x50x64xf32, #tpu.memory_space<vmem>> -> memref<50x64xf32, #tpu.memory_space<vmem>>
      %dma_start3A_1145 = arith.constant 0 : i32
      %dma_start3A_1146 = tpu.memref_slice %arg5[%add3A_1133, %dma_start3A_1145] : memref<128x50xi32, #tpu.memory_space<vmem>> -> memref<1x50xi32, #tpu.memory_space<vmem>>
      %dma_start3A_1147 = tpu.memref_squeeze %dma_start3A_1146 : memref<1x50xi32, #tpu.memory_space<vmem>> -> memref<50xi32, #tpu.memory_space<vmem>>
      %dma_start3A_1148 = arith.constant 0 : i32
      %dma_start3A_1149 = arith.constant 0 : i32
      %dma_start3A_1150 = tpu.memref_slice %arg3[%dma_start3A_1148, %dma_start3A_1149] : memref<100000x64xf32, #tpu.memory_space<hbm>> -> memref<100000x64xf32, #tpu.memory_space<hbm>>
      tpu.enqueue_indirect_dma source(%dma_start3A_1150 : memref<100000x64xf32, #tpu.memory_space<hbm>>) target(%dma_start3A_1144 : memref<50x64xf32, #tpu.memory_space<vmem>>) offsets(%dma_start3A_1147 : memref<50xi32, #tpu.memory_space<vmem>>) semaphore(%arg8 : memref<!tpu.dma_semaphore, #tpu.memory_space<semaphore_mem>>)
      %mul3A_1151 = arith.constant 8 : i32
      %mul3A_1152 = arith.muli %add3A_1045, %mul3A_1151 : i32
      %add3A_1153 = arith.constant 5 : i32
      %add3A_1154 = arith.addi %mul3A_1152, %add3A_1153 : i32
      %dma_start3A_1155 = arith.constant 1 : i32
      %dma_start3A_1156 = arith.constant 5 : i32
      %dma_start3A_1157 = arith.constant 0 : i32
      %dma_start3A_1158 = arith.constant 0 : i32
      %dma_start3A_1159 = arith.constant 0 : i32
      %dma_start3A_1160 = tpu.memref_slice %arg6[%dma_start3A_1155, %dma_start3A_1157, %dma_start3A_1158, %dma_start3A_1159] : memref<2x8x50x64xf32, #tpu.memory_space<vmem>> -> memref<1x8x50x64xf32, #tpu.memory_space<vmem>>
      %dma_start3A_1161 = tpu.memref_squeeze %dma_start3A_1160 : memref<1x8x50x64xf32, #tpu.memory_space<vmem>> -> memref<8x50x64xf32, #tpu.memory_space<vmem>>
      %dma_start3A_1162 = arith.constant 0 : i32
      %dma_start3A_1163 = arith.constant 0 : i32
      %dma_start3A_1164 = tpu.memref_slice %dma_start3A_1161[%dma_start3A_1156, %dma_start3A_1162, %dma_start3A_1163] : memref<8x50x64xf32, #tpu.memory_space<vmem>> -> memref<1x50x64xf32, #tpu.memory_space<vmem>>
      %dma_start3A_1165 = tpu.memref_squeeze %dma_start3A_1164 : memref<1x50x64xf32, #tpu.memory_space<vmem>> -> memref<50x64xf32, #tpu.memory_space<vmem>>
      %dma_start3A_1166 = arith.constant 0 : i32
      %dma_start3A_1167 = tpu.memref_slice %arg5[%add3A_1154, %dma_start3A_1166] : memref<128x50xi32, #tpu.memory_space<vmem>> -> memref<1x50xi32, #tpu.memory_space<vmem>>
      %dma_start3A_1168 = tpu.memref_squeeze %dma_start3A_1167 : memref<1x50xi32, #tpu.memory_space<vmem>> -> memref<50xi32, #tpu.memory_space<vmem>>
      %dma_start3A_1169 = arith.constant 0 : i32
      %dma_start3A_1170 = arith.constant 0 : i32
      %dma_start3A_1171 = tpu.memref_slice %arg3[%dma_start3A_1169, %dma_start3A_1170] : memref<100000x64xf32, #tpu.memory_space<hbm>> -> memref<100000x64xf32, #tpu.memory_space<hbm>>
      tpu.enqueue_indirect_dma source(%dma_start3A_1171 : memref<100000x64xf32, #tpu.memory_space<hbm>>) target(%dma_start3A_1165 : memref<50x64xf32, #tpu.memory_space<vmem>>) offsets(%dma_start3A_1168 : memref<50xi32, #tpu.memory_space<vmem>>) semaphore(%arg8 : memref<!tpu.dma_semaphore, #tpu.memory_space<semaphore_mem>>)
      %mul3A_1172 = arith.constant 8 : i32
      %mul3A_1173 = arith.muli %add3A_1045, %mul3A_1172 : i32
      %add3A_1174 = arith.constant 6 : i32
      %add3A_1175 = arith.addi %mul3A_1173, %add3A_1174 : i32
      %dma_start3A_1176 = arith.constant 1 : i32
      %dma_start3A_1177 = arith.constant 6 : i32
      %dma_start3A_1178 = arith.constant 0 : i32
      %dma_start3A_1179 = arith.constant 0 : i32
      %dma_start3A_1180 = arith.constant 0 : i32
      %dma_start3A_1181 = tpu.memref_slice %arg6[%dma_start3A_1176, %dma_start3A_1178, %dma_start3A_1179, %dma_start3A_1180] : memref<2x8x50x64xf32, #tpu.memory_space<vmem>> -> memref<1x8x50x64xf32, #tpu.memory_space<vmem>>
      %dma_start3A_1182 = tpu.memref_squeeze %dma_start3A_1181 : memref<1x8x50x64xf32, #tpu.memory_space<vmem>> -> memref<8x50x64xf32, #tpu.memory_space<vmem>>
      %dma_start3A_1183 = arith.constant 0 : i32
      %dma_start3A_1184 = arith.constant 0 : i32
      %dma_start3A_1185 = tpu.memref_slice %dma_start3A_1182[%dma_start3A_1177, %dma_start3A_1183, %dma_start3A_1184] : memref<8x50x64xf32, #tpu.memory_space<vmem>> -> memref<1x50x64xf32, #tpu.memory_space<vmem>>
      %dma_start3A_1186 = tpu.memref_squeeze %dma_start3A_1185 : memref<1x50x64xf32, #tpu.memory_space<vmem>> -> memref<50x64xf32, #tpu.memory_space<vmem>>
      %dma_start3A_1187 = arith.constant 0 : i32
      %dma_start3A_1188 = tpu.memref_slice %arg5[%add3A_1175, %dma_start3A_1187] : memref<128x50xi32, #tpu.memory_space<vmem>> -> memref<1x50xi32, #tpu.memory_space<vmem>>
      %dma_start3A_1189 = tpu.memref_squeeze %dma_start3A_1188 : memref<1x50xi32, #tpu.memory_space<vmem>> -> memref<50xi32, #tpu.memory_space<vmem>>
      %dma_start3A_1190 = arith.constant 0 : i32
      %dma_start3A_1191 = arith.constant 0 : i32
      %dma_start3A_1192 = tpu.memref_slice %arg3[%dma_start3A_1190, %dma_start3A_1191] : memref<100000x64xf32, #tpu.memory_space<hbm>> -> memref<100000x64xf32, #tpu.memory_space<hbm>>
      tpu.enqueue_indirect_dma source(%dma_start3A_1192 : memref<100000x64xf32, #tpu.memory_space<hbm>>) target(%dma_start3A_1186 : memref<50x64xf32, #tpu.memory_space<vmem>>) offsets(%dma_start3A_1189 : memref<50xi32, #tpu.memory_space<vmem>>) semaphore(%arg8 : memref<!tpu.dma_semaphore, #tpu.memory_space<semaphore_mem>>)
      %mul3A_1193 = arith.constant 8 : i32
      %mul3A_1194 = arith.muli %add3A_1045, %mul3A_1193 : i32
      %add3A_1195 = arith.constant 7 : i32
      %add3A_1196 = arith.addi %mul3A_1194, %add3A_1195 : i32
      %dma_start3A_1197 = arith.constant 1 : i32
      %dma_start3A_1198 = arith.constant 7 : i32
      %dma_start3A_1199 = arith.constant 0 : i32
      %dma_start3A_1200 = arith.constant 0 : i32
      %dma_start3A_1201 = arith.constant 0 : i32
      %dma_start3A_1202 = tpu.memref_slice %arg6[%dma_start3A_1197, %dma_start3A_1199, %dma_start3A_1200, %dma_start3A_1201] : memref<2x8x50x64xf32, #tpu.memory_space<vmem>> -> memref<1x8x50x64xf32, #tpu.memory_space<vmem>>
      %dma_start3A_1203 = tpu.memref_squeeze %dma_start3A_1202 : memref<1x8x50x64xf32, #tpu.memory_space<vmem>> -> memref<8x50x64xf32, #tpu.memory_space<vmem>>
      %dma_start3A_1204 = arith.constant 0 : i32
      %dma_start3A_1205 = arith.constant 0 : i32
      %dma_start3A_1206 = tpu.memref_slice %dma_start3A_1203[%dma_start3A_1198, %dma_start3A_1204, %dma_start3A_1205] : memref<8x50x64xf32, #tpu.memory_space<vmem>> -> memref<1x50x64xf32, #tpu.memory_space<vmem>>
      %dma_start3A_1207 = tpu.memref_squeeze %dma_start3A_1206 : memref<1x50x64xf32, #tpu.memory_space<vmem>> -> memref<50x64xf32, #tpu.memory_space<vmem>>
      %dma_start3A_1208 = arith.constant 0 : i32
      %dma_start3A_1209 = tpu.memref_slice %arg5[%add3A_1196, %dma_start3A_1208] : memref<128x50xi32, #tpu.memory_space<vmem>> -> memref<1x50xi32, #tpu.memory_space<vmem>>
      %dma_start3A_1210 = tpu.memref_squeeze %dma_start3A_1209 : memref<1x50xi32, #tpu.memory_space<vmem>> -> memref<50xi32, #tpu.memory_space<vmem>>
      %dma_start3A_1211 = arith.constant 0 : i32
      %dma_start3A_1212 = arith.constant 0 : i32
      %dma_start3A_1213 = tpu.memref_slice %arg3[%dma_start3A_1211, %dma_start3A_1212] : memref<100000x64xf32, #tpu.memory_space<hbm>> -> memref<100000x64xf32, #tpu.memory_space<hbm>>
      tpu.enqueue_indirect_dma source(%dma_start3A_1213 : memref<100000x64xf32, #tpu.memory_space<hbm>>) target(%dma_start3A_1207 : memref<50x64xf32, #tpu.memory_space<vmem>>) offsets(%dma_start3A_1210 : memref<50xi32, #tpu.memory_space<vmem>>) semaphore(%arg8 : memref<!tpu.dma_semaphore, #tpu.memory_space<semaphore_mem>>)
      %dma_wait3A_1214 = arith.constant 0 : i32
      %dma_wait3A_1215 = arith.constant 0 : i32
      %dma_wait3A_1216 = arith.constant 0 : i32
      %dma_wait3A_1217 = arith.constant 0 : i32
      %dma_wait3A_1218 = arith.constant 0 : i32
      %dma_wait3A_1219 = arith.constant 0 : i32
      %dma_wait3A_1220 = tpu.memref_slice %arg6[%dma_wait3A_1215, %dma_wait3A_1217, %dma_wait3A_1218, %dma_wait3A_1219] : memref<2x8x50x64xf32, #tpu.memory_space<vmem>> -> memref<1x8x50x64xf32, #tpu.memory_space<vmem>>
      %dma_wait3A_1221 = tpu.memref_squeeze %dma_wait3A_1220 : memref<1x8x50x64xf32, #tpu.memory_space<vmem>> -> memref<8x50x64xf32, #tpu.memory_space<vmem>>
      %dma_wait3A_1222 = arith.constant 0 : i32
      %dma_wait3A_1223 = arith.constant 0 : i32
      %dma_wait3A_1224 = tpu.memref_slice %dma_wait3A_1221[%dma_wait3A_1216, %dma_wait3A_1222, %dma_wait3A_1223] : memref<8x50x64xf32, #tpu.memory_space<vmem>> -> memref<1x50x64xf32, #tpu.memory_space<vmem>>
      %dma_wait3A_1225 = tpu.memref_squeeze %dma_wait3A_1224 : memref<1x50x64xf32, #tpu.memory_space<vmem>> -> memref<50x64xf32, #tpu.memory_space<vmem>>
      %dma_wait3A_1226 = arith.constant 0 : i32
      %dma_wait3A_1227 = tpu.memref_slice %arg5[%dma_wait3A_1214, %dma_wait3A_1226] : memref<128x50xi32, #tpu.memory_space<vmem>> -> memref<1x50xi32, #tpu.memory_space<vmem>>
      %dma_wait3A_1228 = tpu.memref_squeeze %dma_wait3A_1227 : memref<1x50xi32, #tpu.memory_space<vmem>> -> memref<50xi32, #tpu.memory_space<vmem>>
      %dma_wait3A_1229 = arith.constant 0 : i32
      %dma_wait3A_1230 = arith.constant 0 : i32
      %dma_wait3A_1231 = tpu.memref_slice %arg3[%dma_wait3A_1229, %dma_wait3A_1230] : memref<100000x64xf32, #tpu.memory_space<hbm>> -> memref<100000x64xf32, #tpu.memory_space<hbm>>
      tpu.wait_indirect_dma semaphore(%arg7 : memref<!tpu.dma_semaphore, #tpu.memory_space<semaphore_mem>>) src(%dma_wait3A_1231 : memref<100000x64xf32, #tpu.memory_space<hbm>>) dst(%dma_wait3A_1225 : memref<50x64xf32, #tpu.memory_space<vmem>>)
      %dma_wait3A_1232 = arith.constant 0 : i32
      %dma_wait3A_1233 = arith.constant 0 : i32
      %dma_wait3A_1234 = arith.constant 1 : i32
      %dma_wait3A_1235 = arith.constant 0 : i32
      %dma_wait3A_1236 = arith.constant 0 : i32
      %dma_wait3A_1237 = arith.constant 0 : i32
      %dma_wait3A_1238 = tpu.memref_slice %arg6[%dma_wait3A_1233, %dma_wait3A_1235, %dma_wait3A_1236, %dma_wait3A_1237] : memref<2x8x50x64xf32, #tpu.memory_space<vmem>> -> memref<1x8x50x64xf32, #tpu.memory_space<vmem>>
      %dma_wait3A_1239 = tpu.memref_squeeze %dma_wait3A_1238 : memref<1x8x50x64xf32, #tpu.memory_space<vmem>> -> memref<8x50x64xf32, #tpu.memory_space<vmem>>
      %dma_wait3A_1240 = arith.constant 0 : i32
      %dma_wait3A_1241 = arith.constant 0 : i32
      %dma_wait3A_1242 = tpu.memref_slice %dma_wait3A_1239[%dma_wait3A_1234, %dma_wait3A_1240, %dma_wait3A_1241] : memref<8x50x64xf32, #tpu.memory_space<vmem>> -> memref<1x50x64xf32, #tpu.memory_space<vmem>>
      %dma_wait3A_1243 = tpu.memref_squeeze %dma_wait3A_1242 : memref<1x50x64xf32, #tpu.memory_space<vmem>> -> memref<50x64xf32, #tpu.memory_space<vmem>>
      %dma_wait3A_1244 = arith.constant 0 : i32
      %dma_wait3A_1245 = tpu.memref_slice %arg5[%dma_wait3A_1232, %dma_wait3A_1244] : memref<128x50xi32, #tpu.memory_space<vmem>> -> memref<1x50xi32, #tpu.memory_space<vmem>>
      %dma_wait3A_1246 = tpu.memref_squeeze %dma_wait3A_1245 : memref<1x50xi32, #tpu.memory_space<vmem>> -> memref<50xi32, #tpu.memory_space<vmem>>
      %dma_wait3A_1247 = arith.constant 0 : i32
      %dma_wait3A_1248 = arith.constant 0 : i32
      %dma_wait3A_1249 = tpu.memref_slice %arg3[%dma_wait3A_1247, %dma_wait3A_1248] : memref<100000x64xf32, #tpu.memory_space<hbm>> -> memref<100000x64xf32, #tpu.memory_space<hbm>>
      tpu.wait_indirect_dma semaphore(%arg7 : memref<!tpu.dma_semaphore, #tpu.memory_space<semaphore_mem>>) src(%dma_wait3A_1249 : memref<100000x64xf32, #tpu.memory_space<hbm>>) dst(%dma_wait3A_1243 : memref<50x64xf32, #tpu.memory_space<vmem>>)
      %dma_wait3A_1250 = arith.constant 0 : i32
      %dma_wait3A_1251 = arith.constant 0 : i32
      %dma_wait3A_1252 = arith.constant 2 : i32
      %dma_wait3A_1253 = arith.constant 0 : i32
      %dma_wait3A_1254 = arith.constant 0 : i32
      %dma_wait3A_1255 = arith.constant 0 : i32
      %dma_wait3A_1256 = tpu.memref_slice %arg6[%dma_wait3A_1251, %dma_wait3A_1253, %dma_wait3A_1254, %dma_wait3A_1255] : memref<2x8x50x64xf32, #tpu.memory_space<vmem>> -> memref<1x8x50x64xf32, #tpu.memory_space<vmem>>
      %dma_wait3A_1257 = tpu.memref_squeeze %dma_wait3A_1256 : memref<1x8x50x64xf32, #tpu.memory_space<vmem>> -> memref<8x50x64xf32, #tpu.memory_space<vmem>>
      %dma_wait3A_1258 = arith.constant 0 : i32
      %dma_wait3A_1259 = arith.constant 0 : i32
      %dma_wait3A_1260 = tpu.memref_slice %dma_wait3A_1257[%dma_wait3A_1252, %dma_wait3A_1258, %dma_wait3A_1259] : memref<8x50x64xf32, #tpu.memory_space<vmem>> -> memref<1x50x64xf32, #tpu.memory_space<vmem>>
      %dma_wait3A_1261 = tpu.memref_squeeze %dma_wait3A_1260 : memref<1x50x64xf32, #tpu.memory_space<vmem>> -> memref<50x64xf32, #tpu.memory_space<vmem>>
      %dma_wait3A_1262 = arith.constant 0 : i32
      %dma_wait3A_1263 = tpu.memref_slice %arg5[%dma_wait3A_1250, %dma_wait3A_1262] : memref<128x50xi32, #tpu.memory_space<vmem>> -> memref<1x50xi32, #tpu.memory_space<vmem>>
      %dma_wait3A_1264 = tpu.memref_squeeze %dma_wait3A_1263 : memref<1x50xi32, #tpu.memory_space<vmem>> -> memref<50xi32, #tpu.memory_space<vmem>>
      %dma_wait3A_1265 = arith.constant 0 : i32
      %dma_wait3A_1266 = arith.constant 0 : i32
      %dma_wait3A_1267 = tpu.memref_slice %arg3[%dma_wait3A_1265, %dma_wait3A_1266] : memref<100000x64xf32, #tpu.memory_space<hbm>> -> memref<100000x64xf32, #tpu.memory_space<hbm>>
      tpu.wait_indirect_dma semaphore(%arg7 : memref<!tpu.dma_semaphore, #tpu.memory_space<semaphore_mem>>) src(%dma_wait3A_1267 : memref<100000x64xf32, #tpu.memory_space<hbm>>) dst(%dma_wait3A_1261 : memref<50x64xf32, #tpu.memory_space<vmem>>)
      %dma_wait3A_1268 = arith.constant 0 : i32
      %dma_wait3A_1269 = arith.constant 0 : i32
      %dma_wait3A_1270 = arith.constant 3 : i32
      %dma_wait3A_1271 = arith.constant 0 : i32
      %dma_wait3A_1272 = arith.constant 0 : i32
      %dma_wait3A_1273 = arith.constant 0 : i32
      %dma_wait3A_1274 = tpu.memref_slice %arg6[%dma_wait3A_1269, %dma_wait3A_1271, %dma_wait3A_1272, %dma_wait3A_1273] : memref<2x8x50x64xf32, #tpu.memory_space<vmem>> -> memref<1x8x50x64xf32, #tpu.memory_space<vmem>>
      %dma_wait3A_1275 = tpu.memref_squeeze %dma_wait3A_1274 : memref<1x8x50x64xf32, #tpu.memory_space<vmem>> -> memref<8x50x64xf32, #tpu.memory_space<vmem>>
      %dma_wait3A_1276 = arith.constant 0 : i32
      %dma_wait3A_1277 = arith.constant 0 : i32
      %dma_wait3A_1278 = tpu.memref_slice %dma_wait3A_1275[%dma_wait3A_1270, %dma_wait3A_1276, %dma_wait3A_1277] : memref<8x50x64xf32, #tpu.memory_space<vmem>> -> memref<1x50x64xf32, #tpu.memory_space<vmem>>
      %dma_wait3A_1279 = tpu.memref_squeeze %dma_wait3A_1278 : memref<1x50x64xf32, #tpu.memory_space<vmem>> -> memref<50x64xf32, #tpu.memory_space<vmem>>
      %dma_wait3A_1280 = arith.constant 0 : i32
      %dma_wait3A_1281 = tpu.memref_slice %arg5[%dma_wait3A_1268, %dma_wait3A_1280] : memref<128x50xi32, #tpu.memory_space<vmem>> -> memref<1x50xi32, #tpu.memory_space<vmem>>
      %dma_wait3A_1282 = tpu.memref_squeeze %dma_wait3A_1281 : memref<1x50xi32, #tpu.memory_space<vmem>> -> memref<50xi32, #tpu.memory_space<vmem>>
      %dma_wait3A_1283 = arith.constant 0 : i32
      %dma_wait3A_1284 = arith.constant 0 : i32
      %dma_wait3A_1285 = tpu.memref_slice %arg3[%dma_wait3A_1283, %dma_wait3A_1284] : memref<100000x64xf32, #tpu.memory_space<hbm>> -> memref<100000x64xf32, #tpu.memory_space<hbm>>
      tpu.wait_indirect_dma semaphore(%arg7 : memref<!tpu.dma_semaphore, #tpu.memory_space<semaphore_mem>>) src(%dma_wait3A_1285 : memref<100000x64xf32, #tpu.memory_space<hbm>>) dst(%dma_wait3A_1279 : memref<50x64xf32, #tpu.memory_space<vmem>>)
      %dma_wait3A_1286 = arith.constant 0 : i32
      %dma_wait3A_1287 = arith.constant 0 : i32
      %dma_wait3A_1288 = arith.constant 4 : i32
      %dma_wait3A_1289 = arith.constant 0 : i32
      %dma_wait3A_1290 = arith.constant 0 : i32
      %dma_wait3A_1291 = arith.constant 0 : i32
      %dma_wait3A_1292 = tpu.memref_slice %arg6[%dma_wait3A_1287, %dma_wait3A_1289, %dma_wait3A_1290, %dma_wait3A_1291] : memref<2x8x50x64xf32, #tpu.memory_space<vmem>> -> memref<1x8x50x64xf32, #tpu.memory_space<vmem>>
      %dma_wait3A_1293 = tpu.memref_squeeze %dma_wait3A_1292 : memref<1x8x50x64xf32, #tpu.memory_space<vmem>> -> memref<8x50x64xf32, #tpu.memory_space<vmem>>
      %dma_wait3A_1294 = arith.constant 0 : i32
      %dma_wait3A_1295 = arith.constant 0 : i32
      %dma_wait3A_1296 = tpu.memref_slice %dma_wait3A_1293[%dma_wait3A_1288, %dma_wait3A_1294, %dma_wait3A_1295] : memref<8x50x64xf32, #tpu.memory_space<vmem>> -> memref<1x50x64xf32, #tpu.memory_space<vmem>>
      %dma_wait3A_1297 = tpu.memref_squeeze %dma_wait3A_1296 : memref<1x50x64xf32, #tpu.memory_space<vmem>> -> memref<50x64xf32, #tpu.memory_space<vmem>>
      %dma_wait3A_1298 = arith.constant 0 : i32
      %dma_wait3A_1299 = tpu.memref_slice %arg5[%dma_wait3A_1286, %dma_wait3A_1298] : memref<128x50xi32, #tpu.memory_space<vmem>> -> memref<1x50xi32, #tpu.memory_space<vmem>>
      %dma_wait3A_1300 = tpu.memref_squeeze %dma_wait3A_1299 : memref<1x50xi32, #tpu.memory_space<vmem>> -> memref<50xi32, #tpu.memory_space<vmem>>
      %dma_wait3A_1301 = arith.constant 0 : i32
      %dma_wait3A_1302 = arith.constant 0 : i32
      %dma_wait3A_1303 = tpu.memref_slice %arg3[%dma_wait3A_1301, %dma_wait3A_1302] : memref<100000x64xf32, #tpu.memory_space<hbm>> -> memref<100000x64xf32, #tpu.memory_space<hbm>>
      tpu.wait_indirect_dma semaphore(%arg7 : memref<!tpu.dma_semaphore, #tpu.memory_space<semaphore_mem>>) src(%dma_wait3A_1303 : memref<100000x64xf32, #tpu.memory_space<hbm>>) dst(%dma_wait3A_1297 : memref<50x64xf32, #tpu.memory_space<vmem>>)
      %dma_wait3A_1304 = arith.constant 0 : i32
      %dma_wait3A_1305 = arith.constant 0 : i32
      %dma_wait3A_1306 = arith.constant 5 : i32
      %dma_wait3A_1307 = arith.constant 0 : i32
      %dma_wait3A_1308 = arith.constant 0 : i32
      %dma_wait3A_1309 = arith.constant 0 : i32
      %dma_wait3A_1310 = tpu.memref_slice %arg6[%dma_wait3A_1305, %dma_wait3A_1307, %dma_wait3A_1308, %dma_wait3A_1309] : memref<2x8x50x64xf32, #tpu.memory_space<vmem>> -> memref<1x8x50x64xf32, #tpu.memory_space<vmem>>
      %dma_wait3A_1311 = tpu.memref_squeeze %dma_wait3A_1310 : memref<1x8x50x64xf32, #tpu.memory_space<vmem>> -> memref<8x50x64xf32, #tpu.memory_space<vmem>>
      %dma_wait3A_1312 = arith.constant 0 : i32
      %dma_wait3A_1313 = arith.constant 0 : i32
      %dma_wait3A_1314 = tpu.memref_slice %dma_wait3A_1311[%dma_wait3A_1306, %dma_wait3A_1312, %dma_wait3A_1313] : memref<8x50x64xf32, #tpu.memory_space<vmem>> -> memref<1x50x64xf32, #tpu.memory_space<vmem>>
      %dma_wait3A_1315 = tpu.memref_squeeze %dma_wait3A_1314 : memref<1x50x64xf32, #tpu.memory_space<vmem>> -> memref<50x64xf32, #tpu.memory_space<vmem>>
      %dma_wait3A_1316 = arith.constant 0 : i32
      %dma_wait3A_1317 = tpu.memref_slice %arg5[%dma_wait3A_1304, %dma_wait3A_1316] : memref<128x50xi32, #tpu.memory_space<vmem>> -> memref<1x50xi32, #tpu.memory_space<vmem>>
      %dma_wait3A_1318 = tpu.memref_squeeze %dma_wait3A_1317 : memref<1x50xi32, #tpu.memory_space<vmem>> -> memref<50xi32, #tpu.memory_space<vmem>>
      %dma_wait3A_1319 = arith.constant 0 : i32
      %dma_wait3A_1320 = arith.constant 0 : i32
      %dma_wait3A_1321 = tpu.memref_slice %arg3[%dma_wait3A_1319, %dma_wait3A_1320] : memref<100000x64xf32, #tpu.memory_space<hbm>> -> memref<100000x64xf32, #tpu.memory_space<hbm>>
      tpu.wait_indirect_dma semaphore(%arg7 : memref<!tpu.dma_semaphore, #tpu.memory_space<semaphore_mem>>) src(%dma_wait3A_1321 : memref<100000x64xf32, #tpu.memory_space<hbm>>) dst(%dma_wait3A_1315 : memref<50x64xf32, #tpu.memory_space<vmem>>)
      %dma_wait3A_1322 = arith.constant 0 : i32
      %dma_wait3A_1323 = arith.constant 0 : i32
      %dma_wait3A_1324 = arith.constant 6 : i32
      %dma_wait3A_1325 = arith.constant 0 : i32
      %dma_wait3A_1326 = arith.constant 0 : i32
      %dma_wait3A_1327 = arith.constant 0 : i32
      %dma_wait3A_1328 = tpu.memref_slice %arg6[%dma_wait3A_1323, %dma_wait3A_1325, %dma_wait3A_1326, %dma_wait3A_1327] : memref<2x8x50x64xf32, #tpu.memory_space<vmem>> -> memref<1x8x50x64xf32, #tpu.memory_space<vmem>>
      %dma_wait3A_1329 = tpu.memref_squeeze %dma_wait3A_1328 : memref<1x8x50x64xf32, #tpu.memory_space<vmem>> -> memref<8x50x64xf32, #tpu.memory_space<vmem>>
      %dma_wait3A_1330 = arith.constant 0 : i32
      %dma_wait3A_1331 = arith.constant 0 : i32
      %dma_wait3A_1332 = tpu.memref_slice %dma_wait3A_1329[%dma_wait3A_1324, %dma_wait3A_1330, %dma_wait3A_1331] : memref<8x50x64xf32, #tpu.memory_space<vmem>> -> memref<1x50x64xf32, #tpu.memory_space<vmem>>
      %dma_wait3A_1333 = tpu.memref_squeeze %dma_wait3A_1332 : memref<1x50x64xf32, #tpu.memory_space<vmem>> -> memref<50x64xf32, #tpu.memory_space<vmem>>
      %dma_wait3A_1334 = arith.constant 0 : i32
      %dma_wait3A_1335 = tpu.memref_slice %arg5[%dma_wait3A_1322, %dma_wait3A_1334] : memref<128x50xi32, #tpu.memory_space<vmem>> -> memref<1x50xi32, #tpu.memory_space<vmem>>
      %dma_wait3A_1336 = tpu.memref_squeeze %dma_wait3A_1335 : memref<1x50xi32, #tpu.memory_space<vmem>> -> memref<50xi32, #tpu.memory_space<vmem>>
      %dma_wait3A_1337 = arith.constant 0 : i32
      %dma_wait3A_1338 = arith.constant 0 : i32
      %dma_wait3A_1339 = tpu.memref_slice %arg3[%dma_wait3A_1337, %dma_wait3A_1338] : memref<100000x64xf32, #tpu.memory_space<hbm>> -> memref<100000x64xf32, #tpu.memory_space<hbm>>
      tpu.wait_indirect_dma semaphore(%arg7 : memref<!tpu.dma_semaphore, #tpu.memory_space<semaphore_mem>>) src(%dma_wait3A_1339 : memref<100000x64xf32, #tpu.memory_space<hbm>>) dst(%dma_wait3A_1333 : memref<50x64xf32, #tpu.memory_space<vmem>>)
      %dma_wait3A_1340 = arith.constant 0 : i32
      %dma_wait3A_1341 = arith.constant 0 : i32
      %dma_wait3A_1342 = arith.constant 7 : i32
      %dma_wait3A_1343 = arith.constant 0 : i32
      %dma_wait3A_1344 = arith.constant 0 : i32
      %dma_wait3A_1345 = arith.constant 0 : i32
      %dma_wait3A_1346 = tpu.memref_slice %arg6[%dma_wait3A_1341, %dma_wait3A_1343, %dma_wait3A_1344, %dma_wait3A_1345] : memref<2x8x50x64xf32, #tpu.memory_space<vmem>> -> memref<1x8x50x64xf32, #tpu.memory_space<vmem>>
      %dma_wait3A_1347 = tpu.memref_squeeze %dma_wait3A_1346 : memref<1x8x50x64xf32, #tpu.memory_space<vmem>> -> memref<8x50x64xf32, #tpu.memory_space<vmem>>
      %dma_wait3A_1348 = arith.constant 0 : i32
      %dma_wait3A_1349 = arith.constant 0 : i32
      %dma_wait3A_1350 = tpu.memref_slice %dma_wait3A_1347[%dma_wait3A_1342, %dma_wait3A_1348, %dma_wait3A_1349] : memref<8x50x64xf32, #tpu.memory_space<vmem>> -> memref<1x50x64xf32, #tpu.memory_space<vmem>>
      %dma_wait3A_1351 = tpu.memref_squeeze %dma_wait3A_1350 : memref<1x50x64xf32, #tpu.memory_space<vmem>> -> memref<50x64xf32, #tpu.memory_space<vmem>>
      %dma_wait3A_1352 = arith.constant 0 : i32
      %dma_wait3A_1353 = tpu.memref_slice %arg5[%dma_wait3A_1340, %dma_wait3A_1352] : memref<128x50xi32, #tpu.memory_space<vmem>> -> memref<1x50xi32, #tpu.memory_space<vmem>>
      %dma_wait3A_1354 = tpu.memref_squeeze %dma_wait3A_1353 : memref<1x50xi32, #tpu.memory_space<vmem>> -> memref<50xi32, #tpu.memory_space<vmem>>
      %dma_wait3A_1355 = arith.constant 0 : i32
      %dma_wait3A_1356 = arith.constant 0 : i32
      %dma_wait3A_1357 = tpu.memref_slice %arg3[%dma_wait3A_1355, %dma_wait3A_1356] : memref<100000x64xf32, #tpu.memory_space<hbm>> -> memref<100000x64xf32, #tpu.memory_space<hbm>>
      tpu.wait_indirect_dma semaphore(%arg7 : memref<!tpu.dma_semaphore, #tpu.memory_space<semaphore_mem>>) src(%dma_wait3A_1357 : memref<100000x64xf32, #tpu.memory_space<hbm>>) dst(%dma_wait3A_1351 : memref<50x64xf32, #tpu.memory_space<vmem>>)
      %mul3A_1358 = arith.constant 8 : i32
      %mul3A_1359 = arith.muli %add3A_1021, %mul3A_1358 : i32
      %add3A_1360 = arith.addi %mul3A_2, %mul3A_1359 : i32
      %dma_start3A_1361 = arith.constant 0 : i32
      %dma_start3A_1362 = arith.constant 0 : i32
      %dma_start3A_1363 = arith.constant 0 : i32
      %dma_start3A_1364 = arith.constant 0 : i32
      %dma_start3A_1365 = tpu.memref_slice %arg6[%dma_start3A_1361, %dma_start3A_1362, %dma_start3A_1363, %dma_start3A_1364] : memref<2x8x50x64xf32, #tpu.memory_space<vmem>> -> memref<1x8x50x64xf32, #tpu.memory_space<vmem>>
      %dma_start3A_1366 = tpu.memref_squeeze %dma_start3A_1365 : memref<1x8x50x64xf32, #tpu.memory_space<vmem>> -> memref<8x50x64xf32, #tpu.memory_space<vmem>>
      %dma_start3A_1367 = arith.constant 0 : i32
      %dma_start3A_1368 = arith.constant 0 : i32
      %dma_start3A_1369 = tpu.memref_slice %arg4[%add3A_1360, %dma_start3A_1367, %dma_start3A_1368] : memref<4096x56x128xf32, #tpu.memory_space<hbm>> -> memref<8x50x64xf32, #tpu.memory_space<hbm>>
      %dma_start3A_1370 = arith.constant 0 : i32
      %dma_start3A_1371 = arith.constant 0 : i32
      %dma_start3A_1372 = tpu.memref_slice %arg4[%add3A_1360, %dma_start3A_1370, %dma_start3A_1371] : memref<4096x56x128xf32, #tpu.memory_space<hbm>> -> memref<8x50x64xf32, #tpu.memory_space<hbm>>
      %dma_start3A_1373 = arith.constant 0 : i32
      %dma_start3A_1374 = arith.constant 0 : i32
      %dma_start3A_1375 = arith.constant 0 : i32
      %dma_start3A_1376 = tpu.memref_slice %arg6[%dma_start3A_1361, %dma_start3A_1373, %dma_start3A_1374, %dma_start3A_1375] : memref<2x8x50x64xf32, #tpu.memory_space<vmem>> -> memref<1x8x50x64xf32, #tpu.memory_space<vmem>>
      %dma_start3A_1377 = tpu.memref_squeeze %dma_start3A_1376 : memref<1x8x50x64xf32, #tpu.memory_space<vmem>> -> memref<8x50x64xf32, #tpu.memory_space<vmem>>
      tpu.enqueue_dma source(%dma_start3A_1377 : memref<8x50x64xf32, #tpu.memory_space<vmem>>) target(%dma_start3A_1372 : memref<8x50x64xf32, #tpu.memory_space<hbm>>) target_semaphore(%arg9 : memref<!tpu.dma_semaphore, #tpu.memory_space<semaphore_mem>>)
    }
    %scan3A_456 = arith.constant 7 : i32
    %add3A_457 = arith.constant 112 : i32
    %add3A_458 = arith.addi %mul3A_2, %add3A_457 : i32
    %dma_wait3A_459 = arith.constant 0 : i32
    %dma_wait3A_460 = arith.constant 0 : i32
    %dma_wait3A_461 = arith.constant 0 : i32
    %dma_wait3A_462 = arith.constant 0 : i32
    %dma_wait3A_463 = tpu.memref_slice %arg6[%dma_wait3A_459, %dma_wait3A_460, %dma_wait3A_461, %dma_wait3A_462] : memref<2x8x50x64xf32, #tpu.memory_space<vmem>> -> memref<1x8x50x64xf32, #tpu.memory_space<vmem>>
    %dma_wait3A_464 = tpu.memref_squeeze %dma_wait3A_463 : memref<1x8x50x64xf32, #tpu.memory_space<vmem>> -> memref<8x50x64xf32, #tpu.memory_space<vmem>>
    %dma_wait3A_465 = arith.constant 0 : i32
    %dma_wait3A_466 = arith.constant 0 : i32
    %dma_wait3A_467 = tpu.memref_slice %arg4[%add3A_458, %dma_wait3A_465, %dma_wait3A_466] : memref<4096x56x128xf32, #tpu.memory_space<hbm>> -> memref<8x50x64xf32, #tpu.memory_space<hbm>>
    %dma_wait3A_468 = arith.constant 0 : i32
    %dma_wait3A_469 = arith.constant 0 : i32
    %dma_wait3A_470 = tpu.memref_slice %arg4[%add3A_458, %dma_wait3A_468, %dma_wait3A_469] : memref<4096x56x128xf32, #tpu.memory_space<hbm>> -> memref<8x50x64xf32, #tpu.memory_space<hbm>>
    %dma_wait3A_471 = arith.constant 0 : i32
    %dma_wait3A_472 = arith.constant 0 : i32
    %dma_wait3A_473 = arith.constant 0 : i32
    %dma_wait3A_474 = tpu.memref_slice %arg6[%dma_wait3A_459, %dma_wait3A_471, %dma_wait3A_472, %dma_wait3A_473] : memref<2x8x50x64xf32, #tpu.memory_space<vmem>> -> memref<1x8x50x64xf32, #tpu.memory_space<vmem>>
    %dma_wait3A_475 = tpu.memref_squeeze %dma_wait3A_474 : memref<1x8x50x64xf32, #tpu.memory_space<vmem>> -> memref<8x50x64xf32, #tpu.memory_space<vmem>>
    tpu.wait_dma2 semaphore(%arg9 : memref<!tpu.dma_semaphore, #tpu.memory_space<semaphore_mem>>) src(%dma_wait3A_475 : memref<8x50x64xf32, #tpu.memory_space<vmem>>) dst(%dma_wait3A_470 : memref<8x50x64xf32, #tpu.memory_space<hbm>>)
    %dma_wait3A_476 = arith.constant 0 : i32
    %dma_wait3A_477 = arith.constant 1 : i32
    %dma_wait3A_478 = arith.constant 0 : i32
    %dma_wait3A_479 = arith.constant 0 : i32
    %dma_wait3A_480 = arith.constant 0 : i32
    %dma_wait3A_481 = arith.constant 0 : i32
    %dma_wait3A_482 = tpu.memref_slice %arg6[%dma_wait3A_477, %dma_wait3A_479, %dma_wait3A_480, %dma_wait3A_481] : memref<2x8x50x64xf32, #tpu.memory_space<vmem>> -> memref<1x8x50x64xf32, #tpu.memory_space<vmem>>
    %dma_wait3A_483 = tpu.memref_squeeze %dma_wait3A_482 : memref<1x8x50x64xf32, #tpu.memory_space<vmem>> -> memref<8x50x64xf32, #tpu.memory_space<vmem>>
    %dma_wait3A_484 = arith.constant 0 : i32
    %dma_wait3A_485 = arith.constant 0 : i32
    %dma_wait3A_486 = tpu.memref_slice %dma_wait3A_483[%dma_wait3A_478, %dma_wait3A_484, %dma_wait3A_485] : memref<8x50x64xf32, #tpu.memory_space<vmem>> -> memref<1x50x64xf32, #tpu.memory_space<vmem>>
    %dma_wait3A_487 = tpu.memref_squeeze %dma_wait3A_486 : memref<1x50x64xf32, #tpu.memory_space<vmem>> -> memref<50x64xf32, #tpu.memory_space<vmem>>
    %dma_wait3A_488 = arith.constant 0 : i32
    %dma_wait3A_489 = tpu.memref_slice %arg5[%dma_wait3A_476, %dma_wait3A_488] : memref<128x50xi32, #tpu.memory_space<vmem>> -> memref<1x50xi32, #tpu.memory_space<vmem>>
    %dma_wait3A_490 = tpu.memref_squeeze %dma_wait3A_489 : memref<1x50xi32, #tpu.memory_space<vmem>> -> memref<50xi32, #tpu.memory_space<vmem>>
    %dma_wait3A_491 = arith.constant 0 : i32
    %dma_wait3A_492 = arith.constant 0 : i32
    %dma_wait3A_493 = tpu.memref_slice %arg3[%dma_wait3A_491, %dma_wait3A_492] : memref<100000x64xf32, #tpu.memory_space<hbm>> -> memref<100000x64xf32, #tpu.memory_space<hbm>>
    tpu.wait_indirect_dma semaphore(%arg8 : memref<!tpu.dma_semaphore, #tpu.memory_space<semaphore_mem>>) src(%dma_wait3A_493 : memref<100000x64xf32, #tpu.memory_space<hbm>>) dst(%dma_wait3A_487 : memref<50x64xf32, #tpu.memory_space<vmem>>)
    %dma_wait3A_494 = arith.constant 0 : i32
    %dma_wait3A_495 = arith.constant 1 : i32
    %dma_wait3A_496 = arith.constant 1 : i32
    %dma_wait3A_497 = arith.constant 0 : i32
    %dma_wait3A_498 = arith.constant 0 : i32
    %dma_wait3A_499 = arith.constant 0 : i32
    %dma_wait3A_500 = tpu.memref_slice %arg6[%dma_wait3A_495, %dma_wait3A_497, %dma_wait3A_498, %dma_wait3A_499] : memref<2x8x50x64xf32, #tpu.memory_space<vmem>> -> memref<1x8x50x64xf32, #tpu.memory_space<vmem>>
    %dma_wait3A_501 = tpu.memref_squeeze %dma_wait3A_500 : memref<1x8x50x64xf32, #tpu.memory_space<vmem>> -> memref<8x50x64xf32, #tpu.memory_space<vmem>>
    %dma_wait3A_502 = arith.constant 0 : i32
    %dma_wait3A_503 = arith.constant 0 : i32
    %dma_wait3A_504 = tpu.memref_slice %dma_wait3A_501[%dma_wait3A_496, %dma_wait3A_502, %dma_wait3A_503] : memref<8x50x64xf32, #tpu.memory_space<vmem>> -> memref<1x50x64xf32, #tpu.memory_space<vmem>>
    %dma_wait3A_505 = tpu.memref_squeeze %dma_wait3A_504 : memref<1x50x64xf32, #tpu.memory_space<vmem>> -> memref<50x64xf32, #tpu.memory_space<vmem>>
    %dma_wait3A_506 = arith.constant 0 : i32
    %dma_wait3A_507 = tpu.memref_slice %arg5[%dma_wait3A_494, %dma_wait3A_506] : memref<128x50xi32, #tpu.memory_space<vmem>> -> memref<1x50xi32, #tpu.memory_space<vmem>>
    %dma_wait3A_508 = tpu.memref_squeeze %dma_wait3A_507 : memref<1x50xi32, #tpu.memory_space<vmem>> -> memref<50xi32, #tpu.memory_space<vmem>>
    %dma_wait3A_509 = arith.constant 0 : i32
    %dma_wait3A_510 = arith.constant 0 : i32
    %dma_wait3A_511 = tpu.memref_slice %arg3[%dma_wait3A_509, %dma_wait3A_510] : memref<100000x64xf32, #tpu.memory_space<hbm>> -> memref<100000x64xf32, #tpu.memory_space<hbm>>
    tpu.wait_indirect_dma semaphore(%arg8 : memref<!tpu.dma_semaphore, #tpu.memory_space<semaphore_mem>>) src(%dma_wait3A_511 : memref<100000x64xf32, #tpu.memory_space<hbm>>) dst(%dma_wait3A_505 : memref<50x64xf32, #tpu.memory_space<vmem>>)
    %dma_wait3A_512 = arith.constant 0 : i32
    %dma_wait3A_513 = arith.constant 1 : i32
    %dma_wait3A_514 = arith.constant 2 : i32
    %dma_wait3A_515 = arith.constant 0 : i32
    %dma_wait3A_516 = arith.constant 0 : i32
    %dma_wait3A_517 = arith.constant 0 : i32
    %dma_wait3A_518 = tpu.memref_slice %arg6[%dma_wait3A_513, %dma_wait3A_515, %dma_wait3A_516, %dma_wait3A_517] : memref<2x8x50x64xf32, #tpu.memory_space<vmem>> -> memref<1x8x50x64xf32, #tpu.memory_space<vmem>>
    %dma_wait3A_519 = tpu.memref_squeeze %dma_wait3A_518 : memref<1x8x50x64xf32, #tpu.memory_space<vmem>> -> memref<8x50x64xf32, #tpu.memory_space<vmem>>
    %dma_wait3A_520 = arith.constant 0 : i32
    %dma_wait3A_521 = arith.constant 0 : i32
    %dma_wait3A_522 = tpu.memref_slice %dma_wait3A_519[%dma_wait3A_514, %dma_wait3A_520, %dma_wait3A_521] : memref<8x50x64xf32, #tpu.memory_space<vmem>> -> memref<1x50x64xf32, #tpu.memory_space<vmem>>
    %dma_wait3A_523 = tpu.memref_squeeze %dma_wait3A_522 : memref<1x50x64xf32, #tpu.memory_space<vmem>> -> memref<50x64xf32, #tpu.memory_space<vmem>>
    %dma_wait3A_524 = arith.constant 0 : i32
    %dma_wait3A_525 = tpu.memref_slice %arg5[%dma_wait3A_512, %dma_wait3A_524] : memref<128x50xi32, #tpu.memory_space<vmem>> -> memref<1x50xi32, #tpu.memory_space<vmem>>
    %dma_wait3A_526 = tpu.memref_squeeze %dma_wait3A_525 : memref<1x50xi32, #tpu.memory_space<vmem>> -> memref<50xi32, #tpu.memory_space<vmem>>
    %dma_wait3A_527 = arith.constant 0 : i32
    %dma_wait3A_528 = arith.constant 0 : i32
    %dma_wait3A_529 = tpu.memref_slice %arg3[%dma_wait3A_527, %dma_wait3A_528] : memref<100000x64xf32, #tpu.memory_space<hbm>> -> memref<100000x64xf32, #tpu.memory_space<hbm>>
    tpu.wait_indirect_dma semaphore(%arg8 : memref<!tpu.dma_semaphore, #tpu.memory_space<semaphore_mem>>) src(%dma_wait3A_529 : memref<100000x64xf32, #tpu.memory_space<hbm>>) dst(%dma_wait3A_523 : memref<50x64xf32, #tpu.memory_space<vmem>>)
    %dma_wait3A_530 = arith.constant 0 : i32
    %dma_wait3A_531 = arith.constant 1 : i32
    %dma_wait3A_532 = arith.constant 3 : i32
    %dma_wait3A_533 = arith.constant 0 : i32
    %dma_wait3A_534 = arith.constant 0 : i32
    %dma_wait3A_535 = arith.constant 0 : i32
    %dma_wait3A_536 = tpu.memref_slice %arg6[%dma_wait3A_531, %dma_wait3A_533, %dma_wait3A_534, %dma_wait3A_535] : memref<2x8x50x64xf32, #tpu.memory_space<vmem>> -> memref<1x8x50x64xf32, #tpu.memory_space<vmem>>
    %dma_wait3A_537 = tpu.memref_squeeze %dma_wait3A_536 : memref<1x8x50x64xf32, #tpu.memory_space<vmem>> -> memref<8x50x64xf32, #tpu.memory_space<vmem>>
    %dma_wait3A_538 = arith.constant 0 : i32
    %dma_wait3A_539 = arith.constant 0 : i32
    %dma_wait3A_540 = tpu.memref_slice %dma_wait3A_537[%dma_wait3A_532, %dma_wait3A_538, %dma_wait3A_539] : memref<8x50x64xf32, #tpu.memory_space<vmem>> -> memref<1x50x64xf32, #tpu.memory_space<vmem>>
    %dma_wait3A_541 = tpu.memref_squeeze %dma_wait3A_540 : memref<1x50x64xf32, #tpu.memory_space<vmem>> -> memref<50x64xf32, #tpu.memory_space<vmem>>
    %dma_wait3A_542 = arith.constant 0 : i32
    %dma_wait3A_543 = tpu.memref_slice %arg5[%dma_wait3A_530, %dma_wait3A_542] : memref<128x50xi32, #tpu.memory_space<vmem>> -> memref<1x50xi32, #tpu.memory_space<vmem>>
    %dma_wait3A_544 = tpu.memref_squeeze %dma_wait3A_543 : memref<1x50xi32, #tpu.memory_space<vmem>> -> memref<50xi32, #tpu.memory_space<vmem>>
    %dma_wait3A_545 = arith.constant 0 : i32
    %dma_wait3A_546 = arith.constant 0 : i32
    %dma_wait3A_547 = tpu.memref_slice %arg3[%dma_wait3A_545, %dma_wait3A_546] : memref<100000x64xf32, #tpu.memory_space<hbm>> -> memref<100000x64xf32, #tpu.memory_space<hbm>>
    tpu.wait_indirect_dma semaphore(%arg8 : memref<!tpu.dma_semaphore, #tpu.memory_space<semaphore_mem>>) src(%dma_wait3A_547 : memref<100000x64xf32, #tpu.memory_space<hbm>>) dst(%dma_wait3A_541 : memref<50x64xf32, #tpu.memory_space<vmem>>)
    %dma_wait3A_548 = arith.constant 0 : i32
    %dma_wait3A_549 = arith.constant 1 : i32
    %dma_wait3A_550 = arith.constant 4 : i32
    %dma_wait3A_551 = arith.constant 0 : i32
    %dma_wait3A_552 = arith.constant 0 : i32
    %dma_wait3A_553 = arith.constant 0 : i32
    %dma_wait3A_554 = tpu.memref_slice %arg6[%dma_wait3A_549, %dma_wait3A_551, %dma_wait3A_552, %dma_wait3A_553] : memref<2x8x50x64xf32, #tpu.memory_space<vmem>> -> memref<1x8x50x64xf32, #tpu.memory_space<vmem>>
    %dma_wait3A_555 = tpu.memref_squeeze %dma_wait3A_554 : memref<1x8x50x64xf32, #tpu.memory_space<vmem>> -> memref<8x50x64xf32, #tpu.memory_space<vmem>>
    %dma_wait3A_556 = arith.constant 0 : i32
    %dma_wait3A_557 = arith.constant 0 : i32
    %dma_wait3A_558 = tpu.memref_slice %dma_wait3A_555[%dma_wait3A_550, %dma_wait3A_556, %dma_wait3A_557] : memref<8x50x64xf32, #tpu.memory_space<vmem>> -> memref<1x50x64xf32, #tpu.memory_space<vmem>>
    %dma_wait3A_559 = tpu.memref_squeeze %dma_wait3A_558 : memref<1x50x64xf32, #tpu.memory_space<vmem>> -> memref<50x64xf32, #tpu.memory_space<vmem>>
    %dma_wait3A_560 = arith.constant 0 : i32
    %dma_wait3A_561 = tpu.memref_slice %arg5[%dma_wait3A_548, %dma_wait3A_560] : memref<128x50xi32, #tpu.memory_space<vmem>> -> memref<1x50xi32, #tpu.memory_space<vmem>>
    %dma_wait3A_562 = tpu.memref_squeeze %dma_wait3A_561 : memref<1x50xi32, #tpu.memory_space<vmem>> -> memref<50xi32, #tpu.memory_space<vmem>>
    %dma_wait3A_563 = arith.constant 0 : i32
    %dma_wait3A_564 = arith.constant 0 : i32
    %dma_wait3A_565 = tpu.memref_slice %arg3[%dma_wait3A_563, %dma_wait3A_564] : memref<100000x64xf32, #tpu.memory_space<hbm>> -> memref<100000x64xf32, #tpu.memory_space<hbm>>
    tpu.wait_indirect_dma semaphore(%arg8 : memref<!tpu.dma_semaphore, #tpu.memory_space<semaphore_mem>>) src(%dma_wait3A_565 : memref<100000x64xf32, #tpu.memory_space<hbm>>) dst(%dma_wait3A_559 : memref<50x64xf32, #tpu.memory_space<vmem>>)
    %dma_wait3A_566 = arith.constant 0 : i32
    %dma_wait3A_567 = arith.constant 1 : i32
    %dma_wait3A_568 = arith.constant 5 : i32
    %dma_wait3A_569 = arith.constant 0 : i32
    %dma_wait3A_570 = arith.constant 0 : i32
    %dma_wait3A_571 = arith.constant 0 : i32
    %dma_wait3A_572 = tpu.memref_slice %arg6[%dma_wait3A_567, %dma_wait3A_569, %dma_wait3A_570, %dma_wait3A_571] : memref<2x8x50x64xf32, #tpu.memory_space<vmem>> -> memref<1x8x50x64xf32, #tpu.memory_space<vmem>>
    %dma_wait3A_573 = tpu.memref_squeeze %dma_wait3A_572 : memref<1x8x50x64xf32, #tpu.memory_space<vmem>> -> memref<8x50x64xf32, #tpu.memory_space<vmem>>
    %dma_wait3A_574 = arith.constant 0 : i32
    %dma_wait3A_575 = arith.constant 0 : i32
    %dma_wait3A_576 = tpu.memref_slice %dma_wait3A_573[%dma_wait3A_568, %dma_wait3A_574, %dma_wait3A_575] : memref<8x50x64xf32, #tpu.memory_space<vmem>> -> memref<1x50x64xf32, #tpu.memory_space<vmem>>
    %dma_wait3A_577 = tpu.memref_squeeze %dma_wait3A_576 : memref<1x50x64xf32, #tpu.memory_space<vmem>> -> memref<50x64xf32, #tpu.memory_space<vmem>>
    %dma_wait3A_578 = arith.constant 0 : i32
    %dma_wait3A_579 = tpu.memref_slice %arg5[%dma_wait3A_566, %dma_wait3A_578] : memref<128x50xi32, #tpu.memory_space<vmem>> -> memref<1x50xi32, #tpu.memory_space<vmem>>
    %dma_wait3A_580 = tpu.memref_squeeze %dma_wait3A_579 : memref<1x50xi32, #tpu.memory_space<vmem>> -> memref<50xi32, #tpu.memory_space<vmem>>
    %dma_wait3A_581 = arith.constant 0 : i32
    %dma_wait3A_582 = arith.constant 0 : i32
    %dma_wait3A_583 = tpu.memref_slice %arg3[%dma_wait3A_581, %dma_wait3A_582] : memref<100000x64xf32, #tpu.memory_space<hbm>> -> memref<100000x64xf32, #tpu.memory_space<hbm>>
    tpu.wait_indirect_dma semaphore(%arg8 : memref<!tpu.dma_semaphore, #tpu.memory_space<semaphore_mem>>) src(%dma_wait3A_583 : memref<100000x64xf32, #tpu.memory_space<hbm>>) dst(%dma_wait3A_577 : memref<50x64xf32, #tpu.memory_space<vmem>>)
    %dma_wait3A_584 = arith.constant 0 : i32
    %dma_wait3A_585 = arith.constant 1 : i32
    %dma_wait3A_586 = arith.constant 6 : i32
    %dma_wait3A_587 = arith.constant 0 : i32
    %dma_wait3A_588 = arith.constant 0 : i32
    %dma_wait3A_589 = arith.constant 0 : i32
    %dma_wait3A_590 = tpu.memref_slice %arg6[%dma_wait3A_585, %dma_wait3A_587, %dma_wait3A_588, %dma_wait3A_589] : memref<2x8x50x64xf32, #tpu.memory_space<vmem>> -> memref<1x8x50x64xf32, #tpu.memory_space<vmem>>
    %dma_wait3A_591 = tpu.memref_squeeze %dma_wait3A_590 : memref<1x8x50x64xf32, #tpu.memory_space<vmem>> -> memref<8x50x64xf32, #tpu.memory_space<vmem>>
    %dma_wait3A_592 = arith.constant 0 : i32
    %dma_wait3A_593 = arith.constant 0 : i32
    %dma_wait3A_594 = tpu.memref_slice %dma_wait3A_591[%dma_wait3A_586, %dma_wait3A_592, %dma_wait3A_593] : memref<8x50x64xf32, #tpu.memory_space<vmem>> -> memref<1x50x64xf32, #tpu.memory_space<vmem>>
    %dma_wait3A_595 = tpu.memref_squeeze %dma_wait3A_594 : memref<1x50x64xf32, #tpu.memory_space<vmem>> -> memref<50x64xf32, #tpu.memory_space<vmem>>
    %dma_wait3A_596 = arith.constant 0 : i32
    %dma_wait3A_597 = tpu.memref_slice %arg5[%dma_wait3A_584, %dma_wait3A_596] : memref<128x50xi32, #tpu.memory_space<vmem>> -> memref<1x50xi32, #tpu.memory_space<vmem>>
    %dma_wait3A_598 = tpu.memref_squeeze %dma_wait3A_597 : memref<1x50xi32, #tpu.memory_space<vmem>> -> memref<50xi32, #tpu.memory_space<vmem>>
    %dma_wait3A_599 = arith.constant 0 : i32
    %dma_wait3A_600 = arith.constant 0 : i32
    %dma_wait3A_601 = tpu.memref_slice %arg3[%dma_wait3A_599, %dma_wait3A_600] : memref<100000x64xf32, #tpu.memory_space<hbm>> -> memref<100000x64xf32, #tpu.memory_space<hbm>>
    tpu.wait_indirect_dma semaphore(%arg8 : memref<!tpu.dma_semaphore, #tpu.memory_space<semaphore_mem>>) src(%dma_wait3A_601 : memref<100000x64xf32, #tpu.memory_space<hbm>>) dst(%dma_wait3A_595 : memref<50x64xf32, #tpu.memory_space<vmem>>)
    %dma_wait3A_602 = arith.constant 0 : i32
    %dma_wait3A_603 = arith.constant 1 : i32
    %dma_wait3A_604 = arith.constant 7 : i32
    %dma_wait3A_605 = arith.constant 0 : i32
    %dma_wait3A_606 = arith.constant 0 : i32
    %dma_wait3A_607 = arith.constant 0 : i32
    %dma_wait3A_608 = tpu.memref_slice %arg6[%dma_wait3A_603, %dma_wait3A_605, %dma_wait3A_606, %dma_wait3A_607] : memref<2x8x50x64xf32, #tpu.memory_space<vmem>> -> memref<1x8x50x64xf32, #tpu.memory_space<vmem>>
    %dma_wait3A_609 = tpu.memref_squeeze %dma_wait3A_608 : memref<1x8x50x64xf32, #tpu.memory_space<vmem>> -> memref<8x50x64xf32, #tpu.memory_space<vmem>>
    %dma_wait3A_610 = arith.constant 0 : i32
    %dma_wait3A_611 = arith.constant 0 : i32
    %dma_wait3A_612 = tpu.memref_slice %dma_wait3A_609[%dma_wait3A_604, %dma_wait3A_610, %dma_wait3A_611] : memref<8x50x64xf32, #tpu.memory_space<vmem>> -> memref<1x50x64xf32, #tpu.memory_space<vmem>>
    %dma_wait3A_613 = tpu.memref_squeeze %dma_wait3A_612 : memref<1x50x64xf32, #tpu.memory_space<vmem>> -> memref<50x64xf32, #tpu.memory_space<vmem>>
    %dma_wait3A_614 = arith.constant 0 : i32
    %dma_wait3A_615 = tpu.memref_slice %arg5[%dma_wait3A_602, %dma_wait3A_614] : memref<128x50xi32, #tpu.memory_space<vmem>> -> memref<1x50xi32, #tpu.memory_space<vmem>>
    %dma_wait3A_616 = tpu.memref_squeeze %dma_wait3A_615 : memref<1x50xi32, #tpu.memory_space<vmem>> -> memref<50xi32, #tpu.memory_space<vmem>>
    %dma_wait3A_617 = arith.constant 0 : i32
    %dma_wait3A_618 = arith.constant 0 : i32
    %dma_wait3A_619 = tpu.memref_slice %arg3[%dma_wait3A_617, %dma_wait3A_618] : memref<100000x64xf32, #tpu.memory_space<hbm>> -> memref<100000x64xf32, #tpu.memory_space<hbm>>
    tpu.wait_indirect_dma semaphore(%arg8 : memref<!tpu.dma_semaphore, #tpu.memory_space<semaphore_mem>>) src(%dma_wait3A_619 : memref<100000x64xf32, #tpu.memory_space<hbm>>) dst(%dma_wait3A_613 : memref<50x64xf32, #tpu.memory_space<vmem>>)
    %add3A_620 = arith.constant 120 : i32
    %add3A_621 = arith.addi %mul3A_2, %add3A_620 : i32
    %dma_start3A_622 = arith.constant 1 : i32
    %dma_start3A_623 = arith.constant 0 : i32
    %dma_start3A_624 = arith.constant 0 : i32
    %dma_start3A_625 = arith.constant 0 : i32
    %dma_start3A_626 = tpu.memref_slice %arg6[%dma_start3A_622, %dma_start3A_623, %dma_start3A_624, %dma_start3A_625] : memref<2x8x50x64xf32, #tpu.memory_space<vmem>> -> memref<1x8x50x64xf32, #tpu.memory_space<vmem>>
    %dma_start3A_627 = tpu.memref_squeeze %dma_start3A_626 : memref<1x8x50x64xf32, #tpu.memory_space<vmem>> -> memref<8x50x64xf32, #tpu.memory_space<vmem>>
    %dma_start3A_628 = arith.constant 0 : i32
    %dma_start3A_629 = arith.constant 0 : i32
    %dma_start3A_630 = tpu.memref_slice %arg4[%add3A_621, %dma_start3A_628, %dma_start3A_629] : memref<4096x56x128xf32, #tpu.memory_space<hbm>> -> memref<8x50x64xf32, #tpu.memory_space<hbm>>
    %dma_start3A_631 = arith.constant 0 : i32
    %dma_start3A_632 = arith.constant 0 : i32
    %dma_start3A_633 = tpu.memref_slice %arg4[%add3A_621, %dma_start3A_631, %dma_start3A_632] : memref<4096x56x128xf32, #tpu.memory_space<hbm>> -> memref<8x50x64xf32, #tpu.memory_space<hbm>>
    %dma_start3A_634 = arith.constant 0 : i32
    %dma_start3A_635 = arith.constant 0 : i32
    %dma_start3A_636 = arith.constant 0 : i32
    %dma_start3A_637 = tpu.memref_slice %arg6[%dma_start3A_622, %dma_start3A_634, %dma_start3A_635, %dma_start3A_636] : memref<2x8x50x64xf32, #tpu.memory_space<vmem>> -> memref<1x8x50x64xf32, #tpu.memory_space<vmem>>
    %dma_start3A_638 = tpu.memref_squeeze %dma_start3A_637 : memref<1x8x50x64xf32, #tpu.memory_space<vmem>> -> memref<8x50x64xf32, #tpu.memory_space<vmem>>
    tpu.enqueue_dma source(%dma_start3A_638 : memref<8x50x64xf32, #tpu.memory_space<vmem>>) target(%dma_start3A_633 : memref<8x50x64xf32, #tpu.memory_space<hbm>>) target_semaphore(%arg10 : memref<!tpu.dma_semaphore, #tpu.memory_space<semaphore_mem>>)
    %add3A_639 = arith.constant 120 : i32
    %add3A_640 = arith.addi %mul3A_2, %add3A_639 : i32
    %dma_wait3A_641 = arith.constant 1 : i32
    %dma_wait3A_642 = arith.constant 0 : i32
    %dma_wait3A_643 = arith.constant 0 : i32
    %dma_wait3A_644 = arith.constant 0 : i32
    %dma_wait3A_645 = tpu.memref_slice %arg6[%dma_wait3A_641, %dma_wait3A_642, %dma_wait3A_643, %dma_wait3A_644] : memref<2x8x50x64xf32, #tpu.memory_space<vmem>> -> memref<1x8x50x64xf32, #tpu.memory_space<vmem>>
    %dma_wait3A_646 = tpu.memref_squeeze %dma_wait3A_645 : memref<1x8x50x64xf32, #tpu.memory_space<vmem>> -> memref<8x50x64xf32, #tpu.memory_space<vmem>>
    %dma_wait3A_647 = arith.constant 0 : i32
    %dma_wait3A_648 = arith.constant 0 : i32
    %dma_wait3A_649 = tpu.memref_slice %arg4[%add3A_640, %dma_wait3A_647, %dma_wait3A_648] : memref<4096x56x128xf32, #tpu.memory_space<hbm>> -> memref<8x50x64xf32, #tpu.memory_space<hbm>>
    %dma_wait3A_650 = arith.constant 0 : i32
    %dma_wait3A_651 = arith.constant 0 : i32
    %dma_wait3A_652 = tpu.memref_slice %arg4[%add3A_640, %dma_wait3A_650, %dma_wait3A_651] : memref<4096x56x128xf32, #tpu.memory_space<hbm>> -> memref<8x50x64xf32, #tpu.memory_space<hbm>>
    %dma_wait3A_653 = arith.constant 0 : i32
    %dma_wait3A_654 = arith.constant 0 : i32
    %dma_wait3A_655 = arith.constant 0 : i32
    %dma_wait3A_656 = tpu.memref_slice %arg6[%dma_wait3A_641, %dma_wait3A_653, %dma_wait3A_654, %dma_wait3A_655] : memref<2x8x50x64xf32, #tpu.memory_space<vmem>> -> memref<1x8x50x64xf32, #tpu.memory_space<vmem>>
    %dma_wait3A_657 = tpu.memref_squeeze %dma_wait3A_656 : memref<1x8x50x64xf32, #tpu.memory_space<vmem>> -> memref<8x50x64xf32, #tpu.memory_space<vmem>>
    tpu.wait_dma2 semaphore(%arg10 : memref<!tpu.dma_semaphore, #tpu.memory_space<semaphore_mem>>) src(%dma_wait3A_657 : memref<8x50x64xf32, #tpu.memory_space<vmem>>) dst(%dma_wait3A_652 : memref<8x50x64xf32, #tpu.memory_space<hbm>>)
    return
  }
}

</mosaic_0001>

<sc_bundles>
// kernel: kernel.3.cloned.1.call-start
scs
__scs_entry_jumppad:
0x0: {  	(pc) =	sbr.rel $0x88, $3  }
0x1: {  	(tag) =	ssettag $0x0;
	lr =	simm.s32 $0x1  }
0x2: {  	[smem:$0x3F9F] =	sst lr;
	_ =	strace $0xD0000000  }
0x3: {  	_ = 	snop  }
0x4: {  	_ = 	snop  }
0x5: {  	_ = 	snop  }
0x6: {  	_ = 	snop  }
0x7: {  	_ = 	snop  }
__scs_overlays_trampoline_lowered:
0x8: {  	[smem:$0x3FAE] =	sst s0  }
0x9: {  	[smem:$0x3FAF] =	sst s1  }
0xa: {  	[smem:$0x3FB0] =	sst s2  }
0xb: {  	[smem:$0x3FB1] =	sst s3  }
0xc: {  	[smem:$0x3FB2] =	sst s4  }
0xd: {  	[smem:$0x3FB3] =	sst s5  }
0xe: {  	[smem:$0x3FB4] =	sst s6  }
0xf: {  	[smem:$0x3FB5] =	sst s7  }
0x10: {  	[smem:$0x3FB6] =	sst s8  }
0x11: {  	[smem:$0x3FB7] =	sst s9;
	s0 =	simm.s32 @!p0 $0x0  }
0x12: {  	s1 =	sld [smem:$0x3F9D];
	s0 =	simm.s32 @p0 $0x1  }
0x13: {  	[smem:$0x3FB8] =	sst s0;
	s0 =	simm.s32 @!p1 $0x0  }
0x14: {  	s2 =	sld [smem:$0x3F9C];
	s0 =	simm.s32 @p1 $0x1  }
0x15: {  	[smem:$0x3FB9] =	sst s0;
	s0 =	simm.s32 @!p2 $0x0  }
0x16: {  	s3 =	sld [smem:$0x3FDB];
	s0 =	simm.s32 @p2 $0x1  }
0x17: {  	s4 =	simm.s32 $0x1BF5;
	[smem:$0x3FBB] =	sst s0  }
0x18: {  	s0 =	sld [smem:$0x3F9E];
	_ =	swait.ge [sflag:s4], $0x0  }
0x19: {  	s7 =	sld [smem:$0x3F9F]  }
0x1a: {  	s8 =	sadd.s32 $0xFFFFE003, lr  }
0x1b: {  	s9 =	sadd.s32 $0xFFFFFEF7, lr;
	s5 =	simm.s32 $0xFFFFFFFF;
	p2 =	slt.u32 s8, $0xFFFFF086  }
0x1c: {  	p1 =	slt.u32 s9, $0xF7A;
	s5 =	simm.s32 @!p2 $0x0  }
0x1d: {  	s5 =	simm.s32 @p1 $0x1;
	p0 =	seq.s32 s7, s2  }
0x1e: {  	s7 =	smul.u32 @!p0 $0xF7A, s2;
	p2 =	seq.s32 @!p0 s5, $0x0  }
0x1f: {  	s9 =	smul.u32 $0xF7A, s1;
	s8 =	simm.s32 @!p0 $0x1BF5;
	p2 =	por !p2, p0  }
0x20: {  	[sflag:s8] =	ssyncset.s32 @!p0 $0xFFFFF086;
	s6 =	sadd.s32 @!p0 s3, s7;
	s7 =	simm.s32 @!p0 $0x108  }
0x21: {  	s3 =	sadd.s32 s3, s9;
	s6 =	sadd.s32 @!p0 $0x88, s6;
	s7 =	simm.s32 @p2 $0x1082  }
0x22: {  	[simem:s7], [sflag:s8] =	dma.local @!p0 [hbm:s6], $0xF7A  }
0x23: {  	s9 =	sor.u32 $0xD0000000, s2;
	s6 =	simm.s32 $0x108;
	_ =	swait.ge @!p0 [sflag:s8], $0x0  }
0x24: {  	s3 =	sadd.s32 $0x88, s3;
	s6 =	simm.s32 @!p1 $0x1082;
	[sflag:s4] =	ssyncset.s32 $0xFFFFF086  }
0x25: {  	[simem:s6], [sflag:s4] =	dma.local [hbm:s3], $0xF7A  }
0x26: {  	[smem:$0x3F9F] =	sst s1;
	(tag) =	ssettag s2;
	_ =	strace s9  }
0x27: {  	s1 =	sld [smem:$0x3FAF]  }
0x28: {  	s2 =	sld [smem:$0x3FB0]  }
0x29: {  	s4 =	sld [smem:$0x3FB2]  }
0x2a: {  	p0 =	seq.s32 s5, $0x0;
	s5 =	sld [smem:$0x3FB3]  }
0x2b: {  	s6 =	sld [smem:$0x3FB4]  }
0x2c: {  	s7 =	sld [smem:$0x3FB5]  }
0x2d: {  	s3 =	simm.s32 $0x108;
	s8 =	sld [smem:$0x3FB6]  }
0x2e: {  	s3 =	simm.s32 @!p0 $0x1082;
	s9 =	sld [smem:$0x3FB7]  }
0x2f: {  	lr =	sadd.s32 s0, s3;
	s0 =	sld [smem:$0x3FAE]  }
0x30: {  	s3 =	sld [smem:$0x3FB1]  }
0x31: {  	[smem:$0x3FBA] =	sst s10  }
0x32: {  	s10 =	sld [smem:$0x3FB8];
	_ =	sdelay $0x3  }
0x33: {  	p0 =	seq.s32 s10, $0x1;
	s10 =	sld [smem:$0x3FBA];
	_ =	sdelay $0x3  }
0x34: {  	[smem:$0x3FBA] =	sst s10  }
0x35: {  	s10 =	sld [smem:$0x3FB9];
	_ =	sdelay $0x3  }
0x36: {  	p1 =	seq.s32 s10, $0x1;
	s10 =	sld [smem:$0x3FBA];
	_ =	sdelay $0x3  }
0x37: {  	[smem:$0x3FBA] =	sst s10  }
0x38: {  	s10 =	sld [smem:$0x3FBB]  }
0x39: {  	_ = 	snop;
	(pc) =	sbr.ind lr, $3  }
0x3a: {  	_ = 	snop  }
0x3b: {  	_ = 	snop  }
0x3c: {  	p2 =	seq.s32 s10, $0x1;
	s10 =	sld [smem:$0x3FBA]  }
0x3d: {  	_ =	shalt  }
0x3e: {  	_ =	shalt  }
0x3f: {  	_ =	shalt  }
0x40: {  	_ =	shalt  }
0x41: {  	_ =	shalt  }
0x42: {  	_ =	shalt  }
0x43: {  	_ =	shalt  }
0x44: {  	_ =	shalt  }
0x45: {  	_ =	shalt  }
0x46: {  	_ =	shalt  }
0x47: {  	_ =	shalt  }
0x48: {  	_ =	shalt  }
0x49: {  	_ =	shalt  }
0x4a: {  	_ =	shalt  }
0x4b: {  	_ =	shalt  }
0x4c: {  	_ =	shalt  }
0x4d: {  	_ =	shalt  }
0x4e: {  	_ =	shalt  }
0x4f: {  	_ =	shalt  }
0x50: {  	_ =	shalt  }
0x51: {  	_ =	shalt  }
0x52: {  	_ =	shalt  }
0x53: {  	_ =	shalt  }
0x54: {  	_ =	shalt  }
0x55: {  	_ =	shalt  }
0x56: {  	_ =	shalt  }
0x57: {  	_ =	shalt  }
0x58: {  	_ =	shalt  }
0x59: {  	_ =	shalt  }
0x5a: {  	_ =	shalt  }
0x5b: {  	_ =	shalt  }
0x5c: {  	_ =	shalt  }
0x5d: {  	_ =	shalt  }
0x5e: {  	_ =	shalt  }
0x5f: {  	_ =	shalt  }
0x60: {  	_ =	shalt  }
0x61: {  	_ =	shalt  }
0x62: {  	_ =	shalt  }
0x63: {  	_ =	shalt  }
0x64: {  	_ =	shalt  }
0x65: {  	_ =	shalt  }
0x66: {  	_ =	shalt  }
0x67: {  	_ =	shalt  }
0x68: {  	_ =	shalt  }
0x69: {  	_ =	shalt  }
0x6a: {  	_ =	shalt  }
0x6b: {  	_ =	shalt  }
0x6c: {  	_ =	shalt  }
0x6d: {  	_ =	shalt  }
0x6e: {  	_ =	shalt  }
0x6f: {  	_ =	shalt  }
0x70: {  	_ =	shalt  }
0x71: {  	_ =	shalt  }
0x72: {  	_ =	shalt  }
0x73: {  	_ =	shalt  }
0x74: {  	_ =	shalt  }
0x75: {  	_ =	shalt  }
0x76: {  	_ =	shalt  }
0x77: {  	_ =	shalt  }
0x78: {  	_ =	shalt  }
0x79: {  	_ =	shalt  }
0x7a: {  	_ =	shalt  }
0x7b: {  	_ =	shalt  }
0x7c: {  	_ =	shalt  }
0x7d: {  	_ =	shalt  }
0x7e: {  	_ =	shalt  }
0x7f: {  	_ =	shalt  }
0x80: {  	_ =	shalt  }
0x81: {  	_ =	shalt  }
0x82: {  	_ =	shalt  }
0x83: {  	_ =	shalt  }
0x84: {  	_ =	shalt  }
0x85: {  	_ =	shalt  }
0x86: {  	_ =	shalt  }
0x87: {  	_ =	shalt  }
.Lfunc_end0:
.L_simem_size_0:
called_computation.1_lowered:
.L_overlay_start_0:
0x88: {  	s2 =	sld [smem:$0x3FD9]  }
0x89: {  	s3 =	sld [smem:$0x3FFE];
	_ =	sdelay $0x1  }
0x8a: {  	s1 =	srdreg.scid  }
0x8b: {  	s0 =	sand.u32 $0x1, s1  }
0x8c: {  	s16 =	sshll.u32 s0, $0xA;
	s2 =	sadd.s32 s3, s2  }
0x8d: {  	s2 =	sadd.s32 s2, s16  }
0x8e: {  	[smem:$0x3FC6] =	sst s2  }
0x8f: {  	_ = 	snop  }
0x90: {  	(tm) =	ssettm $0x1  }
0x91: {  	s17 =	sld [smem:$0x3FFB];
	_ =	sdelay $0x3  }
0x92: {  	_ =	strace s17  }
0x93: {  	s2 =	sld [smem:$0x3FFC];
	_ =	sdelay $0x3  }
0x94: {  	_ =	strace s2  }
0x95: {  	s2 =	sld [smem:$0x3FFD];
	_ =	sdelay $0x3  }
0x96: {  	_ =	strace s2  }
0x97: {  	_ =	strace $0x8FFFFFFF  }
0x98: {  	s18 =	sld [smem:$0x3FDB];
	_ =	sdelay $0x1  }
0x99: {  	s19 =	simm.s32 $_scs_section_size  }
0x9a: {  	s4 =	simm.s32 $_size__tile_overlayer_lowered;
	s5 =	simm.s32 $_tile_overlayer_lowered  }
0x9b: {  	s22 =	simm.s32 $0x1BFF;
	s21 =	sshll.u32 s5, $0x1;
	s2 =	sadd.s32 s19, s18  }
0x9c: {  	s6 =	simm.s32 $0x0;
	s20 =	sshll.u32 s4, $0x1;
	s4 =	sadd.s32 s21, s2  }
0x9d: {  	[timem:s6], [sflag:s22] =	dma.local [hbm:s4], s20  }
0x9e: {  	_ =	swait.ge [sflag:s22], s20  }
0x9f: {  	s3 =	ssub.s32 $0x0, s20;
	[sflag:s22] =	ssyncset.done $0x0  }
0xa0: {  	[sflag:s22] =	ssyncadd.s32 s3;
	_ =	sdelay $0x1  }
0xa1: {  	s23 =	simm.s32 $0x1B8B  }
0xa2: {  	_ =	swait.ge [sflag:s23], $0x1  }
0xa3: {  	[sflag:s23] =	ssyncset.done $0x0  }
0xa4: {  	s25 =	simm.s32 $0x1B8E;
	s24 =	sld [smem:$0x3FFE];
	[sflag:s23] =	ssyncadd.s32 $0xFFFFFFFF  }
0xa5: {  	s26 =	simm.s32 $execute0_lowered;
	[smem:$0x3FD2] =	sst s25  }
0xa6: {  	s4 =	sshll.u32 s26, $0x1;
	_ =	strace $0x80000046;
	[dreg:$0x1] =	wrdreg $0xFFFFFFFF  }
0xa7: {  	s28 =	simm.s32 $_size_execute0_lowered;
	s2 =	sadd.s32 s2, s4;
	[dreg:$0x0] =	wrdreg $0x0  }
0xa8: {  	s4 =	sshll.u32 s28, $0x1;
	[dreg:$0x2] =	wrdreg s2  }
0xa9: {  	[dreg:$0x3] =	wrdreg s4  }
0xaa: {  	[dreg:$0x4] =	wrdreg $0xC0  }
0xab: {  	_ =	task [dreg:s6], $0x5FFFF  }
0xac: {  	[dreg:$0x1] =	wrdreg $0xFFFFFFFF  }
0xad: {  	[dreg:$0x0] =	wrdreg $0x60  }
0xae: {  	[dreg:$0x2] =	wrdreg s24  }
0xaf: {  	[dreg:$0x3] =	wrdreg $0x9  }
0xb0: {  	_ =	task.clear_ibuf [dreg:s6], $0x4FFFF;
	_ =	strace $0x90000046  }
0xb1: {  	s29 =	simm.s32 $0x9;
	_ =	strace $0x80000048  }
0xb2: {  	_ =	swait.ge [sflag:s29], $0x1  }
0xb3: {  	[sflag:s29] =	ssyncadd.s32 $0xFFFFFFFF  }
0xb4: {  	_ =	strace $0x90000048  }
0xb5: {  	_ =	sfence  }
0xb6: {  	s30 =	sld [smem:$0x0];
	_ =	sdelay $0x2  }
0xb7: {  	s31 =	sshll.u32 s1, $0xD;
	s1 =	sshrl.u32 s1, $0x2  }
0xb8: {  	s3 =	sand.u32 $0x4000, s31;
	s1 =	sadd.s32 s1, s30  }
0xb9: {  	s0 =	sor.u32 s3, s0;
	s1 =	sshll.u32 s1, $0x11  }
0xba: {  	s0 =	sor.u32 s1, s0  }
0xbb: {  	s0 =	sadd.s32 $0x8F2B, s0  }
0xbc: {  	[sflag:s0] =	ssyncadd.remote.s32 $0x1  }
0xbd: {  	_ =	sfence.sel $0xFFFF  }
0xbe: {  	[dreg:$0x0] =	wrdreg $0xFFFFFFFF;
	(pc) =	sbr.abs _section_cstart, $3  }
0xbf: {  	[dreg:$0x1] =	wrdreg $0xFFFFFFFF  }
0xc0: {  	_ =	task.clear_ibuf [dreg:s6], $0x2FFFF;
	_ =	strace $0x9FFFFFFF  }
0xc1: {  	(tm) =	ssettm $0x7FFFFFFF  }
tec
execute0_lowered:
.L_overlay_start_1:
0x0: {  	(tag) =	ssettag $0x1  }
0x1: {  	s0 =	srdreg.scid;
	s8 =	stileid.u32  }
0x2: {  	s4 =	rddreg [dreg:$0x0];
	s3 =	simm.s32 $0x0;
	s10 =	simm.s32 $0x32  }
0x3: {  	s11 =	simm.s32 $0x1C00;
	s13 =	simm.s32 $0x2880;
	s15 =	simm.s32 $0x3500  }
0x4: {  	s17 =	simm.s32 $0x4180;
	s19 =	simm.s32 $0x4E00;
	s21 =	simm.s32 $0x5A80  }
0x5: {  	s23 =	simm.s32 $0x6700;
	s28 =	simm.s32 $0x8000;
	s30 =	simm.s32 $0x8C80  }
0x6: {  	s12 =	simm.s32 $0xA580;
	s16 =	simm.s32 $0xB200;
	s20 =	simm.s32 $0xBE80  }
0x7: {  	s24 =	simm.s32 $0xCB00;
	s29 =	simm.s32 $0xD780;
	s31 =	simm.s32 $0x1  }
0x8: {  	s14 =	simm.s32 $0x80;
	s18 =	simm.s32 $0x3;
	s0 =	sand.u32 $0x1, s0  }
0x9: {  	s1 =	sshll.u32 s8, $0x8;
	s8 =	smul.u32 $0x38000, s8;
	s2 =	sshll.u32 s0, $0x7  }
0xa: {  	s6 =	ssub.s32 $0x2, s0;
	s0 =	smul.u32 $0x1C000, s0;
	s1 =	sor.u32 s2, s1  }
0xb: {  	s22 =	simm.s32 $0x2;
	[smem:$0x7FF] =	sst s3;
	s2 =	smul.u32 $0x7, s1  }
0xc: {  	s3 =	sadd.s32 $0x7800, s4;
	s7 =	sshrl.u32 s6, $0x1;
	s5 =	smul.u32 $0x380, s1  }
0xd: {  	_ =	strace $0x80000047;
	s1 =	smul.u32 $0x1C00, s1;
	s7 =	ssub.s32 s6, s7  }
0xe: {  	s26 =	smax.u32 s7, $0x1;
	s2 =	sadd.s32 s2, s4;
	s4 =	sadd.s32 $0xCAE00, s4  }
0xf: {  	s1 =	sshrl.u32 s1, $0x3;
	[dreg:$0x3] =	wrdreg s26;
	s26 =	simm.s32 $0x4  }
0x10: {  	s2 =	sadd.s32 $0x800, s2;
	s1 =	sadd.s32 s4, s1;
	s25 =	sadd.s32 s8, s4  }
0x11: {  	s5 =	sadd.s32 s4, s5;
	s4 =	simm.s32 $0x0;
	[dreg:$0x2] =	wrdreg s2  }
0x12: {  	s6 =	sadd.s32 $0x1A400, s1;
	s0 =	sadd.s32 s0, s25;
	s25 =	simm.s32 $0x7380  }
0x13: {  	s1 =	simm.s32 $0x9900;
	s8 =	sadd.s32 $0x1C00, s0;
	s0 =	simm.s32 $0x40  }
.LBB2_1:
0x14: {  	[dreg:$0x4] =	wrdreg s4  }
0x15: {  	s2 =	simm.s32 $0x0;
	s9 =	rddreg [dreg:$0x2];
	s7 =	simm.s32 $0x5  }
0x16: {  	[tilespmem:s2], [sflag:$0x5] =	stream.linear.gather [hbm4b:s9+s2], $0x1C00, $0x38;
	[tilespmem:$0xE400] =	vst v63  }
0x17: {  	_ =	swait.ge [sflag:s7], $0x1C00  }
0x18: {  	[sflag:s7] =	ssyncset.done $0x0  }
0x19: {  	[sflag:s7] =	ssyncadd.s32 $0xFFFFE400  }
0x1a: {  	[tilespmem:s11], [sflag:$0x1] =	stream.indirect.gather [hbm4b:s3+s10], $0x40, s2, s10, $0xb8;
	[tilespmem:$0xE400] =	vst v63  }
0x1b: {  	s9 =	simm.s32 $0x38  }
0x1c: {  	[tilespmem:s13], [sflag:$0x1] =	stream.indirect.gather [hbm4b:s3+s10], $0x40, s9, s10, $0xb8;
	[tilespmem:$0xE400] =	vst v63  }
0x1d: {  	s4 =	simm.s32 $0x70  }
0x1e: {  	[tilespmem:s15], [sflag:$0x1] =	stream.indirect.gather [hbm4b:s3+s10], $0x40, s4, s10, $0xb8;
	[tilespmem:$0xE400] =	vst v63  }
0x1f: {  	s7 =	simm.s32 $0xA8  }
0x20: {  	[tilespmem:s17], [sflag:$0x1] =	stream.indirect.gather [hbm4b:s3+s10], $0x40, s7, s10, $0xb8;
	[tilespmem:$0xE400] =	vst v63  }
0x21: {  	s9 =	simm.s32 $0xE0  }
0x22: {  	[tilespmem:s19], [sflag:$0x1] =	stream.indirect.gather [hbm4b:s3+s10], $0x40, s9, s10, $0xb8;
	[tilespmem:$0xE400] =	vst v63  }
0x23: {  	s4 =	simm.s32 $0x118  }
0x24: {  	[tilespmem:s21], [sflag:$0x1] =	stream.indirect.gather [hbm4b:s3+s10], $0x40, s4, s10, $0xb8;
	[tilespmem:$0xE400] =	vst v63  }
0x25: {  	s7 =	simm.s32 $0x150  }
0x26: {  	[tilespmem:s23], [sflag:$0x1] =	stream.indirect.gather [hbm4b:s3+s10], $0x40, s7, s10, $0xb8;
	[tilespmem:$0xE400] =	vst v63  }
0x27: {  	s9 =	simm.s32 $0x188  }
0x28: {  	[tilespmem:s25], [sflag:$0x1] =	stream.indirect.gather [hbm4b:s3+s10], $0x40, s9, s10, $0xb8;
	[tilespmem:$0xE400] =	vst v63  }
0x29: {  	s4 =	simm.s32 $0x1C0  }
0x2a: {  	[tilespmem:s28], [sflag:$0x2] =	stream.indirect.gather [hbm4b:s3+s10], $0x40, s4, s10, $0xb8;
	[tilespmem:$0xE400] =	vst v63  }
0x2b: {  	s7 =	simm.s32 $0x1F8  }
0x2c: {  	[tilespmem:s30], [sflag:$0x2] =	stream.indirect.gather [hbm4b:s3+s10], $0x40, s7, s10, $0xb8;
	[tilespmem:$0xE400] =	vst v63  }
0x2d: {  	s9 =	simm.s32 $0x230  }
0x2e: {  	[tilespmem:s1], [sflag:$0x2] =	stream.indirect.gather [hbm4b:s3+s10], $0x40, s9, s10, $0xb8;
	[tilespmem:$0xE400] =	vst v63  }
0x2f: {  	s4 =	simm.s32 $0x268  }
0x30: {  	[tilespmem:s12], [sflag:$0x2] =	stream.indirect.gather [hbm4b:s3+s10], $0x40, s4, s10, $0xb8;
	[tilespmem:$0xE400] =	vst v63  }
0x31: {  	s7 =	simm.s32 $0x2A0  }
0x32: {  	[tilespmem:s16], [sflag:$0x2] =	stream.indirect.gather [hbm4b:s3+s10], $0x40, s7, s10, $0xb8;
	[tilespmem:$0xE400] =	vst v63  }
0x33: {  	s9 =	simm.s32 $0x2D8  }
0x34: {  	[tilespmem:s20], [sflag:$0x2] =	stream.indirect.gather [hbm4b:s3+s10], $0x40, s9, s10, $0xb8;
	[tilespmem:$0xE400] =	vst v63  }
0x35: {  	s4 =	simm.s32 $0x310  }
0x36: {  	[tilespmem:s24], [sflag:$0x2] =	stream.indirect.gather [hbm4b:s3+s10], $0x40, s4, s10, $0xb8;
	[tilespmem:$0xE400] =	vst v63  }
0x37: {  	s7 =	simm.s32 $0x348  }
0x38: {  	[tilespmem:s29], [sflag:$0x2] =	stream.indirect.gather [hbm4b:s3+s10], $0x40, s7, s10, $0xb8;
	[tilespmem:$0xE400] =	vst v63  }
0x39: {  	_ =	swait.ge [sflag:s31], $0xC80  }
0x3a: {  	[sflag:s31] =	ssyncset.done $0x0  }
0x3b: {  	[sflag:s31] =	ssyncadd.s32 $0xFFFFF380  }
0x3c: {  	_ =	swait.ge [sflag:s31], $0xC80  }
0x3d: {  	[sflag:s31] =	ssyncset.done $0x0  }
0x3e: {  	[sflag:s31] =	ssyncadd.s32 $0xFFFFF380  }
0x3f: {  	_ =	swait.ge [sflag:s31], $0xC80  }
0x40: {  	[sflag:s31] =	ssyncset.done $0x0  }
0x41: {  	[sflag:s31] =	ssyncadd.s32 $0xFFFFF380  }
0x42: {  	_ =	swait.ge [sflag:s31], $0xC80  }
0x43: {  	[sflag:s31] =	ssyncset.done $0x0  }
0x44: {  	[sflag:s31] =	ssyncadd.s32 $0xFFFFF380  }
0x45: {  	_ =	swait.ge [sflag:s31], $0xC80  }
0x46: {  	[sflag:s31] =	ssyncset.done $0x0  }
0x47: {  	[sflag:s31] =	ssyncadd.s32 $0xFFFFF380  }
0x48: {  	_ =	swait.ge [sflag:s31], $0xC80  }
0x49: {  	[sflag:s31] =	ssyncset.done $0x0  }
0x4a: {  	[sflag:s31] =	ssyncadd.s32 $0xFFFFF380  }
0x4b: {  	_ =	swait.ge [sflag:s31], $0xC80  }
0x4c: {  	[sflag:s31] =	ssyncset.done $0x0  }
0x4d: {  	[sflag:s31] =	ssyncadd.s32 $0xFFFFF380  }
0x4e: {  	_ =	swait.ge [sflag:s31], $0xC80  }
0x4f: {  	[sflag:s31] =	ssyncset.done $0x0  }
0x50: {  	[sflag:s31] =	ssyncadd.s32 $0xFFFFF380  }
0x51: {  	[hbm4b:s5+s0] =	stream.strided.scatter [tilespmem:s11], [sflag:$0x3], $0xC80, s14, s0, $0x38;
	[tilespmem:$0xE400] =	vst v63  }
0x52: {  	s9 =	sadd.s32 $0x380, s5  }
0x53: {  	[hbm4b:s9+s0] =	stream.strided.scatter [tilespmem:s13], [sflag:$0x3], $0xC80, s14, s0, $0x38;
	[tilespmem:$0xE400] =	vst v63  }
0x54: {  	s2 =	sadd.s32 $0x700, s5  }
0x55: {  	[hbm4b:s2+s0] =	stream.strided.scatter [tilespmem:s15], [sflag:$0x3], $0xC80, s14, s0, $0x38;
	[tilespmem:$0xE400] =	vst v63  }
0x56: {  	s7 =	sadd.s32 $0xA80, s5  }
0x57: {  	[hbm4b:s7+s0] =	stream.strided.scatter [tilespmem:s17], [sflag:$0x3], $0xC80, s14, s0, $0x38;
	[tilespmem:$0xE400] =	vst v63  }
0x58: {  	s9 =	sadd.s32 $0xE00, s5  }
0x59: {  	[hbm4b:s9+s0] =	stream.strided.scatter [tilespmem:s19], [sflag:$0x3], $0xC80, s14, s0, $0x38;
	[tilespmem:$0xE400] =	vst v63  }
0x5a: {  	s2 =	sadd.s32 $0x1180, s5  }
0x5b: {  	[hbm4b:s2+s0] =	stream.strided.scatter [tilespmem:s21], [sflag:$0x3], $0xC80, s14, s0, $0x38;
	[tilespmem:$0xE400] =	vst v63  }
0x5c: {  	s7 =	sadd.s32 $0x1500, s5  }
0x5d: {  	[hbm4b:s7+s0] =	stream.strided.scatter [tilespmem:s23], [sflag:$0x3], $0xC80, s14, s0, $0x38;
	[tilespmem:$0xE400] =	vst v63  }
0x5e: {  	s9 =	sadd.s32 $0x1880, s5  }
0x5f: {  	[hbm4b:s9+s0] =	stream.strided.scatter [tilespmem:s25], [sflag:$0x3], $0xC80, s14, s0, $0x38;
	[tilespmem:$0xE400] =	vst v63  }
0x60: {  	_ =	swait.ge [sflag:s18], $0x6400  }
0x61: {  	[sflag:s18] =	ssyncset.done $0x0  }
0x62: {  	s2 =	simm.s32 $0x380;
	[sflag:s18] =	ssyncadd.s32 $0xFFFF9C00  }
0x63: {  	[tilespmem:s11], [sflag:$0x1] =	stream.indirect.gather [hbm4b:s3+s10], $0x40, s2, s10, $0xb8;
	[tilespmem:$0xE400] =	vst v63  }
0x64: {  	s7 =	simm.s32 $0x3B8  }
0x65: {  	[tilespmem:s13], [sflag:$0x1] =	stream.indirect.gather [hbm4b:s3+s10], $0x40, s7, s10, $0xb8;
	[tilespmem:$0xE400] =	vst v63  }
0x66: {  	s9 =	simm.s32 $0x3F0  }
0x67: {  	[tilespmem:s15], [sflag:$0x1] =	stream.indirect.gather [hbm4b:s3+s10], $0x40, s9, s10, $0xb8;
	[tilespmem:$0xE400] =	vst v63  }
0x68: {  	s2 =	simm.s32 $0x428  }
0x69: {  	[tilespmem:s17], [sflag:$0x1] =	stream.indirect.gather [hbm4b:s3+s10], $0x40, s2, s10, $0xb8;
	[tilespmem:$0xE400] =	vst v63  }
0x6a: {  	s7 =	simm.s32 $0x460  }
0x6b: {  	[tilespmem:s19], [sflag:$0x1] =	stream.indirect.gather [hbm4b:s3+s10], $0x40, s7, s10, $0xb8;
	[tilespmem:$0xE400] =	vst v63  }
0x6c: {  	s9 =	simm.s32 $0x498  }
0x6d: {  	[tilespmem:s21], [sflag:$0x1] =	stream.indirect.gather [hbm4b:s3+s10], $0x40, s9, s10, $0xb8;
	[tilespmem:$0xE400] =	vst v63  }
0x6e: {  	s2 =	simm.s32 $0x4D0  }
0x6f: {  	[tilespmem:s23], [sflag:$0x1] =	stream.indirect.gather [hbm4b:s3+s10], $0x40, s2, s10, $0xb8;
	[tilespmem:$0xE400] =	vst v63  }
0x70: {  	s7 =	simm.s32 $0x508  }
0x71: {  	[tilespmem:s25], [sflag:$0x1] =	stream.indirect.gather [hbm4b:s3+s10], $0x40, s7, s10, $0xb8;
	[tilespmem:$0xE400] =	vst v63  }
0x72: {  	_ =	swait.ge [sflag:s22], $0xC80  }
0x73: {  	[sflag:s22] =	ssyncset.done $0x0  }
0x74: {  	[sflag:s22] =	ssyncadd.s32 $0xFFFFF380  }
0x75: {  	_ =	swait.ge [sflag:s22], $0xC80  }
0x76: {  	[sflag:s22] =	ssyncset.done $0x0  }
0x77: {  	[sflag:s22] =	ssyncadd.s32 $0xFFFFF380  }
0x78: {  	_ =	swait.ge [sflag:s22], $0xC80  }
0x79: {  	[sflag:s22] =	ssyncset.done $0x0  }
0x7a: {  	[sflag:s22] =	ssyncadd.s32 $0xFFFFF380  }
0x7b: {  	_ =	swait.ge [sflag:s22], $0xC80  }
0x7c: {  	[sflag:s22] =	ssyncset.done $0x0  }
0x7d: {  	[sflag:s22] =	ssyncadd.s32 $0xFFFFF380  }
0x7e: {  	_ =	swait.ge [sflag:s22], $0xC80  }
0x7f: {  	[sflag:s22] =	ssyncset.done $0x0  }
0x80: {  	[sflag:s22] =	ssyncadd.s32 $0xFFFFF380  }
0x81: {  	_ =	swait.ge [sflag:s22], $0xC80  }
0x82: {  	[sflag:s22] =	ssyncset.done $0x0  }
0x83: {  	[sflag:s22] =	ssyncadd.s32 $0xFFFFF380  }
0x84: {  	_ =	swait.ge [sflag:s22], $0xC80  }
0x85: {  	[sflag:s22] =	ssyncset.done $0x0  }
0x86: {  	[sflag:s22] =	ssyncadd.s32 $0xFFFFF380  }
0x87: {  	_ =	swait.ge [sflag:s22], $0xC80  }
0x88: {  	[sflag:s22] =	ssyncset.done $0x0  }
0x89: {  	[sflag:s22] =	ssyncadd.s32 $0xFFFFF380  }
0x8a: {  	[hbm4b:s8+s0] =	stream.strided.scatter [tilespmem:s28], [sflag:$0x4], $0xC80, s14, s0, $0x38;
	[tilespmem:$0xE400] =	vst v63  }
0x8b: {  	s9 =	sadd.s32 $0x380, s8  }
0x8c: {  	[hbm4b:s9+s0] =	stream.strided.scatter [tilespmem:s30], [sflag:$0x4], $0xC80, s14, s0, $0x38;
	[tilespmem:$0xE400] =	vst v63  }
0x8d: {  	s2 =	sadd.s32 $0x700, s8  }
0x8e: {  	[hbm4b:s2+s0] =	stream.strided.scatter [tilespmem:s1], [sflag:$0x4], $0xC80, s14, s0, $0x38;
	[tilespmem:$0xE400] =	vst v63  }
0x8f: {  	s7 =	sadd.s32 $0xA80, s8  }
0x90: {  	[hbm4b:s7+s0] =	stream.strided.scatter [tilespmem:s12], [sflag:$0x4], $0xC80, s14, s0, $0x38;
	[tilespmem:$0xE400] =	vst v63  }
0x91: {  	s9 =	sadd.s32 $0xE00, s8  }
0x92: {  	[hbm4b:s9+s0] =	stream.strided.scatter [tilespmem:s16], [sflag:$0x4], $0xC80, s14, s0, $0x38;
	[tilespmem:$0xE400] =	vst v63  }
0x93: {  	s2 =	sadd.s32 $0x1180, s8  }
0x94: {  	[hbm4b:s2+s0] =	stream.strided.scatter [tilespmem:s20], [sflag:$0x4], $0xC80, s14, s0, $0x38;
	[tilespmem:$0xE400] =	vst v63  }
0x95: {  	s7 =	sadd.s32 $0x1500, s8  }
0x96: {  	[hbm4b:s7+s0] =	stream.strided.scatter [tilespmem:s24], [sflag:$0x4], $0xC80, s14, s0, $0x38;
	[tilespmem:$0xE400] =	vst v63  }
0x97: {  	s9 =	sadd.s32 $0x1880, s8  }
0x98: {  	[hbm4b:s9+s0] =	stream.strided.scatter [tilespmem:s29], [sflag:$0x4], $0xC80, s14, s0, $0x38;
	[tilespmem:$0xE400] =	vst v63  }
0x99: {  	_ =	swait.ge [sflag:s26], $0x6400  }
0x9a: {  	[sflag:s26] =	ssyncset.done $0x0  }
0x9b: {  	s2 =	simm.s32 $0x540;
	[sflag:s26] =	ssyncadd.s32 $0xFFFF9C00  }
0x9c: {  	[tilespmem:s28], [sflag:$0x2] =	stream.indirect.gather [hbm4b:s3+s10], $0x40, s2, s10, $0xb8;
	[tilespmem:$0xE400] =	vst v63  }
0x9d: {  	s7 =	simm.s32 $0x578  }
0x9e: {  	[tilespmem:s30], [sflag:$0x2] =	stream.indirect.gather [hbm4b:s3+s10], $0x40, s7, s10, $0xb8;
	[tilespmem:$0xE400] =	vst v63  }
0x9f: {  	s9 =	simm.s32 $0x5B0  }
0xa0: {  	[tilespmem:s1], [sflag:$0x2] =	stream.indirect.gather [hbm4b:s3+s10], $0x40, s9, s10, $0xb8;
	[tilespmem:$0xE400] =	vst v63  }
0xa1: {  	s2 =	simm.s32 $0x5E8  }
0xa2: {  	[tilespmem:s12], [sflag:$0x2] =	stream.indirect.gather [hbm4b:s3+s10], $0x40, s2, s10, $0xb8;
	[tilespmem:$0xE400] =	vst v63  }
0xa3: {  	s7 =	simm.s32 $0x620  }
0xa4: {  	[tilespmem:s16], [sflag:$0x2] =	stream.indirect.gather [hbm4b:s3+s10], $0x40, s7, s10, $0xb8;
	[tilespmem:$0xE400] =	vst v63  }
0xa5: {  	s9 =	simm.s32 $0x658  }
0xa6: {  	[tilespmem:s20], [sflag:$0x2] =	stream.indirect.gather [hbm4b:s3+s10], $0x40, s9, s10, $0xb8;
	[tilespmem:$0xE400] =	vst v63  }
0xa7: {  	s2 =	simm.s32 $0x690  }
0xa8: {  	[tilespmem:s24], [sflag:$0x2] =	stream.indirect.gather [hbm4b:s3+s10], $0x40, s2, s10, $0xb8;
	[tilespmem:$0xE400] =	vst v63  }
0xa9: {  	s7 =	simm.s32 $0x6C8  }
0xaa: {  	[tilespmem:s29], [sflag:$0x2] =	stream.indirect.gather [hbm4b:s3+s10], $0x40, s7, s10, $0xb8;
	[tilespmem:$0xE400] =	vst v63  }
0xab: {  	_ =	swait.ge [sflag:s31], $0xC80  }
0xac: {  	[sflag:s31] =	ssyncset.done $0x0  }
0xad: {  	[sflag:s31] =	ssyncadd.s32 $0xFFFFF380  }
0xae: {  	_ =	swait.ge [sflag:s31], $0xC80  }
0xaf: {  	[sflag:s31] =	ssyncset.done $0x0  }
0xb0: {  	[sflag:s31] =	ssyncadd.s32 $0xFFFFF380  }
0xb1: {  	_ =	swait.ge [sflag:s31], $0xC80  }
0xb2: {  	[sflag:s31] =	ssyncset.done $0x0  }
0xb3: {  	[sflag:s31] =	ssyncadd.s32 $0xFFFFF380  }
0xb4: {  	_ =	swait.ge [sflag:s31], $0xC80  }
0xb5: {  	[sflag:s31] =	ssyncset.done $0x0  }
0xb6: {  	[sflag:s31] =	ssyncadd.s32 $0xFFFFF380  }
0xb7: {  	_ =	swait.ge [sflag:s31], $0xC80  }
0xb8: {  	[sflag:s31] =	ssyncset.done $0x0  }
0xb9: {  	[sflag:s31] =	ssyncadd.s32 $0xFFFFF380  }
0xba: {  	_ =	swait.ge [sflag:s31], $0xC80  }
0xbb: {  	[sflag:s31] =	ssyncset.done $0x0  }
0xbc: {  	[sflag:s31] =	ssyncadd.s32 $0xFFFFF380  }
0xbd: {  	_ =	swait.ge [sflag:s31], $0xC80  }
0xbe: {  	[sflag:s31] =	ssyncset.done $0x0  }
0xbf: {  	[sflag:s31] =	ssyncadd.s32 $0xFFFFF380  }
0xc0: {  	_ =	swait.ge [sflag:s31], $0xC80  }
0xc1: {  	[sflag:s31] =	ssyncset.done $0x0  }
0xc2: {  	s9 =	sadd.s32 $0x1C00, s8;
	[sflag:s31] =	ssyncadd.s32 $0xFFFFF380  }
0xc3: {  	[hbm4b:s9+s0] =	stream.strided.scatter [tilespmem:s11], [sflag:$0x3], $0xC80, s14, s0, $0x38;
	[tilespmem:$0xE400] =	vst v63  }
0xc4: {  	s2 =	sadd.s32 $0x1F80, s8  }
0xc5: {  	[hbm4b:s2+s0] =	stream.strided.scatter [tilespmem:s13], [sflag:$0x3], $0xC80, s14, s0, $0x38;
	[tilespmem:$0xE400] =	vst v63  }
0xc6: {  	s7 =	sadd.s32 $0x2300, s8  }
0xc7: {  	[hbm4b:s7+s0] =	stream.strided.scatter [tilespmem:s15], [sflag:$0x3], $0xC80, s14, s0, $0x38;
	[tilespmem:$0xE400] =	vst v63  }
0xc8: {  	s9 =	sadd.s32 $0x2680, s8  }
0xc9: {  	[hbm4b:s9+s0] =	stream.strided.scatter [tilespmem:s17], [sflag:$0x3], $0xC80, s14, s0, $0x38;
	[tilespmem:$0xE400] =	vst v63  }
0xca: {  	s2 =	sadd.s32 $0x2A00, s8  }
0xcb: {  	[hbm4b:s2+s0] =	stream.strided.scatter [tilespmem:s19], [sflag:$0x3], $0xC80, s14, s0, $0x38;
	[tilespmem:$0xE400] =	vst v63  }
0xcc: {  	s7 =	sadd.s32 $0x2D80, s8  }
0xcd: {  	[hbm4b:s7+s0] =	stream.strided.scatter [tilespmem:s21], [sflag:$0x3], $0xC80, s14, s0, $0x38;
	[tilespmem:$0xE400] =	vst v63  }
0xce: {  	s9 =	sadd.s32 $0x3100, s8  }
0xcf: {  	[hbm4b:s9+s0] =	stream.strided.scatter [tilespmem:s23], [sflag:$0x3], $0xC80, s14, s0, $0x38;
	[tilespmem:$0xE400] =	vst v63  }
0xd0: {  	s4 =	simm.s32 $0xE00;
	s7 =	sadd.s32 $0x3800, s8;
	s9 =	sadd.s32 $0x3480, s8  }
.LBB2_2:
0xd1: {  	[hbm4b:s9+s0] =	stream.strided.scatter [tilespmem:s25], [sflag:$0x3], $0xC80, s14, s0, $0x38;
	[tilespmem:$0xE400] =	vst v63  }
0xd2: {  	s9 =	smov.u32 s4  }
0xd3: {  	p0 =	sne.s32 s4, $0x5400;
	s4 =	sadd.s32 $0xE00, s4;
	_ =	swait.ge [sflag:s18], $0x6400  }
0xd4: {  	s9 =	sshra.s32 s9, $0x2;
	[sflag:s18] =	ssyncset.done $0x0  }
0xd5: {  	s2 =	sadd.s32 $0x380, s9;
	[sflag:s18] =	ssyncadd.s32 $0xFFFF9C00  }
0xd6: {  	[tilespmem:s11], [sflag:$0x1] =	stream.indirect.gather [hbm4b:s3+s10], $0x40, s2, s10, $0xb8;
	[tilespmem:$0xE400] =	vst v63  }
0xd7: {  	s2 =	sadd.s32 $0x3B8, s9  }
0xd8: {  	[tilespmem:s13], [sflag:$0x1] =	stream.indirect.gather [hbm4b:s3+s10], $0x40, s2, s10, $0xb8;
	[tilespmem:$0xE400] =	vst v63  }
0xd9: {  	s2 =	sadd.s32 $0x3F0, s9  }
0xda: {  	[tilespmem:s15], [sflag:$0x1] =	stream.indirect.gather [hbm4b:s3+s10], $0x40, s2, s10, $0xb8;
	[tilespmem:$0xE400] =	vst v63  }
0xdb: {  	s2 =	sadd.s32 $0x428, s9  }
0xdc: {  	[tilespmem:s17], [sflag:$0x1] =	stream.indirect.gather [hbm4b:s3+s10], $0x40, s2, s10, $0xb8;
	[tilespmem:$0xE400] =	vst v63  }
0xdd: {  	s2 =	sadd.s32 $0x460, s9  }
0xde: {  	[tilespmem:s19], [sflag:$0x1] =	stream.indirect.gather [hbm4b:s3+s10], $0x40, s2, s10, $0xb8;
	[tilespmem:$0xE400] =	vst v63  }
0xdf: {  	s2 =	sadd.s32 $0x498, s9  }
0xe0: {  	[tilespmem:s21], [sflag:$0x1] =	stream.indirect.gather [hbm4b:s3+s10], $0x40, s2, s10, $0xb8;
	[tilespmem:$0xE400] =	vst v63  }
0xe1: {  	s2 =	sadd.s32 $0x4D0, s9  }
0xe2: {  	[tilespmem:s23], [sflag:$0x1] =	stream.indirect.gather [hbm4b:s3+s10], $0x40, s2, s10, $0xb8;
	[tilespmem:$0xE400] =	vst v63  }
0xe3: {  	s2 =	sadd.s32 $0x508, s9  }
0xe4: {  	[tilespmem:s25], [sflag:$0x1] =	stream.indirect.gather [hbm4b:s3+s10], $0x40, s2, s10, $0xb8;
	[tilespmem:$0xE400] =	vst v63  }
0xe5: {  	_ =	swait.ge [sflag:s22], $0xC80  }
0xe6: {  	[sflag:s22] =	ssyncset.done $0x0  }
0xe7: {  	[sflag:s22] =	ssyncadd.s32 $0xFFFFF380  }
0xe8: {  	_ =	swait.ge [sflag:s22], $0xC80  }
0xe9: {  	[sflag:s22] =	ssyncset.done $0x0  }
0xea: {  	[sflag:s22] =	ssyncadd.s32 $0xFFFFF380  }
0xeb: {  	_ =	swait.ge [sflag:s22], $0xC80  }
0xec: {  	[sflag:s22] =	ssyncset.done $0x0  }
0xed: {  	[sflag:s22] =	ssyncadd.s32 $0xFFFFF380  }
0xee: {  	_ =	swait.ge [sflag:s22], $0xC80  }
0xef: {  	[sflag:s22] =	ssyncset.done $0x0  }
0xf0: {  	[sflag:s22] =	ssyncadd.s32 $0xFFFFF380  }
0xf1: {  	_ =	swait.ge [sflag:s22], $0xC80  }
0xf2: {  	[sflag:s22] =	ssyncset.done $0x0  }
0xf3: {  	[sflag:s22] =	ssyncadd.s32 $0xFFFFF380  }
0xf4: {  	_ =	swait.ge [sflag:s22], $0xC80  }
0xf5: {  	[sflag:s22] =	ssyncset.done $0x0  }
0xf6: {  	[sflag:s22] =	ssyncadd.s32 $0xFFFFF380  }
0xf7: {  	_ =	swait.ge [sflag:s22], $0xC80  }
0xf8: {  	[sflag:s22] =	ssyncset.done $0x0  }
0xf9: {  	[sflag:s22] =	ssyncadd.s32 $0xFFFFF380  }
0xfa: {  	_ =	swait.ge [sflag:s22], $0xC80  }
0xfb: {  	[sflag:s22] =	ssyncset.done $0x0  }
0xfc: {  	[sflag:s22] =	ssyncadd.s32 $0xFFFFF380  }
0xfd: {  	[hbm4b:s7+s0] =	stream.strided.scatter [tilespmem:s28], [sflag:$0x4], $0xC80, s14, s0, $0x38;
	[tilespmem:$0xE400] =	vst v63  }
0xfe: {  	s2 =	sadd.s32 $0x380, s7  }
0xff: {  	[hbm4b:s2+s0] =	stream.strided.scatter [tilespmem:s30], [sflag:$0x4], $0xC80, s14, s0, $0x38;
	[tilespmem:$0xE400] =	vst v63  }
0x100: {  	s2 =	sadd.s32 $0x700, s7  }
0x101: {  	[hbm4b:s2+s0] =	stream.strided.scatter [tilespmem:s1], [sflag:$0x4], $0xC80, s14, s0, $0x38;
	[tilespmem:$0xE400] =	vst v63  }
0x102: {  	s2 =	sadd.s32 $0xA80, s7  }
0x103: {  	[hbm4b:s2+s0] =	stream.strided.scatter [tilespmem:s12], [sflag:$0x4], $0xC80, s14, s0, $0x38;
	[tilespmem:$0xE400] =	vst v63  }
0x104: {  	s2 =	sadd.s32 $0xE00, s7  }
0x105: {  	[hbm4b:s2+s0] =	stream.strided.scatter [tilespmem:s16], [sflag:$0x4], $0xC80, s14, s0, $0x38;
	[tilespmem:$0xE400] =	vst v63  }
0x106: {  	s2 =	sadd.s32 $0x1180, s7  }
0x107: {  	[hbm4b:s2+s0] =	stream.strided.scatter [tilespmem:s20], [sflag:$0x4], $0xC80, s14, s0, $0x38;
	[tilespmem:$0xE400] =	vst v63  }
0x108: {  	s2 =	sadd.s32 $0x1500, s7  }
0x109: {  	[hbm4b:s2+s0] =	stream.strided.scatter [tilespmem:s24], [sflag:$0x4], $0xC80, s14, s0, $0x38;
	[tilespmem:$0xE400] =	vst v63  }
0x10a: {  	s2 =	sadd.s32 $0x1880, s7  }
0x10b: {  	[hbm4b:s2+s0] =	stream.strided.scatter [tilespmem:s29], [sflag:$0x4], $0xC80, s14, s0, $0x38;
	[tilespmem:$0xE400] =	vst v63  }
0x10c: {  	_ =	swait.ge [sflag:s26], $0x6400  }
0x10d: {  	[sflag:s26] =	ssyncset.done $0x0  }
0x10e: {  	s2 =	sadd.s32 $0x540, s9;
	[sflag:s26] =	ssyncadd.s32 $0xFFFF9C00  }
0x10f: {  	[tilespmem:s28], [sflag:$0x2] =	stream.indirect.gather [hbm4b:s3+s10], $0x40, s2, s10, $0xb8;
	[tilespmem:$0xE400] =	vst v63  }
0x110: {  	s2 =	sadd.s32 $0x578, s9  }
0x111: {  	[tilespmem:s30], [sflag:$0x2] =	stream.indirect.gather [hbm4b:s3+s10], $0x40, s2, s10, $0xb8;
	[tilespmem:$0xE400] =	vst v63  }
0x112: {  	s2 =	sadd.s32 $0x5B0, s9  }
0x113: {  	[tilespmem:s1], [sflag:$0x2] =	stream.indirect.gather [hbm4b:s3+s10], $0x40, s2, s10, $0xb8;
	[tilespmem:$0xE400] =	vst v63  }
0x114: {  	s2 =	sadd.s32 $0x5E8, s9  }
0x115: {  	[tilespmem:s12], [sflag:$0x2] =	stream.indirect.gather [hbm4b:s3+s10], $0x40, s2, s10, $0xb8;
	[tilespmem:$0xE400] =	vst v63  }
0x116: {  	s2 =	sadd.s32 $0x620, s9  }
0x117: {  	[tilespmem:s16], [sflag:$0x2] =	stream.indirect.gather [hbm4b:s3+s10], $0x40, s2, s10, $0xb8;
	[tilespmem:$0xE400] =	vst v63  }
0x118: {  	s2 =	sadd.s32 $0x658, s9  }
0x119: {  	[tilespmem:s20], [sflag:$0x2] =	stream.indirect.gather [hbm4b:s3+s10], $0x40, s2, s10, $0xb8;
	[tilespmem:$0xE400] =	vst v63  }
0x11a: {  	s2 =	sadd.s32 $0x690, s9  }
0x11b: {  	[tilespmem:s24], [sflag:$0x2] =	stream.indirect.gather [hbm4b:s3+s10], $0x40, s2, s10, $0xb8;
	[tilespmem:$0xE400] =	vst v63  }
0x11c: {  	s2 =	sadd.s32 $0x6C8, s9  }
0x11d: {  	[tilespmem:s29], [sflag:$0x2] =	stream.indirect.gather [hbm4b:s3+s10], $0x40, s2, s10, $0xb8;
	[tilespmem:$0xE400] =	vst v63  }
0x11e: {  	_ =	swait.ge [sflag:s31], $0xC80  }
0x11f: {  	[sflag:s31] =	ssyncset.done $0x0  }
0x120: {  	[sflag:s31] =	ssyncadd.s32 $0xFFFFF380  }
0x121: {  	_ =	swait.ge [sflag:s31], $0xC80  }
0x122: {  	[sflag:s31] =	ssyncset.done $0x0  }
0x123: {  	[sflag:s31] =	ssyncadd.s32 $0xFFFFF380  }
0x124: {  	_ =	swait.ge [sflag:s31], $0xC80  }
0x125: {  	[sflag:s31] =	ssyncset.done $0x0  }
0x126: {  	[sflag:s31] =	ssyncadd.s32 $0xFFFFF380  }
0x127: {  	_ =	swait.ge [sflag:s31], $0xC80  }
0x128: {  	[sflag:s31] =	ssyncset.done $0x0  }
0x129: {  	[sflag:s31] =	ssyncadd.s32 $0xFFFFF380  }
0x12a: {  	_ =	swait.ge [sflag:s31], $0xC80  }
0x12b: {  	[sflag:s31] =	ssyncset.done $0x0  }
0x12c: {  	[sflag:s31] =	ssyncadd.s32 $0xFFFFF380  }
0x12d: {  	_ =	swait.ge [sflag:s31], $0xC80  }
0x12e: {  	[sflag:s31] =	ssyncset.done $0x0  }
0x12f: {  	[sflag:s31] =	ssyncadd.s32 $0xFFFFF380  }
0x130: {  	_ =	swait.ge [sflag:s31], $0xC80  }
0x131: {  	[sflag:s31] =	ssyncset.done $0x0  }
0x132: {  	[sflag:s31] =	ssyncadd.s32 $0xFFFFF380  }
0x133: {  	_ =	swait.ge [sflag:s31], $0xC80  }
0x134: {  	[sflag:s31] =	ssyncset.done $0x0  }
0x135: {  	s2 =	sadd.s32 $0x1C00, s7;
	[sflag:s31] =	ssyncadd.s32 $0xFFFFF380  }
0x136: {  	[hbm4b:s2+s0] =	stream.strided.scatter [tilespmem:s11], [sflag:$0x3], $0xC80, s14, s0, $0x38;
	[tilespmem:$0xE400] =	vst v63  }
0x137: {  	s2 =	sadd.s32 $0x1F80, s7  }
0x138: {  	[hbm4b:s2+s0] =	stream.strided.scatter [tilespmem:s13], [sflag:$0x3], $0xC80, s14, s0, $0x38;
	[tilespmem:$0xE400] =	vst v63  }
0x139: {  	s2 =	sadd.s32 $0x2300, s7  }
0x13a: {  	[hbm4b:s2+s0] =	stream.strided.scatter [tilespmem:s15], [sflag:$0x3], $0xC80, s14, s0, $0x38;
	[tilespmem:$0xE400] =	vst v63  }
0x13b: {  	s2 =	sadd.s32 $0x2680, s7  }
0x13c: {  	[hbm4b:s2+s0] =	stream.strided.scatter [tilespmem:s17], [sflag:$0x3], $0xC80, s14, s0, $0x38;
	[tilespmem:$0xE400] =	vst v63  }
0x13d: {  	s2 =	sadd.s32 $0x2A00, s7  }
0x13e: {  	[hbm4b:s2+s0] =	stream.strided.scatter [tilespmem:s19], [sflag:$0x3], $0xC80, s14, s0, $0x38;
	[tilespmem:$0xE400] =	vst v63  }
.Ltmp0:
0x13f: {  	s2 =	sadd.s32 $0x2D80, s7;
	(pc) =	sbr.rel @p0 .LBB2_2-.Ltmp0, $4  }
0x140: {  	[hbm4b:s2+s0] =	stream.strided.scatter [tilespmem:s21], [sflag:$0x3], $0xC80, s14, s0, $0x38;
	[tilespmem:$0xE400] =	vst v63  }
0x141: {  	s2 =	sadd.s32 $0x3100, s7  }
0x142: {  	[hbm4b:s2+s0] =	stream.strided.scatter [tilespmem:s23], [sflag:$0x3], $0xC80, s14, s0, $0x38;
	[tilespmem:$0xE400] =	vst v63  }
0x143: {  	s9 =	sadd.s32 $0x3480, s7;
	s7 =	sadd.s32 $0x3800, s7  }
0x144: {  	[hbm4b:s9+s0] =	stream.strided.scatter [tilespmem:s25], [sflag:$0x3], $0xC80, s14, s0, $0x38;
	[tilespmem:$0xE400] =	vst v63  }
0x145: {  	_ =	swait.ge [sflag:s18], $0x6400  }
0x146: {  	[sflag:s18] =	ssyncset.done $0x0  }
0x147: {  	[sflag:s18] =	ssyncadd.s32 $0xFFFF9C00  }
0x148: {  	_ =	swait.ge [sflag:s22], $0xC80  }
0x149: {  	[sflag:s22] =	ssyncset.done $0x0  }
0x14a: {  	[sflag:s22] =	ssyncadd.s32 $0xFFFFF380  }
0x14b: {  	_ =	swait.ge [sflag:s22], $0xC80  }
0x14c: {  	[sflag:s22] =	ssyncset.done $0x0  }
0x14d: {  	[sflag:s22] =	ssyncadd.s32 $0xFFFFF380  }
0x14e: {  	_ =	swait.ge [sflag:s22], $0xC80  }
0x14f: {  	[sflag:s22] =	ssyncset.done $0x0  }
0x150: {  	[sflag:s22] =	ssyncadd.s32 $0xFFFFF380  }
0x151: {  	_ =	swait.ge [sflag:s22], $0xC80  }
0x152: {  	[sflag:s22] =	ssyncset.done $0x0  }
0x153: {  	[sflag:s22] =	ssyncadd.s32 $0xFFFFF380  }
0x154: {  	_ =	swait.ge [sflag:s22], $0xC80  }
0x155: {  	[sflag:s22] =	ssyncset.done $0x0  }
0x156: {  	[sflag:s22] =	ssyncadd.s32 $0xFFFFF380  }
0x157: {  	_ =	swait.ge [sflag:s22], $0xC80  }
0x158: {  	[sflag:s22] =	ssyncset.done $0x0  }
0x159: {  	[sflag:s22] =	ssyncadd.s32 $0xFFFFF380  }
0x15a: {  	_ =	swait.ge [sflag:s22], $0xC80  }
0x15b: {  	[sflag:s22] =	ssyncset.done $0x0  }
0x15c: {  	[sflag:s22] =	ssyncadd.s32 $0xFFFFF380  }
0x15d: {  	_ =	swait.ge [sflag:s22], $0xC80  }
0x15e: {  	[sflag:s22] =	ssyncset.done $0x0  }
0x15f: {  	[sflag:s22] =	ssyncadd.s32 $0xFFFFF380  }
0x160: {  	[hbm4b:s6+s0] =	stream.strided.scatter [tilespmem:s28], [sflag:$0x4], $0xC80, s14, s0, $0x38;
	[tilespmem:$0xE400] =	vst v63  }
0x161: {  	s2 =	sadd.s32 $0x380, s6  }
0x162: {  	[hbm4b:s2+s0] =	stream.strided.scatter [tilespmem:s30], [sflag:$0x4], $0xC80, s14, s0, $0x38;
	[tilespmem:$0xE400] =	vst v63  }
0x163: {  	s9 =	sadd.s32 $0x700, s6  }
0x164: {  	[hbm4b:s9+s0] =	stream.strided.scatter [tilespmem:s1], [sflag:$0x4], $0xC80, s14, s0, $0x38;
	[tilespmem:$0xE400] =	vst v63  }
0x165: {  	s4 =	sadd.s32 $0xA80, s6  }
0x166: {  	[hbm4b:s4+s0] =	stream.strided.scatter [tilespmem:s12], [sflag:$0x4], $0xC80, s14, s0, $0x38;
	[tilespmem:$0xE400] =	vst v63  }
0x167: {  	s7 =	sadd.s32 $0xE00, s6  }
0x168: {  	[hbm4b:s7+s0] =	stream.strided.scatter [tilespmem:s16], [sflag:$0x4], $0xC80, s14, s0, $0x38;
	[tilespmem:$0xE400] =	vst v63  }
0x169: {  	s9 =	sadd.s32 $0x1180, s6  }
0x16a: {  	[hbm4b:s9+s0] =	stream.strided.scatter [tilespmem:s20], [sflag:$0x4], $0xC80, s14, s0, $0x38;
	[tilespmem:$0xE400] =	vst v63  }
0x16b: {  	s4 =	sadd.s32 $0x1500, s6  }
0x16c: {  	[hbm4b:s4+s0] =	stream.strided.scatter [tilespmem:s24], [sflag:$0x4], $0xC80, s14, s0, $0x38;
	[tilespmem:$0xE400] =	vst v63  }
0x16d: {  	s7 =	sadd.s32 $0x1880, s6  }
0x16e: {  	[hbm4b:s7+s0] =	stream.strided.scatter [tilespmem:s29], [sflag:$0x4], $0xC80, s14, s0, $0x38;
	[tilespmem:$0xE400] =	vst v63  }
0x16f: {  	_ =	swait.ge [sflag:s26], $0x6400  }
0x170: {  	s4 =	rddreg [dreg:$0x4]  }
0x171: {  	s9 =	rddreg [dreg:$0x3];
	s4 =	sadd.s32 $0x1, s4  }
0x172: {  	p0 =	sne.s32 s4, s9  }
.Ltmp1:
0x173: {  	_ = 	snop;
	(pc) =	sbr.rel @p0 .LBB2_1-.Ltmp1, $3  }
0x174: {  	_ =	sdelay $0x1  }
0x175: {  	[sflag:s26] =	ssyncset.done $0x0  }
0x176: {  	[sflag:s26] =	ssyncadd.s32 $0xFFFF9C00  }
0x177: {  	_ =	sfence.sel $0x180000  }
0x178: {  	[bflag:$0x0] =	sbarrier.arrive $0xFFFF  }
0x179: {  	_ =	strace $0x90000047  }
0x17a: {  	s0 =	stileid.u32;
	[bflag:$0x2] =	sbarrier.arrive $0xFFFF  }
0x17b: {  	p0 =	sne.s32 s0, $0x0;
	s0 =	rddreg [dreg:$0x1]  }
0x17c: {  	s0 =	sadd.s32 @!p0 $0x100000, s0  }
0x17d: {  	[sflag:s0] =	ssyncadd.tile.s32 @!p0 $0x1;
	_ =	shalt  }
.Lfunc_end2:
_tile_overlayer_lowered:
.L_overlay_start_2:
0x17e: {  	(tag) =	ssettag $0x2  }
0x17f: {  	s0 =	rddreg [dreg:$0x0];
	s2 =	stileid.u32  }
0x180: {  	s1 =	rddreg [dreg:$0x1];
	p0 =	sne.s32 s2, $0x0  }
0x181: {  	s3 =	rddreg [dreg:$0x2];
	[bflag:$0x3] =	sbarrier.arrive $0xFFFF;
	s2 =	simm.s32 @!p0 $0x1C05  }
0x182: {  	[timem:s3], [sflag:s2] =	dma.local @!p0 [hbm:s0], s1  }
0x183: {  	s0 =	simm.s32 @!p0 $0x5  }
0x184: {  	_ =	swait.ge @!p0 [sflag:s0], s1  }
0x185: {  	s1 =	ssub.s32 @!p0 $0x0, s1;
	[sflag:s0] =	ssyncset.done @!p0 $0x0  }
0x186: {  	[sflag:s0] =	ssyncadd.s32 @!p0 s1  }
0x187: {  	[bflag:$0x3] =	sbarrier.arrive $0xFFFF  }
0x188: {  	_ =	shalt  }

// kernel: sparse-core-data-format-call.cloned.1.call-start
scs
called_computation_lowered:
.L_overlay_start_0:
0x0: {  	s2 =	sld [smem:$0x3FD9]  }
0x1: {  	s3 =	sld [smem:$0x3FFE];
	_ =	sdelay $0x1  }
0x2: {  	s1 =	srdreg.scid  }
0x3: {  	s0 =	sand.u32 $0x1, s1  }
0x4: {  	s18 =	sshll.u32 s0, $0xA;
	s2 =	sadd.s32 s3, s2  }
0x5: {  	s2 =	sadd.s32 s2, s18  }
0x6: {  	[smem:$0x3FC6] =	sst s2  }
0x7: {  	_ = 	snop  }
0x8: {  	s2 =	sld [smem:$0x3FD0];
	(tm) =	ssettm $0x1  }
0x9: {  	s19 =	sld [smem:$0x3FFB];
	_ =	sdelay $0x3  }
0xa: {  	_ =	strace s19  }
0xb: {  	s3 =	sld [smem:$0x3FFC];
	_ =	sdelay $0x3  }
0xc: {  	_ =	strace s3  }
0xd: {  	s3 =	sld [smem:$0x3FFD];
	_ =	sdelay $0x3  }
0xe: {  	_ =	strace s3  }
0xf: {  	_ =	strace $0x8FFFFFFF  }
0x10: {  	s20 =	sld [smem:$0x3FDB];
	_ =	sdelay $0x1  }
0x11: {  	s4 =	simm.s32 $_scs_section_size  }
0x12: {  	s5 =	simm.s32 $_size__tile_overlayer_lowered;
	s6 =	simm.s32 $_tile_overlayer_lowered  }
0x13: {  	s23 =	simm.s32 $0x1BFF;
	s22 =	sshll.u32 s6, $0x1;
	s3 =	sadd.s32 s4, s20  }
0x14: {  	s7 =	simm.s32 $0x0;
	s21 =	sshll.u32 s5, $0x1;
	s5 =	sadd.s32 s22, s3  }
0x15: {  	[timem:s7], [sflag:s23] =	dma.local [hbm:s5], s21  }
0x16: {  	_ =	swait.ge [sflag:s23], s21  }
0x17: {  	s4 =	ssub.s32 $0x0, s21;
	[sflag:s23] =	ssyncset.done $0x0  }
0x18: {  	[sflag:s23] =	ssyncadd.s32 s4;
	_ =	sdelay $0x1  }
0x19: {  	s24 =	simm.s32 $0x1B8B  }
0x1a: {  	_ =	swait.ge [sflag:s24], $0x1  }
0x1b: {  	[sflag:s24] =	ssyncset.done $0x0  }
0x1c: {  	s26 =	simm.s32 $0x1B8E;
	s25 =	sld [smem:$0x3FFE];
	[sflag:s24] =	ssyncadd.s32 $0xFFFFFFFF  }
0x1d: {  	s27 =	simm.s32 $execute0_lowered;
	[smem:$0x3FD2] =	sst s26  }
0x1e: {  	s5 =	sshll.u32 s27, $0x1;
	_ =	strace $0x80000049;
	[dreg:$0x1] =	wrdreg $0xFFFFFFFF  }
0x1f: {  	s28 =	simm.s32 $_size_execute0_lowered;
	s3 =	sadd.s32 s3, s5;
	[dreg:$0x0] =	wrdreg $0x0  }
0x20: {  	s5 =	sshll.u32 s28, $0x1;
	[dreg:$0x2] =	wrdreg s3  }
0x21: {  	[dreg:$0x3] =	wrdreg s5  }
0x22: {  	[dreg:$0x4] =	wrdreg $0xC0  }
0x23: {  	_ =	task [dreg:s7], $0x5FFFF  }
0x24: {  	[dreg:$0x1] =	wrdreg $0xFFFFFFFF  }
0x25: {  	[dreg:$0x0] =	wrdreg $0x60  }
0x26: {  	[dreg:$0x2] =	wrdreg s25  }
0x27: {  	[dreg:$0x3] =	wrdreg s2  }
0x28: {  	[dreg:$0x4] =	wrdreg $0x9  }
0x29: {  	_ =	task.clear_ibuf [dreg:s7], $0x5FFFF;
	_ =	strace $0x90000049  }
0x2a: {  	s29 =	simm.s32 $0x9;
	_ =	strace $0x8000004B  }
0x2b: {  	_ =	swait.ge [sflag:s29], $0x1  }
0x2c: {  	[sflag:s29] =	ssyncadd.s32 $0xFFFFFFFF  }
0x2d: {  	_ =	strace $0x9000004B  }
0x2e: {  	_ =	sfence  }
0x2f: {  	s30 =	sld [smem:$0x0];
	_ =	sdelay $0x2  }
0x30: {  	s31 =	sshll.u32 s1, $0xD;
	s1 =	sshrl.u32 s1, $0x2  }
0x31: {  	s3 =	sand.u32 $0x4000, s31;
	s1 =	sadd.s32 s1, s30  }
0x32: {  	s0 =	sor.u32 s3, s0;
	s1 =	sshll.u32 s1, $0x11  }
0x33: {  	s0 =	sor.u32 s1, s0  }
0x34: {  	s0 =	sadd.s32 $0x8F2B, s0  }
0x35: {  	[sflag:s0] =	ssyncadd.remote.s32 $0x1  }
0x36: {  	_ =	sfence.sel $0xFFFF  }
0x37: {  	[dreg:$0x0] =	wrdreg $0xFFFFFFFF;
	(pc) =	sbr.abs _section_cstart, $3  }
0x38: {  	[dreg:$0x1] =	wrdreg $0xFFFFFFFF  }
0x39: {  	_ =	task.clear_ibuf [dreg:s7], $0x2FFFF;
	_ =	strace $0x9FFFFFFF  }
0x3a: {  	(tm) =	ssettm $0x7FFFFFFF  }
0x3b: {  	_ =	shalt  }
tec
execute0_lowered:
.L_overlay_start_1:
0x0: {  	(tag) =	ssettag $0x1  }
0x1: {  	s0 =	srdreg.scid  }
0x2: {  	s1 =	sshll.u32 s0, $0x4  }
0x3: {  	s0 =	stileid.u32;
	s1 =	sand.u32 $0x10, s1  }
0x4: {  	s1 =	sor.u32 s0, s1  }
0x5: {  	s6 =	rddreg [dreg:$0x0];
	s4 =	simm.s32 $0x1;
	s2 =	sshll.u32 s1, $0x7  }
0x6: {  	s7 =	simm.s32 $0x2;
	s12 =	simm.s32 $0x0;
	s1 =	ssub.s32 $0x1000, s2  }
0x7: {  	s8 =	simm.s32 $0x8000;
	s13 =	simm.s32 $0x0;
	s3 =	sand.u32 $0xF80, s1  }
0x8: {  	s9 =	simm.s32 $0x0;
	s5 =	sshrl.u32 s1, $0xC;
	p0 =	sne.s32 s3, $0x0  }
.Ltmp0:
0x9: {  	s1 =	rddreg [dreg:$0x2];
	s4 =	simm.s32 @!p0 $0x0;
	(pc) =	sbr.rel .LBB1_1-.Ltmp0, $4  }
0xa: {  	s11 =	simm.s32 $0x0;
	s3 =	rddreg [dreg:$0x1];
	s5 =	sadd.s32 s4, s5  }
0xb: {  	_ =	strace $0x8000004A;
	s4 =	simm.s32 $0x1;
	s5 =	smul.u32 $0x32, s5  }
0xc: {  	s6 =	sadd.s32 $0xCAE00, s6;
	s10 =	smov.u32 s2;
	[sflag:s4] =	ssyncpa.u1 $0x0  }
0xd: {  	p0 =	por $0x0, $0x0;
	[sflag:s7] =	ssyncpa.u1 $0x0;
	s7 =	sor.u32 $0x1, s5  }
.LBB1_4:
0xe: {  	s16 =	sshll.u32 s13, $0x3;
	s17 =	sand.u32 $0x78, s13  }
0xf: {  	s30 =	sand.u32 $0x7E00, s13;
	s12 =	sshll.u32 s12, $0xF;
	s16 =	sand.u32 $0xC00, s16  }
0x10: {  	[tilespmem:s15+$0x810 ss:$0x81] =	vst.msk $0xffff, v2;
	s31 =	sand.u32 $0x7, s13;
	s16 =	sor.u32 s17, s16;
	s17 =	sadd.s32 s3, s30  }
0x11: {  	[tilespmem:s15+$0x1020 ss:$0x81] =	vst.msk $0xffff, v0;
	s13 =	sshll.u32 s31, $0x12;
	s12 =	sadd.s32 s12, s17;
	s16 =	sshrl.u32 s16, $0x3  }
0x12: {  	[tilespmem:s15+$0x0 ss:$0x81] =	vst.msk $0xffff, v1;
	s13 =	sor.u32 $0x400, s13;
	s12 =	sadd.s32 s16, s12  }
0x13: {  	[hbm4b:s12+s13] =	stream.strided.scatter [tilespmem:s14], [sflag:$0x2], $0x2000, s8, s13, $0x20;
	[tilespmem:$0x8080] =	vst v63  }
.LBB1_5:
0x14: {  	s14 =	sadd.s32 $0x1, s9  }
0x15: {  	s12 =	sadd.s32 $0x1000, s10;
	s16 =	smov.u32 s10;
	p2 =	sgt.s32 s14, $0x31  }
0x16: {  	s16 =	smov.u32 @p2 s12  }
0x17: {  	s14 =	simm.s32 @p2 $0x0;
	p2 =	sgt.s32 s16, $0xFFF  }
0x18: {  	s16 =	smov.u32 @p2 s2;
	p2 =	sne.s32 s11, s7  }
.Ltmp1:
0x19: {  	p1 =	slt.u32 s11, $0x2;
	(pc) =	sbr.rel @!p2 .LBB1_6-.Ltmp1, $4  }
0x1a: {  	s15 =	simm.s32 @!p1 $0x2  }
0x1b: {  	s13 =	smov.u32 s10;
	p0 =	por !p0, !p0;
	_ =	swait.ge @!p1 [sflag:s15], $0x2000  }
0x1c: {  	s12 =	smov.u32 s9;
	[sflag:s15] =	ssyncset.done @!p1 $0x0;
	s9 =	smov.u32 s14  }
0x1d: {  	s11 =	sadd.s32 $0x1, s11;
	[sflag:s15] =	ssyncadd.s32 @!p1 $0xFFFFE000;
	s10 =	smov.u32 s16  }
.LBB1_1:
0x1e: {  	p1 =	sge.u32 s11, s5  }
0x1f: {  	s14 =	sand.u32 @!p1 $0x1FFFFFF, s9  }
0x20: {  	s15 =	smulhi.u32 @!p1 $0x4924925, s14;
	_ =	sdelay $0x1  }
0x21: {  	s15 =	smul.u32 @!p1 $0x38, s15  }
0x22: {  	s16 =	sxor.u32 @!p1 $0xFFFFFFFF, s11;
	s17 =	smul.u32 @!p1 $0x380, s10  }
0x23: {  	s31 =	sadd.s32 $0xFFFFFFFF, s11;
	s16 =	sshll.u32 @!p1 s16, $0xD;
	s14 =	ssub.s32 @!p1 s14, s15  }
0x24: {  	s15 =	sand.u32 @!p1 $0x2000, s16;
	s16 =	sadd.s32 @!p1 s6, s17;
	s14 =	sshll.u32 @!p1 s14, $0x4  }
0x25: {  	s17 =	simm.s32 @!p1 $0x1C00;
	s14 =	sadd.s32 @!p1 s14, s16;
	s16 =	simm.s32 @!p1 $0x40  }
0x26: {  	[tilespmem:s15], [sflag:$0x1] =	stream.strided.gather @!p1 [hbm4b:s14+s16], $0x2000, s17, s16, $0x38;
	[tilespmem:$0x8080] =	vst v63  }
0x27: {  	p1 =	sge.u32 s31, s5  }
.Ltmp2:
0x28: {  	_ = 	snop;
	(pc) =	sbr.rel @p1 .LBB1_5-.Ltmp2, $1  }
0x29: {  	_ =	sdelay $0x3  }
0x2a: {  	s14 =	simm.s32 $0x1  }
0x2b: {  	_ =	swait.ge [sflag:s4], $0x2000;
	s14 =	simm.s32 @!p0 $0x0  }
0x2c: {  	[sflag:s4] =	ssyncset.done $0x0;
	s15 =	sshll.u32 s14, $0xD  }
0x2d: {  	[sflag:s4] =	ssyncadd.s32 $0xFFFFE000;
	s18 =	sor.u32 $0x20, s15  }
0x2e: {  	s14 =	smul.u32 $0x8100, s14;
	v3 =	vld [tilespmem:s18+$0x10]  }
0x2f: {  	s30 =	sand.u32 $0x1, s11;
	v2 =	vld [tilespmem:s18+$0xFFFFFFF0]  }
0x30: {  	s15 =	smul.u32 $0x8100, s30;
	s14 =	sshrl.u32 s14, $0x2;
	v0 =	vld [tilespmem:s18+$0x0]  }
0x31: {  	v1 =	vld [tilespmem:s18+$0xFFFFFFE0];
	s16 =	sor.u32 $0x4000, s14  }
0x32: {  	s31 =	sshrl.u32 s15, $0x2;
	s15 =	sadd.s32 $0x0, s16  }
0x33: {  	s17 =	simm.s32 $0x4;
	s18 =	sadd.s32 $0x40, s18;
	s14 =	sor.u32 $0x4000, s31;
	[tilespmem:s15+$0x1830 ss:$0x81] =	vst.msk $0xffff, v3  }
.LBB1_3:
0x34: {  	v3 =	vld [tilespmem:s18+$0x10];
	p1 =	sne.s32 s17, $0x1FC;
	[tilespmem:s15+$0x810 ss:$0x81] =	vst.msk $0xffff, v2;
	s19 =	smov.u32 s17;
	s17 =	sadd.s32 $0x4, s17  }
.Ltmp3:
0x35: {  	v2 =	vld [tilespmem:s18+$0xFFFFFFF0];
	[tilespmem:s15+$0x1020 ss:$0x81] =	vst.msk $0xffff, v0;
	(pc) =	sbr.rel @p1 .LBB1_3-.Ltmp3, $4  }
0x36: {  	v0 =	vld [tilespmem:s18+$0x0];
	[tilespmem:s15+$0x0 ss:$0x81] =	vst.msk $0xffff, v1  }
0x37: {  	s15 =	sshra.s32 s19, $0x2;
	v1 =	vld [tilespmem:s18+$0xFFFFFFE0]  }
0x38: {  	s15 =	sadd.s32 s15, s16  }
0x39: {  	s18 =	sadd.s32 $0x40, s18;
	[tilespmem:s15+$0x1830 ss:$0x81] =	vst.msk $0xffff, v3  }
.Ltmp4:
0x3a: {  	_ = 	snop;
	(pc) =	sbr.rel .LBB1_4-.Ltmp4, $1  }
0x3b: {  	_ =	sdelay $0x3  }
.LBB1_6:
0x3c: {  	_ =	sfence.sel $0x180000  }
0x3d: {  	s2 =	simm.s32 $0x1;
	[bflag:$0x0] =	sbarrier.arrive $0xFFFF  }
0x3e: {  	s31 =	simm.s32 $0x2;
	[sflag:s2] =	ssyncpa.u1 $0x1  }
0x3f: {  	[sflag:s31] =	ssyncpa.u1 $0x1  }
0x40: {  	p0 =	sne.s32 s0, $0x0;
	_ =	strace $0x9000004A  }
0x41: {  	s0 =	sadd.s32 @!p0 $0x100000, s1;
	[bflag:$0x2] =	sbarrier.arrive $0xFFFF  }
0x42: {  	[sflag:s0] =	ssyncadd.tile.s32 @!p0 $0x1;
	_ =	shalt  }
.Lfunc_end1:
_tile_overlayer_lowered:
.L_overlay_start_2:
0x43: {  	(tag) =	ssettag $0x2  }
0x44: {  	s0 =	rddreg [dreg:$0x0];
	s2 =	stileid.u32  }
0x45: {  	s1 =	rddreg [dreg:$0x1];
	p0 =	sne.s32 s2, $0x0  }
0x46: {  	s3 =	rddreg [dreg:$0x2];
	[bflag:$0x3] =	sbarrier.arrive $0xFFFF;
	s2 =	simm.s32 @!p0 $0x1C01  }
0x47: {  	[timem:s3], [sflag:s2] =	dma.local @!p0 [hbm:s0], s1  }
0x48: {  	s0 =	simm.s32 @!p0 $0x1  }
0x49: {  	_ =	swait.ge @!p0 [sflag:s0], s1  }
0x4a: {  	s1 =	ssub.s32 @!p0 $0x0, s1;
	[sflag:s0] =	ssyncset.done @!p0 $0x0  }
0x4b: {  	[sflag:s0] =	ssyncadd.s32 @!p0 s1  }
0x4c: {  	[bflag:$0x3] =	sbarrier.arrive $0xFFFF  }
0x4d: {  	_ =	shalt  }

</sc_bundles>
